<compile_context>
chip_gen: v7x
topology: tpu7x:2x2x1
jax: 0.10.2.dev20260603
libtpu: 0.0.44.dev20260713+nightly
codegen_flags: <defaults>
</compile_context>

<pallas_src>
import functools

import jax
import jax.numpy as jnp
from jax import lax
from jax.experimental import pallas as pl
from jax.experimental.pallas import tpu as pltpu
from jax.experimental.pallas import tpu_sc as plsc

NC = 2
NS = 16
CHUNK = 64
DW = 16
NBUF = 4
SHIFT = 14


def _sc_scatter(n_pad, d, rows_per_tile, steps_per_tile):
    row_chunks = rows_per_tile // CHUNK
    mesh = plsc.VectorSubcoreMesh(core_axis_name="c", subcore_axis_name="s")

    @functools.partial(
        pl.kernel,
        mesh=mesh,
        compiler_params=pltpu.CompilerParams(use_tc_tiling_on_sc=False,
                                             needs_layout_passes=False),
        out_type=[
            jax.ShapeDtypeStruct((NC * n_pad, d), jnp.float32),
            jax.ShapeDtypeStruct((NC * n_pad,), jnp.float32),
        ],
        scratch_types=[
            pltpu.VMEM_SHARED((n_pad, d), jnp.float32),
            pltpu.VMEM_SHARED((n_pad, DW), jnp.float32),
            [pltpu.VMEM((CHUNK,), jnp.int32)] * NBUF,
            [pltpu.VMEM((CHUNK,), jnp.int32)] * NBUF,
            [pltpu.VMEM((CHUNK,), jnp.int32)] * NBUF,
            [pltpu.VMEM((CHUNK, d), jnp.float32)] * NBUF,
            pltpu.VMEM((CHUNK, DW), jnp.float32),
            pltpu.VMEM((rows_per_tile,), jnp.float32),
            [pltpu.SemaphoreType.DMA] * NBUF,
            [pltpu.SemaphoreType.DMA] * NBUF,
            [pltpu.SemaphoreType.DMA] * NBUF,
            [pltpu.SemaphoreType.DMA] * NBUF,
        ],
    )
    def sc_kernel(x_hbm, packed_hbm, z_hbm, z16_hbm, ones_hbm,
                  psum_hbm, pdeg_hbm,
                  acc, dacc, pidx, sidx, didx, rows, onesb, degc,
                  isem, gsem, ssem, dsem):
        c = lax.axis_index("c")
        s = lax.axis_index("s")
        t = c * NS + s
        row0 = s * rows_per_tile

        cbase = t * steps_per_tile
        last = steps_per_tile - 1
        pltpu.sync_copy(z_hbm, rows[0])
        pltpu.sync_copy(z16_hbm, onesb)
        zcps = []
        for j in range(row_chunks):
            zcps.append(pltpu.async_copy(
                rows[0], acc.at[pl.ds(row0 + j * CHUNK, CHUNK)],
                ssem[j % NBUF]))
            zcps.append(pltpu.async_copy(
                onesb, dacc.at[pl.ds(row0 + j * CHUNK, CHUNK)],
                dsem[j % NBUF]))
        for cp in zcps:
            cp.wait()
        pltpu.sync_copy(ones_hbm, onesb)
        plsc.subcore_barrier()

        def start_idx(b, i):
            ci = cbase + jnp.minimum(i, last)
            pltpu.async_copy(packed_hbm.at[ci], pidx[b], isem[b])

        def wait_idx(b, i):
            ci = cbase + jnp.minimum(i, last)
            pltpu.make_async_copy(packed_hbm.at[ci], pidx[b], isem[b]).wait()

        def unpack(b):
            for g in range(CHUNK // 16):
                p = pidx[b][pl.ds(g * 16, 16)]
                sidx[b][pl.ds(g * 16, 16)] = jnp.right_shift(p, SHIFT)
                didx[b][pl.ds(g * 16, 16)] = jnp.bitwise_and(p, (1 << SHIFT) - 1)

        def start_gather(b):
            pltpu.async_copy(x_hbm.at[sidx[b]], rows[b], gsem[b])

        def wait_gather(b):
            pltpu.make_async_copy(x_hbm.at[sidx[b]], rows[b], gsem[b]).wait()

        def start_scatter(b):
            pltpu.async_copy(rows[b], acc.at[didx[b]], ssem[b], add=True)
            pltpu.async_copy(onesb, dacc.at[didx[b]], dsem[b], add=True)

        def wait_scatter(b):
            pltpu.make_async_copy(rows[b], acc.at[didx[b]], ssem[b]).wait()
            pltpu.make_async_copy(onesb, dacc.at[didx[b]], dsem[b]).wait()

        for b in range(NBUF):
            start_idx(b, b)
        for b in range(NBUF):
            wait_idx(b, b)
            unpack(b)
            start_idx(b, b + NBUF)
            start_gather(b)

        @pl.loop(0, steps_per_tile // NBUF - 1)
        def step(ii):
            i = pl.multiple_of(ii * NBUF, NBUF)
            for b in range(NBUF):
                wait_gather(b)
                start_scatter(b)
            for b in range(NBUF):
                wait_scatter(b)
                wait_idx(b, i + b + NBUF)
                unpack(b)
                start_idx(b, i + b + 2 * NBUF)
                start_gather(b)

        for b in range(NBUF):
            wait_gather(b)
            start_scatter(b)
        for b in range(NBUF):
            wait_scatter(b)
            wait_idx(b, steps_per_tile + b)
        plsc.subcore_barrier()

        out0 = c * n_pad + row0
        col0 = jnp.zeros((16,), jnp.int32)
        lane = lax.iota(jnp.int32, 16)
        for j in range(row_chunks):
            b = j % NBUF
            if j >= NBUF:
                pltpu.make_async_copy(
                    rows[b], psum_hbm.at[pl.ds(out0 + (j - NBUF) * CHUNK,
                                               CHUNK)], ssem[b]).wait()
            pltpu.sync_copy(acc.at[pl.ds(row0 + j * CHUNK, CHUNK)], rows[b])
            pltpu.async_copy(rows[b],
                             psum_hbm.at[pl.ds(out0 + j * CHUNK, CHUNK)],
                             ssem[b])
            pltpu.sync_copy(dacc.at[pl.ds(row0 + j * CHUNK, CHUNK)], onesb)
            for g in range(CHUNK // 16):
                v = plsc.load_gather(onesb, [lane + g * 16, col0])
                degc[pl.ds(j * CHUNK + g * 16, 16)] = v
        for j in range(row_chunks - NBUF, row_chunks):
            b = j % NBUF
            pltpu.make_async_copy(
                rows[b], psum_hbm.at[pl.ds(out0 + j * CHUNK, CHUNK)],
                ssem[b]).wait()
        pltpu.sync_copy(degc, pdeg_hbm.at[pl.ds(out0, rows_per_tile)])

    return sc_kernel


def _tc_combine(n, n_pad, d, blk):

    def body(p0_ref, p1_ref, d0_ref, d1_ref, w_ref, o_ref):
        ssum = p0_ref[...] + p1_ref[...]
        deg = (d0_ref[...] + d1_ref[...]).reshape(blk, 1)
        inv = 1.0 / jnp.maximum(deg, 1.0)
        o_ref[...] = jnp.dot(ssum * inv, w_ref[...],
                             preferred_element_type=jnp.float32)

    nblk = n_pad // blk
    return pl.pallas_call(
        body,
        grid=(nblk,),
        in_specs=[
            pl.BlockSpec((blk, d), lambda i: (i, 0)),
            pl.BlockSpec((blk, d), lambda i, nblk=nblk: (nblk + i, 0)),
            pl.BlockSpec((blk,), lambda i: (i,)),
            pl.BlockSpec((blk,), lambda i, nblk=nblk: (nblk + i,)),
            pl.BlockSpec((d, d), lambda i: (0, 0)),
        ],
        out_specs=pl.BlockSpec((blk, d), lambda i: (i, 0)),
        out_shape=jax.ShapeDtypeStruct((n, d), jnp.float32),
    )


def kernel(node_embeddings, gc_weights, edge_index):
    n, d = node_embeddings.shape
    e = edge_index.shape[1]

    step_edges = NC * NS * CHUNK * NBUF
    e_pad = ((e + step_edges - 1) // step_edges) * step_edges
    steps_per_tile = e_pad // (NC * NS * CHUNK)
    blk = 1024
    quantum = NS * CHUNK
    n_pad = ((n + 1 + quantum - 1) // quantum) * quantum

    rows_per_tile = n_pad // NS

    pad = e_pad - e
    pad_iota = jnp.arange(pad, dtype=jnp.int32)
    pad_packed = jnp.left_shift(pad_iota % n, SHIFT) | (
        n + pad_iota % (n_pad - n))
    packed = jnp.concatenate(
        [jnp.left_shift(edge_index[0], SHIFT) | edge_index[1], pad_packed]
    ).reshape(-1, CHUNK)
    z = jnp.zeros((CHUNK, d), jnp.float32)
    z16 = jnp.zeros((CHUNK, DW), jnp.float32)
    ones16 = jnp.ones((CHUNK, DW), jnp.float32)

    psum, pdeg = _sc_scatter(n_pad, d, rows_per_tile, steps_per_tile)(
        node_embeddings, packed, z, z16, ones16)
    return _tc_combine(n, n_pad, d, blk)(psum, psum, pdeg, pdeg, gc_weights)

# --- scband reference (transcript-rebuilt; emitter-appended) ---
"""Pipeline reference for scband-evolve-gcn-57011395887439 (READ-ONLY COPY).

The authoritative reference and input builder live on the scoring server;
editing this copy changes nothing except your own understanding.
"""

import jax, jax.numpy as jnp
import numpy as np

N_NODES = 10000
N_EDGES = 320000
D = 128


def setup_inputs(seed: int = 0) -> dict:
    key = jax.random.key(seed)
    k1, k2, k3 = jax.random.split(key, 3)
    node_embeddings = jax.random.normal(k1, (N_NODES, D), dtype=jnp.float32)
    gc_weights = jax.random.normal(k2, (D, D), dtype=jnp.float32)
    edge_index = jax.random.randint(k3, (2, N_EDGES), 0, N_NODES, dtype=jnp.int32)
    return {
        "node_embeddings": node_embeddings,
        "gc_weights": gc_weights,
        "edge_index": edge_index,
    }


def reference(node_embeddings, gc_weights, edge_index):
    # EvolveGCN forward, first snapshot (weights_history empty -> GRU update skipped).
    # h = node_embeddings @ gc_weights
    h = jnp.matmul(node_embeddings, gc_weights)
    src = edge_index[0]
    dst = edge_index[1]
    # DGL update_all(copy_u('h','m'), mean('m','neigh')):
    # gather source features along edges, then mean-reduce by destination node.
    msgs = jnp.take(h, src, axis=0)  # [E, D] gather
    summed = jax.ops.segment_sum(msgs, dst, num_segments=N_NODES)  # scatter-add
    deg = jax.ops.segment_sum(jnp.ones((N_EDGES,), dtype=h.dtype), dst, num_segments=N_NODES)
    # nodes with zero in-degree get 0 (DGL mean semantics)
    neigh = jnp.where(deg[:, None] > 0, summed / jnp.maximum(deg, 1.0)[:, None], 0.0)
    return neigh

if __name__ == "__main__":
    import jax
    _d = setup_inputs()
    print(jax.jit(kernel)(*tuple(_d.values())))

</pallas_src>

<mosaic_0001>
#map = affine_map<(d0, d1) -> (0, 0)>
#map1 = affine_map<(d0, d1) -> (0)>
module attributes {stable_mosaic.version = 14 : i64} {
  func.func @sc_kernel(%arg0: i32, %arg1: i32, %arg2: memref<10000x128xf32, #tpu.memory_space<hbm>>, %arg3: memref<5120x64xi32, #tpu.memory_space<hbm>>, %arg4: memref<64x128xf32, #tpu.memory_space<hbm>>, %arg5: memref<64x16xf32, #tpu.memory_space<hbm>>, %arg6: memref<64x16xf32, #tpu.memory_space<hbm>>, %arg7: memref<20480x128xf32, #tpu.memory_space<hbm>>, %arg8: memref<20480xf32, #tpu.memory_space<hbm>>, %arg9: memref<10240x128xf32, #tpu.memory_space<vmem_shared>>, %arg10: memref<10240x16xf32, #tpu.memory_space<vmem_shared>>, %arg11: memref<64xi32, #tpu.memory_space<vmem>>, %arg12: memref<64xi32, #tpu.memory_space<vmem>>, %arg13: memref<64xi32, #tpu.memory_space<vmem>>, %arg14: memref<64xi32, #tpu.memory_space<vmem>>, %arg15: memref<64xi32, #tpu.memory_space<vmem>>, %arg16: memref<64xi32, #tpu.memory_space<vmem>>, %arg17: memref<64xi32, #tpu.memory_space<vmem>>, %arg18: memref<64xi32, #tpu.memory_space<vmem>>, %arg19: memref<64xi32, #tpu.memory_space<vmem>>, %arg20: memref<64xi32, #tpu.memory_space<vmem>>, %arg21: memref<64xi32, #tpu.memory_space<vmem>>, %arg22: memref<64xi32, #tpu.memory_space<vmem>>, %arg23: memref<64x128xf32, #tpu.memory_space<vmem>>, %arg24: memref<64x128xf32, #tpu.memory_space<vmem>>, %arg25: memref<64x128xf32, #tpu.memory_space<vmem>>, %arg26: memref<64x128xf32, #tpu.memory_space<vmem>>, %arg27: memref<64x16xf32, #tpu.memory_space<vmem>>, %arg28: memref<640xf32, #tpu.memory_space<vmem>>, %arg29: memref<!tpu.dma_semaphore, #tpu.memory_space<semaphore_mem>>, %arg30: memref<!tpu.dma_semaphore, #tpu.memory_space<semaphore_mem>>, %arg31: memref<!tpu.dma_semaphore, #tpu.memory_space<semaphore_mem>>, %arg32: memref<!tpu.dma_semaphore, #tpu.memory_space<semaphore_mem>>, %arg33: memref<!tpu.dma_semaphore, #tpu.memory_space<semaphore_mem>>, %arg34: memref<!tpu.dma_semaphore, #tpu.memory_space<semaphore_mem>>, %arg35: memref<!tpu.dma_semaphore, #tpu.memory_space<semaphore_mem>>, %arg36: memref<!tpu.dma_semaphore, #tpu.memory_space<semaphore_mem>>, %arg37: memref<!tpu.dma_semaphore, #tpu.memory_space<semaphore_mem>>, %arg38: memref<!tpu.dma_semaphore, #tpu.memory_space<semaphore_mem>>, %arg39: memref<!tpu.dma_semaphore, #tpu.memory_space<semaphore_mem>>, %arg40: memref<!tpu.dma_semaphore, #tpu.memory_space<semaphore_mem>>, %arg41: memref<!tpu.dma_semaphore, #tpu.memory_space<semaphore_mem>>, %arg42: memref<!tpu.dma_semaphore, #tpu.memory_space<semaphore_mem>>, %arg43: memref<!tpu.dma_semaphore, #tpu.memory_space<semaphore_mem>>, %arg44: memref<!tpu.dma_semaphore, #tpu.memory_space<semaphore_mem>>) attributes {dimension_semantics = [#tpu.dimension_semantics<core_parallel>, #tpu.dimension_semantics<subcore_parallel>], iteration_bounds = array<i64: 2, 16>, scalar_prefetch = 0 : i64, scratch_operands = 36 : i64, tpu.core_type = #tpu.core_type<sc_vector_subcore>, window_params = [{transform_indices = #map}, {transform_indices = #map}, {transform_indices = #map}, {transform_indices = #map}, {transform_indices = #map}, {transform_indices = #map}, {transform_indices = #map1}]} {
    %mul3A = arith.constant 16 : i32
    %mul3A_0 = arith.muli %arg0, %mul3A : i32
    %add3A = arith.addi %mul3A_0, %arg1 : i32
    %mul3A_1 = arith.constant 640 : i32
    %mul3A_2 = arith.muli %arg1, %mul3A_1 : i32
    %mul3A_3 = arith.constant 160 : i32
    %mul3A_4 = arith.muli %add3A, %mul3A_3 : i32
    "tpu.region"() ({
      %run_scoped3A = tpu.sem_alloc : memref<!tpu.dma_semaphore, #tpu.memory_space<semaphore_mem>>
      tpu.enqueue_dma source(%arg4 : memref<64x128xf32, #tpu.memory_space<hbm>>) target(%arg23 : memref<64x128xf32, #tpu.memory_space<vmem>>) target_semaphore(%run_scoped3A : memref<!tpu.dma_semaphore, #tpu.memory_space<semaphore_mem>>)
      tpu.wait_dma2 semaphore(%run_scoped3A : memref<!tpu.dma_semaphore, #tpu.memory_space<semaphore_mem>>) src(%arg4 : memref<64x128xf32, #tpu.memory_space<hbm>>) dst(%arg23 : memref<64x128xf32, #tpu.memory_space<vmem>>)
      tpu.yield
    }) : () -> ()
    "tpu.region"() ({
      %run_scoped3A = tpu.sem_alloc : memref<!tpu.dma_semaphore, #tpu.memory_space<semaphore_mem>>
      tpu.enqueue_dma source(%arg5 : memref<64x16xf32, #tpu.memory_space<hbm>>) target(%arg27 : memref<64x16xf32, #tpu.memory_space<vmem>>) target_semaphore(%run_scoped3A : memref<!tpu.dma_semaphore, #tpu.memory_space<semaphore_mem>>)
      tpu.wait_dma2 semaphore(%run_scoped3A : memref<!tpu.dma_semaphore, #tpu.memory_space<semaphore_mem>>) src(%arg5 : memref<64x16xf32, #tpu.memory_space<hbm>>) dst(%arg27 : memref<64x16xf32, #tpu.memory_space<vmem>>)
      tpu.yield
    }) : () -> ()
    %add3A_5 = arith.constant 0 : i32
    %add3A_6 = arith.addi %mul3A_2, %add3A_5 : i32
    %dma_start3A = arith.constant 0 : i32
    %dma_start3A_7 = tpu.memref_slice %arg9[%add3A_6, %dma_start3A] : memref<10240x128xf32, #tpu.memory_space<vmem_shared>> -> memref<64x128xf32, #tpu.memory_space<vmem_shared>>
    %dma_start3A_8 = arith.constant 0 : i32
    %dma_start3A_9 = tpu.memref_slice %arg9[%add3A_6, %dma_start3A_8] : memref<10240x128xf32, #tpu.memory_space<vmem_shared>> -> memref<64x128xf32, #tpu.memory_space<vmem_shared>>
    tpu.enqueue_dma source(%arg23 : memref<64x128xf32, #tpu.memory_space<vmem>>) target(%dma_start3A_9 : memref<64x128xf32, #tpu.memory_space<vmem_shared>>) target_semaphore(%arg37 : memref<!tpu.dma_semaphore, #tpu.memory_space<semaphore_mem>>)
    %add3A_10 = arith.constant 0 : i32
    %add3A_11 = arith.addi %mul3A_2, %add3A_10 : i32
    %dma_start3A_12 = arith.constant 0 : i32
    %dma_start3A_13 = tpu.memref_slice %arg10[%add3A_11, %dma_start3A_12] : memref<10240x16xf32, #tpu.memory_space<vmem_shared>> -> memref<64x16xf32, #tpu.memory_space<vmem_shared>>
    %dma_start3A_14 = arith.constant 0 : i32
    %dma_start3A_15 = tpu.memref_slice %arg10[%add3A_11, %dma_start3A_14] : memref<10240x16xf32, #tpu.memory_space<vmem_shared>> -> memref<64x16xf32, #tpu.memory_space<vmem_shared>>
    tpu.enqueue_dma source(%arg27 : memref<64x16xf32, #tpu.memory_space<vmem>>) target(%dma_start3A_15 : memref<64x16xf32, #tpu.memory_space<vmem_shared>>) target_semaphore(%arg41 : memref<!tpu.dma_semaphore, #tpu.memory_space<semaphore_mem>>)
    %add3A_16 = arith.constant 64 : i32
    %add3A_17 = arith.addi %mul3A_2, %add3A_16 : i32
    %dma_start3A_18 = arith.constant 0 : i32
    %dma_start3A_19 = tpu.memref_slice %arg9[%add3A_17, %dma_start3A_18] : memref<10240x128xf32, #tpu.memory_space<vmem_shared>> -> memref<64x128xf32, #tpu.memory_space<vmem_shared>>
    %dma_start3A_20 = arith.constant 0 : i32
    %dma_start3A_21 = tpu.memref_slice %arg9[%add3A_17, %dma_start3A_20] : memref<10240x128xf32, #tpu.memory_space<vmem_shared>> -> memref<64x128xf32, #tpu.memory_space<vmem_shared>>
    tpu.enqueue_dma source(%arg23 : memref<64x128xf32, #tpu.memory_space<vmem>>) target(%dma_start3A_21 : memref<64x128xf32, #tpu.memory_space<vmem_shared>>) target_semaphore(%arg38 : memref<!tpu.dma_semaphore, #tpu.memory_space<semaphore_mem>>)
    %add3A_22 = arith.constant 64 : i32
    %add3A_23 = arith.addi %mul3A_2, %add3A_22 : i32
    %dma_start3A_24 = arith.constant 0 : i32
    %dma_start3A_25 = tpu.memref_slice %arg10[%add3A_23, %dma_start3A_24] : memref<10240x16xf32, #tpu.memory_space<vmem_shared>> -> memref<64x16xf32, #tpu.memory_space<vmem_shared>>
    %dma_start3A_26 = arith.constant 0 : i32
    %dma_start3A_27 = tpu.memref_slice %arg10[%add3A_23, %dma_start3A_26] : memref<10240x16xf32, #tpu.memory_space<vmem_shared>> -> memref<64x16xf32, #tpu.memory_space<vmem_shared>>
    tpu.enqueue_dma source(%arg27 : memref<64x16xf32, #tpu.memory_space<vmem>>) target(%dma_start3A_27 : memref<64x16xf32, #tpu.memory_space<vmem_shared>>) target_semaphore(%arg42 : memref<!tpu.dma_semaphore, #tpu.memory_space<semaphore_mem>>)
    %add3A_28 = arith.constant 128 : i32
    %add3A_29 = arith.addi %mul3A_2, %add3A_28 : i32
    %dma_start3A_30 = arith.constant 0 : i32
    %dma_start3A_31 = tpu.memref_slice %arg9[%add3A_29, %dma_start3A_30] : memref<10240x128xf32, #tpu.memory_space<vmem_shared>> -> memref<64x128xf32, #tpu.memory_space<vmem_shared>>
    %dma_start3A_32 = arith.constant 0 : i32
    %dma_start3A_33 = tpu.memref_slice %arg9[%add3A_29, %dma_start3A_32] : memref<10240x128xf32, #tpu.memory_space<vmem_shared>> -> memref<64x128xf32, #tpu.memory_space<vmem_shared>>
    tpu.enqueue_dma source(%arg23 : memref<64x128xf32, #tpu.memory_space<vmem>>) target(%dma_start3A_33 : memref<64x128xf32, #tpu.memory_space<vmem_shared>>) target_semaphore(%arg39 : memref<!tpu.dma_semaphore, #tpu.memory_space<semaphore_mem>>)
    %add3A_34 = arith.constant 128 : i32
    %add3A_35 = arith.addi %mul3A_2, %add3A_34 : i32
    %dma_start3A_36 = arith.constant 0 : i32
    %dma_start3A_37 = tpu.memref_slice %arg10[%add3A_35, %dma_start3A_36] : memref<10240x16xf32, #tpu.memory_space<vmem_shared>> -> memref<64x16xf32, #tpu.memory_space<vmem_shared>>
    %dma_start3A_38 = arith.constant 0 : i32
    %dma_start3A_39 = tpu.memref_slice %arg10[%add3A_35, %dma_start3A_38] : memref<10240x16xf32, #tpu.memory_space<vmem_shared>> -> memref<64x16xf32, #tpu.memory_space<vmem_shared>>
    tpu.enqueue_dma source(%arg27 : memref<64x16xf32, #tpu.memory_space<vmem>>) target(%dma_start3A_39 : memref<64x16xf32, #tpu.memory_space<vmem_shared>>) target_semaphore(%arg43 : memref<!tpu.dma_semaphore, #tpu.memory_space<semaphore_mem>>)
    %add3A_40 = arith.constant 192 : i32
    %add3A_41 = arith.addi %mul3A_2, %add3A_40 : i32
    %dma_start3A_42 = arith.constant 0 : i32
    %dma_start3A_43 = tpu.memref_slice %arg9[%add3A_41, %dma_start3A_42] : memref<10240x128xf32, #tpu.memory_space<vmem_shared>> -> memref<64x128xf32, #tpu.memory_space<vmem_shared>>
    %dma_start3A_44 = arith.constant 0 : i32
    %dma_start3A_45 = tpu.memref_slice %arg9[%add3A_41, %dma_start3A_44] : memref<10240x128xf32, #tpu.memory_space<vmem_shared>> -> memref<64x128xf32, #tpu.memory_space<vmem_shared>>
    tpu.enqueue_dma source(%arg23 : memref<64x128xf32, #tpu.memory_space<vmem>>) target(%dma_start3A_45 : memref<64x128xf32, #tpu.memory_space<vmem_shared>>) target_semaphore(%arg40 : memref<!tpu.dma_semaphore, #tpu.memory_space<semaphore_mem>>)
    %add3A_46 = arith.constant 192 : i32
    %add3A_47 = arith.addi %mul3A_2, %add3A_46 : i32
    %dma_start3A_48 = arith.constant 0 : i32
    %dma_start3A_49 = tpu.memref_slice %arg10[%add3A_47, %dma_start3A_48] : memref<10240x16xf32, #tpu.memory_space<vmem_shared>> -> memref<64x16xf32, #tpu.memory_space<vmem_shared>>
    %dma_start3A_50 = arith.constant 0 : i32
    %dma_start3A_51 = tpu.memref_slice %arg10[%add3A_47, %dma_start3A_50] : memref<10240x16xf32, #tpu.memory_space<vmem_shared>> -> memref<64x16xf32, #tpu.memory_space<vmem_shared>>
    tpu.enqueue_dma source(%arg27 : memref<64x16xf32, #tpu.memory_space<vmem>>) target(%dma_start3A_51 : memref<64x16xf32, #tpu.memory_space<vmem_shared>>) target_semaphore(%arg44 : memref<!tpu.dma_semaphore, #tpu.memory_space<semaphore_mem>>)
    %add3A_52 = arith.constant 256 : i32
    %add3A_53 = arith.addi %mul3A_2, %add3A_52 : i32
    %dma_start3A_54 = arith.constant 0 : i32
    %dma_start3A_55 = tpu.memref_slice %arg9[%add3A_53, %dma_start3A_54] : memref<10240x128xf32, #tpu.memory_space<vmem_shared>> -> memref<64x128xf32, #tpu.memory_space<vmem_shared>>
    %dma_start3A_56 = arith.constant 0 : i32
    %dma_start3A_57 = tpu.memref_slice %arg9[%add3A_53, %dma_start3A_56] : memref<10240x128xf32, #tpu.memory_space<vmem_shared>> -> memref<64x128xf32, #tpu.memory_space<vmem_shared>>
    tpu.enqueue_dma source(%arg23 : memref<64x128xf32, #tpu.memory_space<vmem>>) target(%dma_start3A_57 : memref<64x128xf32, #tpu.memory_space<vmem_shared>>) target_semaphore(%arg37 : memref<!tpu.dma_semaphore, #tpu.memory_space<semaphore_mem>>)
    %add3A_58 = arith.constant 256 : i32
    %add3A_59 = arith.addi %mul3A_2, %add3A_58 : i32
    %dma_start3A_60 = arith.constant 0 : i32
    %dma_start3A_61 = tpu.memref_slice %arg10[%add3A_59, %dma_start3A_60] : memref<10240x16xf32, #tpu.memory_space<vmem_shared>> -> memref<64x16xf32, #tpu.memory_space<vmem_shared>>
    %dma_start3A_62 = arith.constant 0 : i32
    %dma_start3A_63 = tpu.memref_slice %arg10[%add3A_59, %dma_start3A_62] : memref<10240x16xf32, #tpu.memory_space<vmem_shared>> -> memref<64x16xf32, #tpu.memory_space<vmem_shared>>
    tpu.enqueue_dma source(%arg27 : memref<64x16xf32, #tpu.memory_space<vmem>>) target(%dma_start3A_63 : memref<64x16xf32, #tpu.memory_space<vmem_shared>>) target_semaphore(%arg41 : memref<!tpu.dma_semaphore, #tpu.memory_space<semaphore_mem>>)
    %add3A_64 = arith.constant 320 : i32
    %add3A_65 = arith.addi %mul3A_2, %add3A_64 : i32
    %dma_start3A_66 = arith.constant 0 : i32
    %dma_start3A_67 = tpu.memref_slice %arg9[%add3A_65, %dma_start3A_66] : memref<10240x128xf32, #tpu.memory_space<vmem_shared>> -> memref<64x128xf32, #tpu.memory_space<vmem_shared>>
    %dma_start3A_68 = arith.constant 0 : i32
    %dma_start3A_69 = tpu.memref_slice %arg9[%add3A_65, %dma_start3A_68] : memref<10240x128xf32, #tpu.memory_space<vmem_shared>> -> memref<64x128xf32, #tpu.memory_space<vmem_shared>>
    tpu.enqueue_dma source(%arg23 : memref<64x128xf32, #tpu.memory_space<vmem>>) target(%dma_start3A_69 : memref<64x128xf32, #tpu.memory_space<vmem_shared>>) target_semaphore(%arg38 : memref<!tpu.dma_semaphore, #tpu.memory_space<semaphore_mem>>)
    %add3A_70 = arith.constant 320 : i32
    %add3A_71 = arith.addi %mul3A_2, %add3A_70 : i32
    %dma_start3A_72 = arith.constant 0 : i32
    %dma_start3A_73 = tpu.memref_slice %arg10[%add3A_71, %dma_start3A_72] : memref<10240x16xf32, #tpu.memory_space<vmem_shared>> -> memref<64x16xf32, #tpu.memory_space<vmem_shared>>
    %dma_start3A_74 = arith.constant 0 : i32
    %dma_start3A_75 = tpu.memref_slice %arg10[%add3A_71, %dma_start3A_74] : memref<10240x16xf32, #tpu.memory_space<vmem_shared>> -> memref<64x16xf32, #tpu.memory_space<vmem_shared>>
    tpu.enqueue_dma source(%arg27 : memref<64x16xf32, #tpu.memory_space<vmem>>) target(%dma_start3A_75 : memref<64x16xf32, #tpu.memory_space<vmem_shared>>) target_semaphore(%arg42 : memref<!tpu.dma_semaphore, #tpu.memory_space<semaphore_mem>>)
    %add3A_76 = arith.constant 384 : i32
    %add3A_77 = arith.addi %mul3A_2, %add3A_76 : i32
    %dma_start3A_78 = arith.constant 0 : i32
    %dma_start3A_79 = tpu.memref_slice %arg9[%add3A_77, %dma_start3A_78] : memref<10240x128xf32, #tpu.memory_space<vmem_shared>> -> memref<64x128xf32, #tpu.memory_space<vmem_shared>>
    %dma_start3A_80 = arith.constant 0 : i32
    %dma_start3A_81 = tpu.memref_slice %arg9[%add3A_77, %dma_start3A_80] : memref<10240x128xf32, #tpu.memory_space<vmem_shared>> -> memref<64x128xf32, #tpu.memory_space<vmem_shared>>
    tpu.enqueue_dma source(%arg23 : memref<64x128xf32, #tpu.memory_space<vmem>>) target(%dma_start3A_81 : memref<64x128xf32, #tpu.memory_space<vmem_shared>>) target_semaphore(%arg39 : memref<!tpu.dma_semaphore, #tpu.memory_space<semaphore_mem>>)
    %add3A_82 = arith.constant 384 : i32
    %add3A_83 = arith.addi %mul3A_2, %add3A_82 : i32
    %dma_start3A_84 = arith.constant 0 : i32
    %dma_start3A_85 = tpu.memref_slice %arg10[%add3A_83, %dma_start3A_84] : memref<10240x16xf32, #tpu.memory_space<vmem_shared>> -> memref<64x16xf32, #tpu.memory_space<vmem_shared>>
    %dma_start3A_86 = arith.constant 0 : i32
    %dma_start3A_87 = tpu.memref_slice %arg10[%add3A_83, %dma_start3A_86] : memref<10240x16xf32, #tpu.memory_space<vmem_shared>> -> memref<64x16xf32, #tpu.memory_space<vmem_shared>>
    tpu.enqueue_dma source(%arg27 : memref<64x16xf32, #tpu.memory_space<vmem>>) target(%dma_start3A_87 : memref<64x16xf32, #tpu.memory_space<vmem_shared>>) target_semaphore(%arg43 : memref<!tpu.dma_semaphore, #tpu.memory_space<semaphore_mem>>)
    %add3A_88 = arith.constant 448 : i32
    %add3A_89 = arith.addi %mul3A_2, %add3A_88 : i32
    %dma_start3A_90 = arith.constant 0 : i32
    %dma_start3A_91 = tpu.memref_slice %arg9[%add3A_89, %dma_start3A_90] : memref<10240x128xf32, #tpu.memory_space<vmem_shared>> -> memref<64x128xf32, #tpu.memory_space<vmem_shared>>
    %dma_start3A_92 = arith.constant 0 : i32
    %dma_start3A_93 = tpu.memref_slice %arg9[%add3A_89, %dma_start3A_92] : memref<10240x128xf32, #tpu.memory_space<vmem_shared>> -> memref<64x128xf32, #tpu.memory_space<vmem_shared>>
    tpu.enqueue_dma source(%arg23 : memref<64x128xf32, #tpu.memory_space<vmem>>) target(%dma_start3A_93 : memref<64x128xf32, #tpu.memory_space<vmem_shared>>) target_semaphore(%arg40 : memref<!tpu.dma_semaphore, #tpu.memory_space<semaphore_mem>>)
    %add3A_94 = arith.constant 448 : i32
    %add3A_95 = arith.addi %mul3A_2, %add3A_94 : i32
    %dma_start3A_96 = arith.constant 0 : i32
    %dma_start3A_97 = tpu.memref_slice %arg10[%add3A_95, %dma_start3A_96] : memref<10240x16xf32, #tpu.memory_space<vmem_shared>> -> memref<64x16xf32, #tpu.memory_space<vmem_shared>>
    %dma_start3A_98 = arith.constant 0 : i32
    %dma_start3A_99 = tpu.memref_slice %arg10[%add3A_95, %dma_start3A_98] : memref<10240x16xf32, #tpu.memory_space<vmem_shared>> -> memref<64x16xf32, #tpu.memory_space<vmem_shared>>
    tpu.enqueue_dma source(%arg27 : memref<64x16xf32, #tpu.memory_space<vmem>>) target(%dma_start3A_99 : memref<64x16xf32, #tpu.memory_space<vmem_shared>>) target_semaphore(%arg44 : memref<!tpu.dma_semaphore, #tpu.memory_space<semaphore_mem>>)
    %add3A_100 = arith.constant 512 : i32
    %add3A_101 = arith.addi %mul3A_2, %add3A_100 : i32
    %dma_start3A_102 = arith.constant 0 : i32
    %dma_start3A_103 = tpu.memref_slice %arg9[%add3A_101, %dma_start3A_102] : memref<10240x128xf32, #tpu.memory_space<vmem_shared>> -> memref<64x128xf32, #tpu.memory_space<vmem_shared>>
    %dma_start3A_104 = arith.constant 0 : i32
    %dma_start3A_105 = tpu.memref_slice %arg9[%add3A_101, %dma_start3A_104] : memref<10240x128xf32, #tpu.memory_space<vmem_shared>> -> memref<64x128xf32, #tpu.memory_space<vmem_shared>>
    tpu.enqueue_dma source(%arg23 : memref<64x128xf32, #tpu.memory_space<vmem>>) target(%dma_start3A_105 : memref<64x128xf32, #tpu.memory_space<vmem_shared>>) target_semaphore(%arg37 : memref<!tpu.dma_semaphore, #tpu.memory_space<semaphore_mem>>)
    %add3A_106 = arith.constant 512 : i32
    %add3A_107 = arith.addi %mul3A_2, %add3A_106 : i32
    %dma_start3A_108 = arith.constant 0 : i32
    %dma_start3A_109 = tpu.memref_slice %arg10[%add3A_107, %dma_start3A_108] : memref<10240x16xf32, #tpu.memory_space<vmem_shared>> -> memref<64x16xf32, #tpu.memory_space<vmem_shared>>
    %dma_start3A_110 = arith.constant 0 : i32
    %dma_start3A_111 = tpu.memref_slice %arg10[%add3A_107, %dma_start3A_110] : memref<10240x16xf32, #tpu.memory_space<vmem_shared>> -> memref<64x16xf32, #tpu.memory_space<vmem_shared>>
    tpu.enqueue_dma source(%arg27 : memref<64x16xf32, #tpu.memory_space<vmem>>) target(%dma_start3A_111 : memref<64x16xf32, #tpu.memory_space<vmem_shared>>) target_semaphore(%arg41 : memref<!tpu.dma_semaphore, #tpu.memory_space<semaphore_mem>>)
    %add3A_112 = arith.constant 576 : i32
    %add3A_113 = arith.addi %mul3A_2, %add3A_112 : i32
    %dma_start3A_114 = arith.constant 0 : i32
    %dma_start3A_115 = tpu.memref_slice %arg9[%add3A_113, %dma_start3A_114] : memref<10240x128xf32, #tpu.memory_space<vmem_shared>> -> memref<64x128xf32, #tpu.memory_space<vmem_shared>>
    %dma_start3A_116 = arith.constant 0 : i32
    %dma_start3A_117 = tpu.memref_slice %arg9[%add3A_113, %dma_start3A_116] : memref<10240x128xf32, #tpu.memory_space<vmem_shared>> -> memref<64x128xf32, #tpu.memory_space<vmem_shared>>
    tpu.enqueue_dma source(%arg23 : memref<64x128xf32, #tpu.memory_space<vmem>>) target(%dma_start3A_117 : memref<64x128xf32, #tpu.memory_space<vmem_shared>>) target_semaphore(%arg38 : memref<!tpu.dma_semaphore, #tpu.memory_space<semaphore_mem>>)
    %add3A_118 = arith.constant 576 : i32
    %add3A_119 = arith.addi %mul3A_2, %add3A_118 : i32
    %dma_start3A_120 = arith.constant 0 : i32
    %dma_start3A_121 = tpu.memref_slice %arg10[%add3A_119, %dma_start3A_120] : memref<10240x16xf32, #tpu.memory_space<vmem_shared>> -> memref<64x16xf32, #tpu.memory_space<vmem_shared>>
    %dma_start3A_122 = arith.constant 0 : i32
    %dma_start3A_123 = tpu.memref_slice %arg10[%add3A_119, %dma_start3A_122] : memref<10240x16xf32, #tpu.memory_space<vmem_shared>> -> memref<64x16xf32, #tpu.memory_space<vmem_shared>>
    tpu.enqueue_dma source(%arg27 : memref<64x16xf32, #tpu.memory_space<vmem>>) target(%dma_start3A_123 : memref<64x16xf32, #tpu.memory_space<vmem_shared>>) target_semaphore(%arg42 : memref<!tpu.dma_semaphore, #tpu.memory_space<semaphore_mem>>)
    %dma_wait3A = arith.constant 0 : i32
    %dma_wait3A_124 = tpu.memref_slice %arg9[%add3A_6, %dma_wait3A] : memref<10240x128xf32, #tpu.memory_space<vmem_shared>> -> memref<64x128xf32, #tpu.memory_space<vmem_shared>>
    %dma_wait3A_125 = arith.constant 0 : i32
    %dma_wait3A_126 = tpu.memref_slice %arg9[%add3A_6, %dma_wait3A_125] : memref<10240x128xf32, #tpu.memory_space<vmem_shared>> -> memref<64x128xf32, #tpu.memory_space<vmem_shared>>
    tpu.wait_dma2 semaphore(%arg37 : memref<!tpu.dma_semaphore, #tpu.memory_space<semaphore_mem>>) src(%arg23 : memref<64x128xf32, #tpu.memory_space<vmem>>) dst(%dma_wait3A_126 : memref<64x128xf32, #tpu.memory_space<vmem_shared>>)
    %dma_wait3A_127 = arith.constant 0 : i32
    %dma_wait3A_128 = tpu.memref_slice %arg10[%add3A_11, %dma_wait3A_127] : memref<10240x16xf32, #tpu.memory_space<vmem_shared>> -> memref<64x16xf32, #tpu.memory_space<vmem_shared>>
    %dma_wait3A_129 = arith.constant 0 : i32
    %dma_wait3A_130 = tpu.memref_slice %arg10[%add3A_11, %dma_wait3A_129] : memref<10240x16xf32, #tpu.memory_space<vmem_shared>> -> memref<64x16xf32, #tpu.memory_space<vmem_shared>>
    tpu.wait_dma2 semaphore(%arg41 : memref<!tpu.dma_semaphore, #tpu.memory_space<semaphore_mem>>) src(%arg27 : memref<64x16xf32, #tpu.memory_space<vmem>>) dst(%dma_wait3A_130 : memref<64x16xf32, #tpu.memory_space<vmem_shared>>)
    %dma_wait3A_131 = arith.constant 0 : i32
    %dma_wait3A_132 = tpu.memref_slice %arg9[%add3A_17, %dma_wait3A_131] : memref<10240x128xf32, #tpu.memory_space<vmem_shared>> -> memref<64x128xf32, #tpu.memory_space<vmem_shared>>
    %dma_wait3A_133 = arith.constant 0 : i32
    %dma_wait3A_134 = tpu.memref_slice %arg9[%add3A_17, %dma_wait3A_133] : memref<10240x128xf32, #tpu.memory_space<vmem_shared>> -> memref<64x128xf32, #tpu.memory_space<vmem_shared>>
    tpu.wait_dma2 semaphore(%arg38 : memref<!tpu.dma_semaphore, #tpu.memory_space<semaphore_mem>>) src(%arg23 : memref<64x128xf32, #tpu.memory_space<vmem>>) dst(%dma_wait3A_134 : memref<64x128xf32, #tpu.memory_space<vmem_shared>>)
    %dma_wait3A_135 = arith.constant 0 : i32
    %dma_wait3A_136 = tpu.memref_slice %arg10[%add3A_23, %dma_wait3A_135] : memref<10240x16xf32, #tpu.memory_space<vmem_shared>> -> memref<64x16xf32, #tpu.memory_space<vmem_shared>>
    %dma_wait3A_137 = arith.constant 0 : i32
    %dma_wait3A_138 = tpu.memref_slice %arg10[%add3A_23, %dma_wait3A_137] : memref<10240x16xf32, #tpu.memory_space<vmem_shared>> -> memref<64x16xf32, #tpu.memory_space<vmem_shared>>
    tpu.wait_dma2 semaphore(%arg42 : memref<!tpu.dma_semaphore, #tpu.memory_space<semaphore_mem>>) src(%arg27 : memref<64x16xf32, #tpu.memory_space<vmem>>) dst(%dma_wait3A_138 : memref<64x16xf32, #tpu.memory_space<vmem_shared>>)
    %dma_wait3A_139 = arith.constant 0 : i32
    %dma_wait3A_140 = tpu.memref_slice %arg9[%add3A_29, %dma_wait3A_139] : memref<10240x128xf32, #tpu.memory_space<vmem_shared>> -> memref<64x128xf32, #tpu.memory_space<vmem_shared>>
    %dma_wait3A_141 = arith.constant 0 : i32
    %dma_wait3A_142 = tpu.memref_slice %arg9[%add3A_29, %dma_wait3A_141] : memref<10240x128xf32, #tpu.memory_space<vmem_shared>> -> memref<64x128xf32, #tpu.memory_space<vmem_shared>>
    tpu.wait_dma2 semaphore(%arg39 : memref<!tpu.dma_semaphore, #tpu.memory_space<semaphore_mem>>) src(%arg23 : memref<64x128xf32, #tpu.memory_space<vmem>>) dst(%dma_wait3A_142 : memref<64x128xf32, #tpu.memory_space<vmem_shared>>)
    %dma_wait3A_143 = arith.constant 0 : i32
    %dma_wait3A_144 = tpu.memref_slice %arg10[%add3A_35, %dma_wait3A_143] : memref<10240x16xf32, #tpu.memory_space<vmem_shared>> -> memref<64x16xf32, #tpu.memory_space<vmem_shared>>
    %dma_wait3A_145 = arith.constant 0 : i32
    %dma_wait3A_146 = tpu.memref_slice %arg10[%add3A_35, %dma_wait3A_145] : memref<10240x16xf32, #tpu.memory_space<vmem_shared>> -> memref<64x16xf32, #tpu.memory_space<vmem_shared>>
    tpu.wait_dma2 semaphore(%arg43 : memref<!tpu.dma_semaphore, #tpu.memory_space<semaphore_mem>>) src(%arg27 : memref<64x16xf32, #tpu.memory_space<vmem>>) dst(%dma_wait3A_146 : memref<64x16xf32, #tpu.memory_space<vmem_shared>>)
    %dma_wait3A_147 = arith.constant 0 : i32
    %dma_wait3A_148 = tpu.memref_slice %arg9[%add3A_41, %dma_wait3A_147] : memref<10240x128xf32, #tpu.memory_space<vmem_shared>> -> memref<64x128xf32, #tpu.memory_space<vmem_shared>>
    %dma_wait3A_149 = arith.constant 0 : i32
    %dma_wait3A_150 = tpu.memref_slice %arg9[%add3A_41, %dma_wait3A_149] : memref<10240x128xf32, #tpu.memory_space<vmem_shared>> -> memref<64x128xf32, #tpu.memory_space<vmem_shared>>
    tpu.wait_dma2 semaphore(%arg40 : memref<!tpu.dma_semaphore, #tpu.memory_space<semaphore_mem>>) src(%arg23 : memref<64x128xf32, #tpu.memory_space<vmem>>) dst(%dma_wait3A_150 : memref<64x128xf32, #tpu.memory_space<vmem_shared>>)
    %dma_wait3A_151 = arith.constant 0 : i32
    %dma_wait3A_152 = tpu.memref_slice %arg10[%add3A_47, %dma_wait3A_151] : memref<10240x16xf32, #tpu.memory_space<vmem_shared>> -> memref<64x16xf32, #tpu.memory_space<vmem_shared>>
    %dma_wait3A_153 = arith.constant 0 : i32
    %dma_wait3A_154 = tpu.memref_slice %arg10[%add3A_47, %dma_wait3A_153] : memref<10240x16xf32, #tpu.memory_space<vmem_shared>> -> memref<64x16xf32, #tpu.memory_space<vmem_shared>>
    tpu.wait_dma2 semaphore(%arg44 : memref<!tpu.dma_semaphore, #tpu.memory_space<semaphore_mem>>) src(%arg27 : memref<64x16xf32, #tpu.memory_space<vmem>>) dst(%dma_wait3A_154 : memref<64x16xf32, #tpu.memory_space<vmem_shared>>)
    %dma_wait3A_155 = arith.constant 0 : i32
    %dma_wait3A_156 = tpu.memref_slice %arg9[%add3A_53, %dma_wait3A_155] : memref<10240x128xf32, #tpu.memory_space<vmem_shared>> -> memref<64x128xf32, #tpu.memory_space<vmem_shared>>
    %dma_wait3A_157 = arith.constant 0 : i32
    %dma_wait3A_158 = tpu.memref_slice %arg9[%add3A_53, %dma_wait3A_157] : memref<10240x128xf32, #tpu.memory_space<vmem_shared>> -> memref<64x128xf32, #tpu.memory_space<vmem_shared>>
    tpu.wait_dma2 semaphore(%arg37 : memref<!tpu.dma_semaphore, #tpu.memory_space<semaphore_mem>>) src(%arg23 : memref<64x128xf32, #tpu.memory_space<vmem>>) dst(%dma_wait3A_158 : memref<64x128xf32, #tpu.memory_space<vmem_shared>>)
    %dma_wait3A_159 = arith.constant 0 : i32
    %dma_wait3A_160 = tpu.memref_slice %arg10[%add3A_59, %dma_wait3A_159] : memref<10240x16xf32, #tpu.memory_space<vmem_shared>> -> memref<64x16xf32, #tpu.memory_space<vmem_shared>>
    %dma_wait3A_161 = arith.constant 0 : i32
    %dma_wait3A_162 = tpu.memref_slice %arg10[%add3A_59, %dma_wait3A_161] : memref<10240x16xf32, #tpu.memory_space<vmem_shared>> -> memref<64x16xf32, #tpu.memory_space<vmem_shared>>
    tpu.wait_dma2 semaphore(%arg41 : memref<!tpu.dma_semaphore, #tpu.memory_space<semaphore_mem>>) src(%arg27 : memref<64x16xf32, #tpu.memory_space<vmem>>) dst(%dma_wait3A_162 : memref<64x16xf32, #tpu.memory_space<vmem_shared>>)
    %dma_wait3A_163 = arith.constant 0 : i32
    %dma_wait3A_164 = tpu.memref_slice %arg9[%add3A_65, %dma_wait3A_163] : memref<10240x128xf32, #tpu.memory_space<vmem_shared>> -> memref<64x128xf32, #tpu.memory_space<vmem_shared>>
    %dma_wait3A_165 = arith.constant 0 : i32
    %dma_wait3A_166 = tpu.memref_slice %arg9[%add3A_65, %dma_wait3A_165] : memref<10240x128xf32, #tpu.memory_space<vmem_shared>> -> memref<64x128xf32, #tpu.memory_space<vmem_shared>>
    tpu.wait_dma2 semaphore(%arg38 : memref<!tpu.dma_semaphore, #tpu.memory_space<semaphore_mem>>) src(%arg23 : memref<64x128xf32, #tpu.memory_space<vmem>>) dst(%dma_wait3A_166 : memref<64x128xf32, #tpu.memory_space<vmem_shared>>)
    %dma_wait3A_167 = arith.constant 0 : i32
    %dma_wait3A_168 = tpu.memref_slice %arg10[%add3A_71, %dma_wait3A_167] : memref<10240x16xf32, #tpu.memory_space<vmem_shared>> -> memref<64x16xf32, #tpu.memory_space<vmem_shared>>
    %dma_wait3A_169 = arith.constant 0 : i32
    %dma_wait3A_170 = tpu.memref_slice %arg10[%add3A_71, %dma_wait3A_169] : memref<10240x16xf32, #tpu.memory_space<vmem_shared>> -> memref<64x16xf32, #tpu.memory_space<vmem_shared>>
    tpu.wait_dma2 semaphore(%arg42 : memref<!tpu.dma_semaphore, #tpu.memory_space<semaphore_mem>>) src(%arg27 : memref<64x16xf32, #tpu.memory_space<vmem>>) dst(%dma_wait3A_170 : memref<64x16xf32, #tpu.memory_space<vmem_shared>>)
    %dma_wait3A_171 = arith.constant 0 : i32
    %dma_wait3A_172 = tpu.memref_slice %arg9[%add3A_77, %dma_wait3A_171] : memref<10240x128xf32, #tpu.memory_space<vmem_shared>> -> memref<64x128xf32, #tpu.memory_space<vmem_shared>>
    %dma_wait3A_173 = arith.constant 0 : i32
    %dma_wait3A_174 = tpu.memref_slice %arg9[%add3A_77, %dma_wait3A_173] : memref<10240x128xf32, #tpu.memory_space<vmem_shared>> -> memref<64x128xf32, #tpu.memory_space<vmem_shared>>
    tpu.wait_dma2 semaphore(%arg39 : memref<!tpu.dma_semaphore, #tpu.memory_space<semaphore_mem>>) src(%arg23 : memref<64x128xf32, #tpu.memory_space<vmem>>) dst(%dma_wait3A_174 : memref<64x128xf32, #tpu.memory_space<vmem_shared>>)
    %dma_wait3A_175 = arith.constant 0 : i32
    %dma_wait3A_176 = tpu.memref_slice %arg10[%add3A_83, %dma_wait3A_175] : memref<10240x16xf32, #tpu.memory_space<vmem_shared>> -> memref<64x16xf32, #tpu.memory_space<vmem_shared>>
    %dma_wait3A_177 = arith.constant 0 : i32
    %dma_wait3A_178 = tpu.memref_slice %arg10[%add3A_83, %dma_wait3A_177] : memref<10240x16xf32, #tpu.memory_space<vmem_shared>> -> memref<64x16xf32, #tpu.memory_space<vmem_shared>>
    tpu.wait_dma2 semaphore(%arg43 : memref<!tpu.dma_semaphore, #tpu.memory_space<semaphore_mem>>) src(%arg27 : memref<64x16xf32, #tpu.memory_space<vmem>>) dst(%dma_wait3A_178 : memref<64x16xf32, #tpu.memory_space<vmem_shared>>)
    %dma_wait3A_179 = arith.constant 0 : i32
    %dma_wait3A_180 = tpu.memref_slice %arg9[%add3A_89, %dma_wait3A_179] : memref<10240x128xf32, #tpu.memory_space<vmem_shared>> -> memref<64x128xf32, #tpu.memory_space<vmem_shared>>
    %dma_wait3A_181 = arith.constant 0 : i32
    %dma_wait3A_182 = tpu.memref_slice %arg9[%add3A_89, %dma_wait3A_181] : memref<10240x128xf32, #tpu.memory_space<vmem_shared>> -> memref<64x128xf32, #tpu.memory_space<vmem_shared>>
    tpu.wait_dma2 semaphore(%arg40 : memref<!tpu.dma_semaphore, #tpu.memory_space<semaphore_mem>>) src(%arg23 : memref<64x128xf32, #tpu.memory_space<vmem>>) dst(%dma_wait3A_182 : memref<64x128xf32, #tpu.memory_space<vmem_shared>>)
    %dma_wait3A_183 = arith.constant 0 : i32
    %dma_wait3A_184 = tpu.memref_slice %arg10[%add3A_95, %dma_wait3A_183] : memref<10240x16xf32, #tpu.memory_space<vmem_shared>> -> memref<64x16xf32, #tpu.memory_space<vmem_shared>>
    %dma_wait3A_185 = arith.constant 0 : i32
    %dma_wait3A_186 = tpu.memref_slice %arg10[%add3A_95, %dma_wait3A_185] : memref<10240x16xf32, #tpu.memory_space<vmem_shared>> -> memref<64x16xf32, #tpu.memory_space<vmem_shared>>
    tpu.wait_dma2 semaphore(%arg44 : memref<!tpu.dma_semaphore, #tpu.memory_space<semaphore_mem>>) src(%arg27 : memref<64x16xf32, #tpu.memory_space<vmem>>) dst(%dma_wait3A_186 : memref<64x16xf32, #tpu.memory_space<vmem_shared>>)
    %dma_wait3A_187 = arith.constant 0 : i32
    %dma_wait3A_188 = tpu.memref_slice %arg9[%add3A_101, %dma_wait3A_187] : memref<10240x128xf32, #tpu.memory_space<vmem_shared>> -> memref<64x128xf32, #tpu.memory_space<vmem_shared>>
    %dma_wait3A_189 = arith.constant 0 : i32
    %dma_wait3A_190 = tpu.memref_slice %arg9[%add3A_101, %dma_wait3A_189] : memref<10240x128xf32, #tpu.memory_space<vmem_shared>> -> memref<64x128xf32, #tpu.memory_space<vmem_shared>>
    tpu.wait_dma2 semaphore(%arg37 : memref<!tpu.dma_semaphore, #tpu.memory_space<semaphore_mem>>) src(%arg23 : memref<64x128xf32, #tpu.memory_space<vmem>>) dst(%dma_wait3A_190 : memref<64x128xf32, #tpu.memory_space<vmem_shared>>)
    %dma_wait3A_191 = arith.constant 0 : i32
    %dma_wait3A_192 = tpu.memref_slice %arg10[%add3A_107, %dma_wait3A_191] : memref<10240x16xf32, #tpu.memory_space<vmem_shared>> -> memref<64x16xf32, #tpu.memory_space<vmem_shared>>
    %dma_wait3A_193 = arith.constant 0 : i32
    %dma_wait3A_194 = tpu.memref_slice %arg10[%add3A_107, %dma_wait3A_193] : memref<10240x16xf32, #tpu.memory_space<vmem_shared>> -> memref<64x16xf32, #tpu.memory_space<vmem_shared>>
    tpu.wait_dma2 semaphore(%arg41 : memref<!tpu.dma_semaphore, #tpu.memory_space<semaphore_mem>>) src(%arg27 : memref<64x16xf32, #tpu.memory_space<vmem>>) dst(%dma_wait3A_194 : memref<64x16xf32, #tpu.memory_space<vmem_shared>>)
    %dma_wait3A_195 = arith.constant 0 : i32
    %dma_wait3A_196 = tpu.memref_slice %arg9[%add3A_113, %dma_wait3A_195] : memref<10240x128xf32, #tpu.memory_space<vmem_shared>> -> memref<64x128xf32, #tpu.memory_space<vmem_shared>>
    %dma_wait3A_197 = arith.constant 0 : i32
    %dma_wait3A_198 = tpu.memref_slice %arg9[%add3A_113, %dma_wait3A_197] : memref<10240x128xf32, #tpu.memory_space<vmem_shared>> -> memref<64x128xf32, #tpu.memory_space<vmem_shared>>
    tpu.wait_dma2 semaphore(%arg38 : memref<!tpu.dma_semaphore, #tpu.memory_space<semaphore_mem>>) src(%arg23 : memref<64x128xf32, #tpu.memory_space<vmem>>) dst(%dma_wait3A_198 : memref<64x128xf32, #tpu.memory_space<vmem_shared>>)
    %dma_wait3A_199 = arith.constant 0 : i32
    %dma_wait3A_200 = tpu.memref_slice %arg10[%add3A_119, %dma_wait3A_199] : memref<10240x16xf32, #tpu.memory_space<vmem_shared>> -> memref<64x16xf32, #tpu.memory_space<vmem_shared>>
    %dma_wait3A_201 = arith.constant 0 : i32
    %dma_wait3A_202 = tpu.memref_slice %arg10[%add3A_119, %dma_wait3A_201] : memref<10240x16xf32, #tpu.memory_space<vmem_shared>> -> memref<64x16xf32, #tpu.memory_space<vmem_shared>>
    tpu.wait_dma2 semaphore(%arg42 : memref<!tpu.dma_semaphore, #tpu.memory_space<semaphore_mem>>) src(%arg27 : memref<64x16xf32, #tpu.memory_space<vmem>>) dst(%dma_wait3A_202 : memref<64x16xf32, #tpu.memory_space<vmem_shared>>)
    "tpu.region"() ({
      %run_scoped3A = tpu.sem_alloc : memref<!tpu.dma_semaphore, #tpu.memory_space<semaphore_mem>>
      tpu.enqueue_dma source(%arg6 : memref<64x16xf32, #tpu.memory_space<hbm>>) target(%arg27 : memref<64x16xf32, #tpu.memory_space<vmem>>) target_semaphore(%run_scoped3A : memref<!tpu.dma_semaphore, #tpu.memory_space<semaphore_mem>>)
      tpu.wait_dma2 semaphore(%run_scoped3A : memref<!tpu.dma_semaphore, #tpu.memory_space<semaphore_mem>>) src(%arg6 : memref<64x16xf32, #tpu.memory_space<hbm>>) dst(%arg27 : memref<64x16xf32, #tpu.memory_space<vmem>>)
      tpu.yield
    }) : () -> ()
    %barrier3A = arith.constant 0 : index
    tpu.barrier barrier_id(%barrier3A)
    %min3A = arith.constant 0 : i32
    %min3A_203 = arith.constant 159 : i32
    %min3A_204 = arith.minsi %min3A, %min3A_203 : i32
    %add3A_205 = arith.addi %mul3A_4, %min3A_204 : i32
    %dma_start3A_206 = arith.constant 0 : i32
    %dma_start3A_207 = tpu.memref_slice %arg3[%add3A_205, %dma_start3A_206] : memref<5120x64xi32, #tpu.memory_space<hbm>> -> memref<1x64xi32, #tpu.memory_space<hbm>>
    %dma_start3A_208 = tpu.memref_squeeze %dma_start3A_207 : memref<1x64xi32, #tpu.memory_space<hbm>> -> memref<64xi32, #tpu.memory_space<hbm>>
    %dma_start3A_209 = arith.constant 0 : i32
    %dma_start3A_210 = tpu.memref_slice %arg3[%add3A_205, %dma_start3A_209] : memref<5120x64xi32, #tpu.memory_space<hbm>> -> memref<1x64xi32, #tpu.memory_space<hbm>>
    %dma_start3A_211 = tpu.memref_squeeze %dma_start3A_210 : memref<1x64xi32, #tpu.memory_space<hbm>> -> memref<64xi32, #tpu.memory_space<hbm>>
    tpu.enqueue_dma source(%dma_start3A_211 : memref<64xi32, #tpu.memory_space<hbm>>) target(%arg11 : memref<64xi32, #tpu.memory_space<vmem>>) target_semaphore(%arg29 : memref<!tpu.dma_semaphore, #tpu.memory_space<semaphore_mem>>)
    %min3A_212 = arith.constant 1 : i32
    %min3A_213 = arith.constant 159 : i32
    %min3A_214 = arith.minsi %min3A_212, %min3A_213 : i32
    %add3A_215 = arith.addi %mul3A_4, %min3A_214 : i32
    %dma_start3A_216 = arith.constant 0 : i32
    %dma_start3A_217 = tpu.memref_slice %arg3[%add3A_215, %dma_start3A_216] : memref<5120x64xi32, #tpu.memory_space<hbm>> -> memref<1x64xi32, #tpu.memory_space<hbm>>
    %dma_start3A_218 = tpu.memref_squeeze %dma_start3A_217 : memref<1x64xi32, #tpu.memory_space<hbm>> -> memref<64xi32, #tpu.memory_space<hbm>>
    %dma_start3A_219 = arith.constant 0 : i32
    %dma_start3A_220 = tpu.memref_slice %arg3[%add3A_215, %dma_start3A_219] : memref<5120x64xi32, #tpu.memory_space<hbm>> -> memref<1x64xi32, #tpu.memory_space<hbm>>
    %dma_start3A_221 = tpu.memref_squeeze %dma_start3A_220 : memref<1x64xi32, #tpu.memory_space<hbm>> -> memref<64xi32, #tpu.memory_space<hbm>>
    tpu.enqueue_dma source(%dma_start3A_221 : memref<64xi32, #tpu.memory_space<hbm>>) target(%arg12 : memref<64xi32, #tpu.memory_space<vmem>>) target_semaphore(%arg30 : memref<!tpu.dma_semaphore, #tpu.memory_space<semaphore_mem>>)
    %min3A_222 = arith.constant 2 : i32
    %min3A_223 = arith.constant 159 : i32
    %min3A_224 = arith.minsi %min3A_222, %min3A_223 : i32
    %add3A_225 = arith.addi %mul3A_4, %min3A_224 : i32
    %dma_start3A_226 = arith.constant 0 : i32
    %dma_start3A_227 = tpu.memref_slice %arg3[%add3A_225, %dma_start3A_226] : memref<5120x64xi32, #tpu.memory_space<hbm>> -> memref<1x64xi32, #tpu.memory_space<hbm>>
    %dma_start3A_228 = tpu.memref_squeeze %dma_start3A_227 : memref<1x64xi32, #tpu.memory_space<hbm>> -> memref<64xi32, #tpu.memory_space<hbm>>
    %dma_start3A_229 = arith.constant 0 : i32
    %dma_start3A_230 = tpu.memref_slice %arg3[%add3A_225, %dma_start3A_229] : memref<5120x64xi32, #tpu.memory_space<hbm>> -> memref<1x64xi32, #tpu.memory_space<hbm>>
    %dma_start3A_231 = tpu.memref_squeeze %dma_start3A_230 : memref<1x64xi32, #tpu.memory_space<hbm>> -> memref<64xi32, #tpu.memory_space<hbm>>
    tpu.enqueue_dma source(%dma_start3A_231 : memref<64xi32, #tpu.memory_space<hbm>>) target(%arg13 : memref<64xi32, #tpu.memory_space<vmem>>) target_semaphore(%arg31 : memref<!tpu.dma_semaphore, #tpu.memory_space<semaphore_mem>>)
    %min3A_232 = arith.constant 3 : i32
    %min3A_233 = arith.constant 159 : i32
    %min3A_234 = arith.minsi %min3A_232, %min3A_233 : i32
    %add3A_235 = arith.addi %mul3A_4, %min3A_234 : i32
    %dma_start3A_236 = arith.constant 0 : i32
    %dma_start3A_237 = tpu.memref_slice %arg3[%add3A_235, %dma_start3A_236] : memref<5120x64xi32, #tpu.memory_space<hbm>> -> memref<1x64xi32, #tpu.memory_space<hbm>>
    %dma_start3A_238 = tpu.memref_squeeze %dma_start3A_237 : memref<1x64xi32, #tpu.memory_space<hbm>> -> memref<64xi32, #tpu.memory_space<hbm>>
    %dma_start3A_239 = arith.constant 0 : i32
    %dma_start3A_240 = tpu.memref_slice %arg3[%add3A_235, %dma_start3A_239] : memref<5120x64xi32, #tpu.memory_space<hbm>> -> memref<1x64xi32, #tpu.memory_space<hbm>>
    %dma_start3A_241 = tpu.memref_squeeze %dma_start3A_240 : memref<1x64xi32, #tpu.memory_space<hbm>> -> memref<64xi32, #tpu.memory_space<hbm>>
    tpu.enqueue_dma source(%dma_start3A_241 : memref<64xi32, #tpu.memory_space<hbm>>) target(%arg14 : memref<64xi32, #tpu.memory_space<vmem>>) target_semaphore(%arg32 : memref<!tpu.dma_semaphore, #tpu.memory_space<semaphore_mem>>)
    %min3A_242 = arith.constant 0 : i32
    %min3A_243 = arith.constant 159 : i32
    %min3A_244 = arith.minsi %min3A_242, %min3A_243 : i32
    %add3A_245 = arith.addi %mul3A_4, %min3A_244 : i32
    %dma_wait3A_246 = arith.constant 0 : i32
    %dma_wait3A_247 = tpu.memref_slice %arg3[%add3A_245, %dma_wait3A_246] : memref<5120x64xi32, #tpu.memory_space<hbm>> -> memref<1x64xi32, #tpu.memory_space<hbm>>
    %dma_wait3A_248 = tpu.memref_squeeze %dma_wait3A_247 : memref<1x64xi32, #tpu.memory_space<hbm>> -> memref<64xi32, #tpu.memory_space<hbm>>
    %dma_wait3A_249 = arith.constant 0 : i32
    %dma_wait3A_250 = tpu.memref_slice %arg3[%add3A_245, %dma_wait3A_249] : memref<5120x64xi32, #tpu.memory_space<hbm>> -> memref<1x64xi32, #tpu.memory_space<hbm>>
    %dma_wait3A_251 = tpu.memref_squeeze %dma_wait3A_250 : memref<1x64xi32, #tpu.memory_space<hbm>> -> memref<64xi32, #tpu.memory_space<hbm>>
    tpu.wait_dma2 semaphore(%arg29 : memref<!tpu.dma_semaphore, #tpu.memory_space<semaphore_mem>>) src(%dma_wait3A_251 : memref<64xi32, #tpu.memory_space<hbm>>) dst(%arg11 : memref<64xi32, #tpu.memory_space<vmem>>)
    %get3A = arith.constant 0 : index
    %get3A_252 = tpu.vector_load %arg11[%get3A] {strides = array<i32>} : memref<64xi32, #tpu.memory_space<vmem>>, vector<16xi32>,
    %shift_right_arithmetic3A = arith.constant 14 : i32
    %shift_right_arithmetic3A_253 = vector.broadcast %shift_right_arithmetic3A : i32 to vector<16xi32>
    %shift_right_arithmetic3A_254 = arith.shrsi %get3A_252, %shift_right_arithmetic3A_253 : vector<16xi32>
    %swap3A = arith.constant 0 : index
    %swap3A_255 = tpu.vector_load %arg15[%swap3A] {strides = array<i32>} : memref<64xi32, #tpu.memory_space<vmem>>, vector<16xi32>,
    tpu.vector_store %arg15[%swap3A], %shift_right_arithmetic3A_254 {strides = array<i32>} : memref<64xi32, #tpu.memory_space<vmem>>, vector<16xi32>,
    %and3A = arith.constant 16383 : i32
    %and3A_256 = vector.broadcast %and3A : i32 to vector<16xi32>
    %and3A_257 = arith.andi %get3A_252, %and3A_256 : vector<16xi32>
    %swap3A_258 = arith.constant 0 : index
    %swap3A_259 = tpu.vector_load %arg19[%swap3A_258] {strides = array<i32>} : memref<64xi32, #tpu.memory_space<vmem>>, vector<16xi32>,
    tpu.vector_store %arg19[%swap3A_258], %and3A_257 {strides = array<i32>} : memref<64xi32, #tpu.memory_space<vmem>>, vector<16xi32>,
    %get3A_260 = arith.constant 16 : index
    %get3A_261 = tpu.vector_load %arg11[%get3A_260] {strides = array<i32>} : memref<64xi32, #tpu.memory_space<vmem>>, vector<16xi32>,
    %shift_right_arithmetic3A_262 = arith.constant 14 : i32
    %shift_right_arithmetic3A_263 = vector.broadcast %shift_right_arithmetic3A_262 : i32 to vector<16xi32>
    %shift_right_arithmetic3A_264 = arith.shrsi %get3A_261, %shift_right_arithmetic3A_263 : vector<16xi32>
    %swap3A_265 = arith.constant 16 : index
    %swap3A_266 = tpu.vector_load %arg15[%swap3A_265] {strides = array<i32>} : memref<64xi32, #tpu.memory_space<vmem>>, vector<16xi32>,
    tpu.vector_store %arg15[%swap3A_265], %shift_right_arithmetic3A_264 {strides = array<i32>} : memref<64xi32, #tpu.memory_space<vmem>>, vector<16xi32>,
    %and3A_267 = arith.constant 16383 : i32
    %and3A_268 = vector.broadcast %and3A_267 : i32 to vector<16xi32>
    %and3A_269 = arith.andi %get3A_261, %and3A_268 : vector<16xi32>
    %swap3A_270 = arith.constant 16 : index
    %swap3A_271 = tpu.vector_load %arg19[%swap3A_270] {strides = array<i32>} : memref<64xi32, #tpu.memory_space<vmem>>, vector<16xi32>,
    tpu.vector_store %arg19[%swap3A_270], %and3A_269 {strides = array<i32>} : memref<64xi32, #tpu.memory_space<vmem>>, vector<16xi32>,
    %get3A_272 = arith.constant 32 : index
    %get3A_273 = tpu.vector_load %arg11[%get3A_272] {strides = array<i32>} : memref<64xi32, #tpu.memory_space<vmem>>, vector<16xi32>,
    %shift_right_arithmetic3A_274 = arith.constant 14 : i32
    %shift_right_arithmetic3A_275 = vector.broadcast %shift_right_arithmetic3A_274 : i32 to vector<16xi32>
    %shift_right_arithmetic3A_276 = arith.shrsi %get3A_273, %shift_right_arithmetic3A_275 : vector<16xi32>
    %swap3A_277 = arith.constant 32 : index
    %swap3A_278 = tpu.vector_load %arg15[%swap3A_277] {strides = array<i32>} : memref<64xi32, #tpu.memory_space<vmem>>, vector<16xi32>,
    tpu.vector_store %arg15[%swap3A_277], %shift_right_arithmetic3A_276 {strides = array<i32>} : memref<64xi32, #tpu.memory_space<vmem>>, vector<16xi32>,
    %and3A_279 = arith.constant 16383 : i32
    %and3A_280 = vector.broadcast %and3A_279 : i32 to vector<16xi32>
    %and3A_281 = arith.andi %get3A_273, %and3A_280 : vector<16xi32>
    %swap3A_282 = arith.constant 32 : index
    %swap3A_283 = tpu.vector_load %arg19[%swap3A_282] {strides = array<i32>} : memref<64xi32, #tpu.memory_space<vmem>>, vector<16xi32>,
    tpu.vector_store %arg19[%swap3A_282], %and3A_281 {strides = array<i32>} : memref<64xi32, #tpu.memory_space<vmem>>, vector<16xi32>,
    %get3A_284 = arith.constant 48 : index
    %get3A_285 = tpu.vector_load %arg11[%get3A_284] {strides = array<i32>} : memref<64xi32, #tpu.memory_space<vmem>>, vector<16xi32>,
    %shift_right_arithmetic3A_286 = arith.constant 14 : i32
    %shift_right_arithmetic3A_287 = vector.broadcast %shift_right_arithmetic3A_286 : i32 to vector<16xi32>
    %shift_right_arithmetic3A_288 = arith.shrsi %get3A_285, %shift_right_arithmetic3A_287 : vector<16xi32>
    %swap3A_289 = arith.constant 48 : index
    %swap3A_290 = tpu.vector_load %arg15[%swap3A_289] {strides = array<i32>} : memref<64xi32, #tpu.memory_space<vmem>>, vector<16xi32>,
    tpu.vector_store %arg15[%swap3A_289], %shift_right_arithmetic3A_288 {strides = array<i32>} : memref<64xi32, #tpu.memory_space<vmem>>, vector<16xi32>,
    %and3A_291 = arith.constant 16383 : i32
    %and3A_292 = vector.broadcast %and3A_291 : i32 to vector<16xi32>
    %and3A_293 = arith.andi %get3A_285, %and3A_292 : vector<16xi32>
    %swap3A_294 = arith.constant 48 : index
    %swap3A_295 = tpu.vector_load %arg19[%swap3A_294] {strides = array<i32>} : memref<64xi32, #tpu.memory_space<vmem>>, vector<16xi32>,
    tpu.vector_store %arg19[%swap3A_294], %and3A_293 {strides = array<i32>} : memref<64xi32, #tpu.memory_space<vmem>>, vector<16xi32>,
    %min3A_296 = arith.constant 4 : i32
    %min3A_297 = arith.constant 159 : i32
    %min3A_298 = arith.minsi %min3A_296, %min3A_297 : i32
    %add3A_299 = arith.addi %mul3A_4, %min3A_298 : i32
    %dma_start3A_300 = arith.constant 0 : i32
    %dma_start3A_301 = tpu.memref_slice %arg3[%add3A_299, %dma_start3A_300] : memref<5120x64xi32, #tpu.memory_space<hbm>> -> memref<1x64xi32, #tpu.memory_space<hbm>>
    %dma_start3A_302 = tpu.memref_squeeze %dma_start3A_301 : memref<1x64xi32, #tpu.memory_space<hbm>> -> memref<64xi32, #tpu.memory_space<hbm>>
    %dma_start3A_303 = arith.constant 0 : i32
    %dma_start3A_304 = tpu.memref_slice %arg3[%add3A_299, %dma_start3A_303] : memref<5120x64xi32, #tpu.memory_space<hbm>> -> memref<1x64xi32, #tpu.memory_space<hbm>>
    %dma_start3A_305 = tpu.memref_squeeze %dma_start3A_304 : memref<1x64xi32, #tpu.memory_space<hbm>> -> memref<64xi32, #tpu.memory_space<hbm>>
    tpu.enqueue_dma source(%dma_start3A_305 : memref<64xi32, #tpu.memory_space<hbm>>) target(%arg11 : memref<64xi32, #tpu.memory_space<vmem>>) target_semaphore(%arg29 : memref<!tpu.dma_semaphore, #tpu.memory_space<semaphore_mem>>)
    %dma_start3A_306 = arith.constant 0 : i32
    %dma_start3A_307 = arith.constant 0 : i32
    %dma_start3A_308 = tpu.memref_slice %arg2[%dma_start3A_306, %dma_start3A_307] : memref<10000x128xf32, #tpu.memory_space<hbm>> -> memref<10000x128xf32, #tpu.memory_space<hbm>>
    tpu.enqueue_indirect_dma source(%dma_start3A_308 : memref<10000x128xf32, #tpu.memory_space<hbm>>) target(%arg23 : memref<64x128xf32, #tpu.memory_space<vmem>>) offsets(%arg15 : memref<64xi32, #tpu.memory_space<vmem>>) semaphore(%arg33 : memref<!tpu.dma_semaphore, #tpu.memory_space<semaphore_mem>>)
    %min3A_309 = arith.constant 1 : i32
    %min3A_310 = arith.constant 159 : i32
    %min3A_311 = arith.minsi %min3A_309, %min3A_310 : i32
    %add3A_312 = arith.addi %mul3A_4, %min3A_311 : i32
    %dma_wait3A_313 = arith.constant 0 : i32
    %dma_wait3A_314 = tpu.memref_slice %arg3[%add3A_312, %dma_wait3A_313] : memref<5120x64xi32, #tpu.memory_space<hbm>> -> memref<1x64xi32, #tpu.memory_space<hbm>>
    %dma_wait3A_315 = tpu.memref_squeeze %dma_wait3A_314 : memref<1x64xi32, #tpu.memory_space<hbm>> -> memref<64xi32, #tpu.memory_space<hbm>>
    %dma_wait3A_316 = arith.constant 0 : i32
    %dma_wait3A_317 = tpu.memref_slice %arg3[%add3A_312, %dma_wait3A_316] : memref<5120x64xi32, #tpu.memory_space<hbm>> -> memref<1x64xi32, #tpu.memory_space<hbm>>
    %dma_wait3A_318 = tpu.memref_squeeze %dma_wait3A_317 : memref<1x64xi32, #tpu.memory_space<hbm>> -> memref<64xi32, #tpu.memory_space<hbm>>
    tpu.wait_dma2 semaphore(%arg30 : memref<!tpu.dma_semaphore, #tpu.memory_space<semaphore_mem>>) src(%dma_wait3A_318 : memref<64xi32, #tpu.memory_space<hbm>>) dst(%arg12 : memref<64xi32, #tpu.memory_space<vmem>>)
    %get3A_319 = arith.constant 0 : index
    %get3A_320 = tpu.vector_load %arg12[%get3A_319] {strides = array<i32>} : memref<64xi32, #tpu.memory_space<vmem>>, vector<16xi32>,
    %shift_right_arithmetic3A_321 = arith.constant 14 : i32
    %shift_right_arithmetic3A_322 = vector.broadcast %shift_right_arithmetic3A_321 : i32 to vector<16xi32>
    %shift_right_arithmetic3A_323 = arith.shrsi %get3A_320, %shift_right_arithmetic3A_322 : vector<16xi32>
    %swap3A_324 = arith.constant 0 : index
    %swap3A_325 = tpu.vector_load %arg16[%swap3A_324] {strides = array<i32>} : memref<64xi32, #tpu.memory_space<vmem>>, vector<16xi32>,
    tpu.vector_store %arg16[%swap3A_324], %shift_right_arithmetic3A_323 {strides = array<i32>} : memref<64xi32, #tpu.memory_space<vmem>>, vector<16xi32>,
    %and3A_326 = arith.constant 16383 : i32
    %and3A_327 = vector.broadcast %and3A_326 : i32 to vector<16xi32>
    %and3A_328 = arith.andi %get3A_320, %and3A_327 : vector<16xi32>
    %swap3A_329 = arith.constant 0 : index
    %swap3A_330 = tpu.vector_load %arg20[%swap3A_329] {strides = array<i32>} : memref<64xi32, #tpu.memory_space<vmem>>, vector<16xi32>,
    tpu.vector_store %arg20[%swap3A_329], %and3A_328 {strides = array<i32>} : memref<64xi32, #tpu.memory_space<vmem>>, vector<16xi32>,
    %get3A_331 = arith.constant 16 : index
    %get3A_332 = tpu.vector_load %arg12[%get3A_331] {strides = array<i32>} : memref<64xi32, #tpu.memory_space<vmem>>, vector<16xi32>,
    %shift_right_arithmetic3A_333 = arith.constant 14 : i32
    %shift_right_arithmetic3A_334 = vector.broadcast %shift_right_arithmetic3A_333 : i32 to vector<16xi32>
    %shift_right_arithmetic3A_335 = arith.shrsi %get3A_332, %shift_right_arithmetic3A_334 : vector<16xi32>
    %swap3A_336 = arith.constant 16 : index
    %swap3A_337 = tpu.vector_load %arg16[%swap3A_336] {strides = array<i32>} : memref<64xi32, #tpu.memory_space<vmem>>, vector<16xi32>,
    tpu.vector_store %arg16[%swap3A_336], %shift_right_arithmetic3A_335 {strides = array<i32>} : memref<64xi32, #tpu.memory_space<vmem>>, vector<16xi32>,
    %and3A_338 = arith.constant 16383 : i32
    %and3A_339 = vector.broadcast %and3A_338 : i32 to vector<16xi32>
    %and3A_340 = arith.andi %get3A_332, %and3A_339 : vector<16xi32>
    %swap3A_341 = arith.constant 16 : index
    %swap3A_342 = tpu.vector_load %arg20[%swap3A_341] {strides = array<i32>} : memref<64xi32, #tpu.memory_space<vmem>>, vector<16xi32>,
    tpu.vector_store %arg20[%swap3A_341], %and3A_340 {strides = array<i32>} : memref<64xi32, #tpu.memory_space<vmem>>, vector<16xi32>,
    %get3A_343 = arith.constant 32 : index
    %get3A_344 = tpu.vector_load %arg12[%get3A_343] {strides = array<i32>} : memref<64xi32, #tpu.memory_space<vmem>>, vector<16xi32>,
    %shift_right_arithmetic3A_345 = arith.constant 14 : i32
    %shift_right_arithmetic3A_346 = vector.broadcast %shift_right_arithmetic3A_345 : i32 to vector<16xi32>
    %shift_right_arithmetic3A_347 = arith.shrsi %get3A_344, %shift_right_arithmetic3A_346 : vector<16xi32>
    %swap3A_348 = arith.constant 32 : index
    %swap3A_349 = tpu.vector_load %arg16[%swap3A_348] {strides = array<i32>} : memref<64xi32, #tpu.memory_space<vmem>>, vector<16xi32>,
    tpu.vector_store %arg16[%swap3A_348], %shift_right_arithmetic3A_347 {strides = array<i32>} : memref<64xi32, #tpu.memory_space<vmem>>, vector<16xi32>,
    %and3A_350 = arith.constant 16383 : i32
    %and3A_351 = vector.broadcast %and3A_350 : i32 to vector<16xi32>
    %and3A_352 = arith.andi %get3A_344, %and3A_351 : vector<16xi32>
    %swap3A_353 = arith.constant 32 : index
    %swap3A_354 = tpu.vector_load %arg20[%swap3A_353] {strides = array<i32>} : memref<64xi32, #tpu.memory_space<vmem>>, vector<16xi32>,
    tpu.vector_store %arg20[%swap3A_353], %and3A_352 {strides = array<i32>} : memref<64xi32, #tpu.memory_space<vmem>>, vector<16xi32>,
    %get3A_355 = arith.constant 48 : index
    %get3A_356 = tpu.vector_load %arg12[%get3A_355] {strides = array<i32>} : memref<64xi32, #tpu.memory_space<vmem>>, vector<16xi32>,
    %shift_right_arithmetic3A_357 = arith.constant 14 : i32
    %shift_right_arithmetic3A_358 = vector.broadcast %shift_right_arithmetic3A_357 : i32 to vector<16xi32>
    %shift_right_arithmetic3A_359 = arith.shrsi %get3A_356, %shift_right_arithmetic3A_358 : vector<16xi32>
    %swap3A_360 = arith.constant 48 : index
    %swap3A_361 = tpu.vector_load %arg16[%swap3A_360] {strides = array<i32>} : memref<64xi32, #tpu.memory_space<vmem>>, vector<16xi32>,
    tpu.vector_store %arg16[%swap3A_360], %shift_right_arithmetic3A_359 {strides = array<i32>} : memref<64xi32, #tpu.memory_space<vmem>>, vector<16xi32>,
    %and3A_362 = arith.constant 16383 : i32
    %and3A_363 = vector.broadcast %and3A_362 : i32 to vector<16xi32>
    %and3A_364 = arith.andi %get3A_356, %and3A_363 : vector<16xi32>
    %swap3A_365 = arith.constant 48 : index
    %swap3A_366 = tpu.vector_load %arg20[%swap3A_365] {strides = array<i32>} : memref<64xi32, #tpu.memory_space<vmem>>, vector<16xi32>,
    tpu.vector_store %arg20[%swap3A_365], %and3A_364 {strides = array<i32>} : memref<64xi32, #tpu.memory_space<vmem>>, vector<16xi32>,
    %min3A_367 = arith.constant 5 : i32
    %min3A_368 = arith.constant 159 : i32
    %min3A_369 = arith.minsi %min3A_367, %min3A_368 : i32
    %add3A_370 = arith.addi %mul3A_4, %min3A_369 : i32
    %dma_start3A_371 = arith.constant 0 : i32
    %dma_start3A_372 = tpu.memref_slice %arg3[%add3A_370, %dma_start3A_371] : memref<5120x64xi32, #tpu.memory_space<hbm>> -> memref<1x64xi32, #tpu.memory_space<hbm>>
    %dma_start3A_373 = tpu.memref_squeeze %dma_start3A_372 : memref<1x64xi32, #tpu.memory_space<hbm>> -> memref<64xi32, #tpu.memory_space<hbm>>
    %dma_start3A_374 = arith.constant 0 : i32
    %dma_start3A_375 = tpu.memref_slice %arg3[%add3A_370, %dma_start3A_374] : memref<5120x64xi32, #tpu.memory_space<hbm>> -> memref<1x64xi32, #tpu.memory_space<hbm>>
    %dma_start3A_376 = tpu.memref_squeeze %dma_start3A_375 : memref<1x64xi32, #tpu.memory_space<hbm>> -> memref<64xi32, #tpu.memory_space<hbm>>
    tpu.enqueue_dma source(%dma_start3A_376 : memref<64xi32, #tpu.memory_space<hbm>>) target(%arg12 : memref<64xi32, #tpu.memory_space<vmem>>) target_semaphore(%arg30 : memref<!tpu.dma_semaphore, #tpu.memory_space<semaphore_mem>>)
    %dma_start3A_377 = arith.constant 0 : i32
    %dma_start3A_378 = arith.constant 0 : i32
    %dma_start3A_379 = tpu.memref_slice %arg2[%dma_start3A_377, %dma_start3A_378] : memref<10000x128xf32, #tpu.memory_space<hbm>> -> memref<10000x128xf32, #tpu.memory_space<hbm>>
    tpu.enqueue_indirect_dma source(%dma_start3A_379 : memref<10000x128xf32, #tpu.memory_space<hbm>>) target(%arg24 : memref<64x128xf32, #tpu.memory_space<vmem>>) offsets(%arg16 : memref<64xi32, #tpu.memory_space<vmem>>) semaphore(%arg34 : memref<!tpu.dma_semaphore, #tpu.memory_space<semaphore_mem>>)
    %min3A_380 = arith.constant 2 : i32
    %min3A_381 = arith.constant 159 : i32
    %min3A_382 = arith.minsi %min3A_380, %min3A_381 : i32
    %add3A_383 = arith.addi %mul3A_4, %min3A_382 : i32
    %dma_wait3A_384 = arith.constant 0 : i32
    %dma_wait3A_385 = tpu.memref_slice %arg3[%add3A_383, %dma_wait3A_384] : memref<5120x64xi32, #tpu.memory_space<hbm>> -> memref<1x64xi32, #tpu.memory_space<hbm>>
    %dma_wait3A_386 = tpu.memref_squeeze %dma_wait3A_385 : memref<1x64xi32, #tpu.memory_space<hbm>> -> memref<64xi32, #tpu.memory_space<hbm>>
    %dma_wait3A_387 = arith.constant 0 : i32
    %dma_wait3A_388 = tpu.memref_slice %arg3[%add3A_383, %dma_wait3A_387] : memref<5120x64xi32, #tpu.memory_space<hbm>> -> memref<1x64xi32, #tpu.memory_space<hbm>>
    %dma_wait3A_389 = tpu.memref_squeeze %dma_wait3A_388 : memref<1x64xi32, #tpu.memory_space<hbm>> -> memref<64xi32, #tpu.memory_space<hbm>>
    tpu.wait_dma2 semaphore(%arg31 : memref<!tpu.dma_semaphore, #tpu.memory_space<semaphore_mem>>) src(%dma_wait3A_389 : memref<64xi32, #tpu.memory_space<hbm>>) dst(%arg13 : memref<64xi32, #tpu.memory_space<vmem>>)
    %get3A_390 = arith.constant 0 : index
    %get3A_391 = tpu.vector_load %arg13[%get3A_390] {strides = array<i32>} : memref<64xi32, #tpu.memory_space<vmem>>, vector<16xi32>,
    %shift_right_arithmetic3A_392 = arith.constant 14 : i32
    %shift_right_arithmetic3A_393 = vector.broadcast %shift_right_arithmetic3A_392 : i32 to vector<16xi32>
    %shift_right_arithmetic3A_394 = arith.shrsi %get3A_391, %shift_right_arithmetic3A_393 : vector<16xi32>
    %swap3A_395 = arith.constant 0 : index
    %swap3A_396 = tpu.vector_load %arg17[%swap3A_395] {strides = array<i32>} : memref<64xi32, #tpu.memory_space<vmem>>, vector<16xi32>,
    tpu.vector_store %arg17[%swap3A_395], %shift_right_arithmetic3A_394 {strides = array<i32>} : memref<64xi32, #tpu.memory_space<vmem>>, vector<16xi32>,
    %and3A_397 = arith.constant 16383 : i32
    %and3A_398 = vector.broadcast %and3A_397 : i32 to vector<16xi32>
    %and3A_399 = arith.andi %get3A_391, %and3A_398 : vector<16xi32>
    %swap3A_400 = arith.constant 0 : index
    %swap3A_401 = tpu.vector_load %arg21[%swap3A_400] {strides = array<i32>} : memref<64xi32, #tpu.memory_space<vmem>>, vector<16xi32>,
    tpu.vector_store %arg21[%swap3A_400], %and3A_399 {strides = array<i32>} : memref<64xi32, #tpu.memory_space<vmem>>, vector<16xi32>,
    %get3A_402 = arith.constant 16 : index
    %get3A_403 = tpu.vector_load %arg13[%get3A_402] {strides = array<i32>} : memref<64xi32, #tpu.memory_space<vmem>>, vector<16xi32>,
    %shift_right_arithmetic3A_404 = arith.constant 14 : i32
    %shift_right_arithmetic3A_405 = vector.broadcast %shift_right_arithmetic3A_404 : i32 to vector<16xi32>
    %shift_right_arithmetic3A_406 = arith.shrsi %get3A_403, %shift_right_arithmetic3A_405 : vector<16xi32>
    %swap3A_407 = arith.constant 16 : index
    %swap3A_408 = tpu.vector_load %arg17[%swap3A_407] {strides = array<i32>} : memref<64xi32, #tpu.memory_space<vmem>>, vector<16xi32>,
    tpu.vector_store %arg17[%swap3A_407], %shift_right_arithmetic3A_406 {strides = array<i32>} : memref<64xi32, #tpu.memory_space<vmem>>, vector<16xi32>,
    %and3A_409 = arith.constant 16383 : i32
    %and3A_410 = vector.broadcast %and3A_409 : i32 to vector<16xi32>
    %and3A_411 = arith.andi %get3A_403, %and3A_410 : vector<16xi32>
    %swap3A_412 = arith.constant 16 : index
    %swap3A_413 = tpu.vector_load %arg21[%swap3A_412] {strides = array<i32>} : memref<64xi32, #tpu.memory_space<vmem>>, vector<16xi32>,
    tpu.vector_store %arg21[%swap3A_412], %and3A_411 {strides = array<i32>} : memref<64xi32, #tpu.memory_space<vmem>>, vector<16xi32>,
    %get3A_414 = arith.constant 32 : index
    %get3A_415 = tpu.vector_load %arg13[%get3A_414] {strides = array<i32>} : memref<64xi32, #tpu.memory_space<vmem>>, vector<16xi32>,
    %shift_right_arithmetic3A_416 = arith.constant 14 : i32
    %shift_right_arithmetic3A_417 = vector.broadcast %shift_right_arithmetic3A_416 : i32 to vector<16xi32>
    %shift_right_arithmetic3A_418 = arith.shrsi %get3A_415, %shift_right_arithmetic3A_417 : vector<16xi32>
    %swap3A_419 = arith.constant 32 : index
    %swap3A_420 = tpu.vector_load %arg17[%swap3A_419] {strides = array<i32>} : memref<64xi32, #tpu.memory_space<vmem>>, vector<16xi32>,
    tpu.vector_store %arg17[%swap3A_419], %shift_right_arithmetic3A_418 {strides = array<i32>} : memref<64xi32, #tpu.memory_space<vmem>>, vector<16xi32>,
    %and3A_421 = arith.constant 16383 : i32
    %and3A_422 = vector.broadcast %and3A_421 : i32 to vector<16xi32>
    %and3A_423 = arith.andi %get3A_415, %and3A_422 : vector<16xi32>
    %swap3A_424 = arith.constant 32 : index
    %swap3A_425 = tpu.vector_load %arg21[%swap3A_424] {strides = array<i32>} : memref<64xi32, #tpu.memory_space<vmem>>, vector<16xi32>,
    tpu.vector_store %arg21[%swap3A_424], %and3A_423 {strides = array<i32>} : memref<64xi32, #tpu.memory_space<vmem>>, vector<16xi32>,
    %get3A_426 = arith.constant 48 : index
    %get3A_427 = tpu.vector_load %arg13[%get3A_426] {strides = array<i32>} : memref<64xi32, #tpu.memory_space<vmem>>, vector<16xi32>,
    %shift_right_arithmetic3A_428 = arith.constant 14 : i32
    %shift_right_arithmetic3A_429 = vector.broadcast %shift_right_arithmetic3A_428 : i32 to vector<16xi32>
    %shift_right_arithmetic3A_430 = arith.shrsi %get3A_427, %shift_right_arithmetic3A_429 : vector<16xi32>
    %swap3A_431 = arith.constant 48 : index
    %swap3A_432 = tpu.vector_load %arg17[%swap3A_431] {strides = array<i32>} : memref<64xi32, #tpu.memory_space<vmem>>, vector<16xi32>,
    tpu.vector_store %arg17[%swap3A_431], %shift_right_arithmetic3A_430 {strides = array<i32>} : memref<64xi32, #tpu.memory_space<vmem>>, vector<16xi32>,
    %and3A_433 = arith.constant 16383 : i32
    %and3A_434 = vector.broadcast %and3A_433 : i32 to vector<16xi32>
    %and3A_435 = arith.andi %get3A_427, %and3A_434 : vector<16xi32>
    %swap3A_436 = arith.constant 48 : index
    %swap3A_437 = tpu.vector_load %arg21[%swap3A_436] {strides = array<i32>} : memref<64xi32, #tpu.memory_space<vmem>>, vector<16xi32>,
    tpu.vector_store %arg21[%swap3A_436], %and3A_435 {strides = array<i32>} : memref<64xi32, #tpu.memory_space<vmem>>, vector<16xi32>,
    %min3A_438 = arith.constant 6 : i32
    %min3A_439 = arith.constant 159 : i32
    %min3A_440 = arith.minsi %min3A_438, %min3A_439 : i32
    %add3A_441 = arith.addi %mul3A_4, %min3A_440 : i32
    %dma_start3A_442 = arith.constant 0 : i32
    %dma_start3A_443 = tpu.memref_slice %arg3[%add3A_441, %dma_start3A_442] : memref<5120x64xi32, #tpu.memory_space<hbm>> -> memref<1x64xi32, #tpu.memory_space<hbm>>
    %dma_start3A_444 = tpu.memref_squeeze %dma_start3A_443 : memref<1x64xi32, #tpu.memory_space<hbm>> -> memref<64xi32, #tpu.memory_space<hbm>>
    %dma_start3A_445 = arith.constant 0 : i32
    %dma_start3A_446 = tpu.memref_slice %arg3[%add3A_441, %dma_start3A_445] : memref<5120x64xi32, #tpu.memory_space<hbm>> -> memref<1x64xi32, #tpu.memory_space<hbm>>
    %dma_start3A_447 = tpu.memref_squeeze %dma_start3A_446 : memref<1x64xi32, #tpu.memory_space<hbm>> -> memref<64xi32, #tpu.memory_space<hbm>>
    tpu.enqueue_dma source(%dma_start3A_447 : memref<64xi32, #tpu.memory_space<hbm>>) target(%arg13 : memref<64xi32, #tpu.memory_space<vmem>>) target_semaphore(%arg31 : memref<!tpu.dma_semaphore, #tpu.memory_space<semaphore_mem>>)
    %dma_start3A_448 = arith.constant 0 : i32
    %dma_start3A_449 = arith.constant 0 : i32
    %dma_start3A_450 = tpu.memref_slice %arg2[%dma_start3A_448, %dma_start3A_449] : memref<10000x128xf32, #tpu.memory_space<hbm>> -> memref<10000x128xf32, #tpu.memory_space<hbm>>
    tpu.enqueue_indirect_dma source(%dma_start3A_450 : memref<10000x128xf32, #tpu.memory_space<hbm>>) target(%arg25 : memref<64x128xf32, #tpu.memory_space<vmem>>) offsets(%arg17 : memref<64xi32, #tpu.memory_space<vmem>>) semaphore(%arg35 : memref<!tpu.dma_semaphore, #tpu.memory_space<semaphore_mem>>)
    %min3A_451 = arith.constant 3 : i32
    %min3A_452 = arith.constant 159 : i32
    %min3A_453 = arith.minsi %min3A_451, %min3A_452 : i32
    %add3A_454 = arith.addi %mul3A_4, %min3A_453 : i32
    %dma_wait3A_455 = arith.constant 0 : i32
    %dma_wait3A_456 = tpu.memref_slice %arg3[%add3A_454, %dma_wait3A_455] : memref<5120x64xi32, #tpu.memory_space<hbm>> -> memref<1x64xi32, #tpu.memory_space<hbm>>
    %dma_wait3A_457 = tpu.memref_squeeze %dma_wait3A_456 : memref<1x64xi32, #tpu.memory_space<hbm>> -> memref<64xi32, #tpu.memory_space<hbm>>
    %dma_wait3A_458 = arith.constant 0 : i32
    %dma_wait3A_459 = tpu.memref_slice %arg3[%add3A_454, %dma_wait3A_458] : memref<5120x64xi32, #tpu.memory_space<hbm>> -> memref<1x64xi32, #tpu.memory_space<hbm>>
    %dma_wait3A_460 = tpu.memref_squeeze %dma_wait3A_459 : memref<1x64xi32, #tpu.memory_space<hbm>> -> memref<64xi32, #tpu.memory_space<hbm>>
    tpu.wait_dma2 semaphore(%arg32 : memref<!tpu.dma_semaphore, #tpu.memory_space<semaphore_mem>>) src(%dma_wait3A_460 : memref<64xi32, #tpu.memory_space<hbm>>) dst(%arg14 : memref<64xi32, #tpu.memory_space<vmem>>)
    %get3A_461 = arith.constant 0 : index
    %get3A_462 = tpu.vector_load %arg14[%get3A_461] {strides = array<i32>} : memref<64xi32, #tpu.memory_space<vmem>>, vector<16xi32>,
    %shift_right_arithmetic3A_463 = arith.constant 14 : i32
    %shift_right_arithmetic3A_464 = vector.broadcast %shift_right_arithmetic3A_463 : i32 to vector<16xi32>
    %shift_right_arithmetic3A_465 = arith.shrsi %get3A_462, %shift_right_arithmetic3A_464 : vector<16xi32>
    %swap3A_466 = arith.constant 0 : index
    %swap3A_467 = tpu.vector_load %arg18[%swap3A_466] {strides = array<i32>} : memref<64xi32, #tpu.memory_space<vmem>>, vector<16xi32>,
    tpu.vector_store %arg18[%swap3A_466], %shift_right_arithmetic3A_465 {strides = array<i32>} : memref<64xi32, #tpu.memory_space<vmem>>, vector<16xi32>,
    %and3A_468 = arith.constant 16383 : i32
    %and3A_469 = vector.broadcast %and3A_468 : i32 to vector<16xi32>
    %and3A_470 = arith.andi %get3A_462, %and3A_469 : vector<16xi32>
    %swap3A_471 = arith.constant 0 : index
    %swap3A_472 = tpu.vector_load %arg22[%swap3A_471] {strides = array<i32>} : memref<64xi32, #tpu.memory_space<vmem>>, vector<16xi32>,
    tpu.vector_store %arg22[%swap3A_471], %and3A_470 {strides = array<i32>} : memref<64xi32, #tpu.memory_space<vmem>>, vector<16xi32>,
    %get3A_473 = arith.constant 16 : index
    %get3A_474 = tpu.vector_load %arg14[%get3A_473] {strides = array<i32>} : memref<64xi32, #tpu.memory_space<vmem>>, vector<16xi32>,
    %shift_right_arithmetic3A_475 = arith.constant 14 : i32
    %shift_right_arithmetic3A_476 = vector.broadcast %shift_right_arithmetic3A_475 : i32 to vector<16xi32>
    %shift_right_arithmetic3A_477 = arith.shrsi %get3A_474, %shift_right_arithmetic3A_476 : vector<16xi32>
    %swap3A_478 = arith.constant 16 : index
    %swap3A_479 = tpu.vector_load %arg18[%swap3A_478] {strides = array<i32>} : memref<64xi32, #tpu.memory_space<vmem>>, vector<16xi32>,
    tpu.vector_store %arg18[%swap3A_478], %shift_right_arithmetic3A_477 {strides = array<i32>} : memref<64xi32, #tpu.memory_space<vmem>>, vector<16xi32>,
    %and3A_480 = arith.constant 16383 : i32
    %and3A_481 = vector.broadcast %and3A_480 : i32 to vector<16xi32>
    %and3A_482 = arith.andi %get3A_474, %and3A_481 : vector<16xi32>
    %swap3A_483 = arith.constant 16 : index
    %swap3A_484 = tpu.vector_load %arg22[%swap3A_483] {strides = array<i32>} : memref<64xi32, #tpu.memory_space<vmem>>, vector<16xi32>,
    tpu.vector_store %arg22[%swap3A_483], %and3A_482 {strides = array<i32>} : memref<64xi32, #tpu.memory_space<vmem>>, vector<16xi32>,
    %get3A_485 = arith.constant 32 : index
    %get3A_486 = tpu.vector_load %arg14[%get3A_485] {strides = array<i32>} : memref<64xi32, #tpu.memory_space<vmem>>, vector<16xi32>,
    %shift_right_arithmetic3A_487 = arith.constant 14 : i32
    %shift_right_arithmetic3A_488 = vector.broadcast %shift_right_arithmetic3A_487 : i32 to vector<16xi32>
    %shift_right_arithmetic3A_489 = arith.shrsi %get3A_486, %shift_right_arithmetic3A_488 : vector<16xi32>
    %swap3A_490 = arith.constant 32 : index
    %swap3A_491 = tpu.vector_load %arg18[%swap3A_490] {strides = array<i32>} : memref<64xi32, #tpu.memory_space<vmem>>, vector<16xi32>,
    tpu.vector_store %arg18[%swap3A_490], %shift_right_arithmetic3A_489 {strides = array<i32>} : memref<64xi32, #tpu.memory_space<vmem>>, vector<16xi32>,
    %and3A_492 = arith.constant 16383 : i32
    %and3A_493 = vector.broadcast %and3A_492 : i32 to vector<16xi32>
    %and3A_494 = arith.andi %get3A_486, %and3A_493 : vector<16xi32>
    %swap3A_495 = arith.constant 32 : index
    %swap3A_496 = tpu.vector_load %arg22[%swap3A_495] {strides = array<i32>} : memref<64xi32, #tpu.memory_space<vmem>>, vector<16xi32>,
    tpu.vector_store %arg22[%swap3A_495], %and3A_494 {strides = array<i32>} : memref<64xi32, #tpu.memory_space<vmem>>, vector<16xi32>,
    %get3A_497 = arith.constant 48 : index
    %get3A_498 = tpu.vector_load %arg14[%get3A_497] {strides = array<i32>} : memref<64xi32, #tpu.memory_space<vmem>>, vector<16xi32>,
    %shift_right_arithmetic3A_499 = arith.constant 14 : i32
    %shift_right_arithmetic3A_500 = vector.broadcast %shift_right_arithmetic3A_499 : i32 to vector<16xi32>
    %shift_right_arithmetic3A_501 = arith.shrsi %get3A_498, %shift_right_arithmetic3A_500 : vector<16xi32>
    %swap3A_502 = arith.constant 48 : index
    %swap3A_503 = tpu.vector_load %arg18[%swap3A_502] {strides = array<i32>} : memref<64xi32, #tpu.memory_space<vmem>>, vector<16xi32>,
    tpu.vector_store %arg18[%swap3A_502], %shift_right_arithmetic3A_501 {strides = array<i32>} : memref<64xi32, #tpu.memory_space<vmem>>, vector<16xi32>,
    %and3A_504 = arith.constant 16383 : i32
    %and3A_505 = vector.broadcast %and3A_504 : i32 to vector<16xi32>
    %and3A_506 = arith.andi %get3A_498, %and3A_505 : vector<16xi32>
    %swap3A_507 = arith.constant 48 : index
    %swap3A_508 = tpu.vector_load %arg22[%swap3A_507] {strides = array<i32>} : memref<64xi32, #tpu.memory_space<vmem>>, vector<16xi32>,
    tpu.vector_store %arg22[%swap3A_507], %and3A_506 {strides = array<i32>} : memref<64xi32, #tpu.memory_space<vmem>>, vector<16xi32>,
    %min3A_509 = arith.constant 7 : i32
    %min3A_510 = arith.constant 159 : i32
    %min3A_511 = arith.minsi %min3A_509, %min3A_510 : i32
    %add3A_512 = arith.addi %mul3A_4, %min3A_511 : i32
    %dma_start3A_513 = arith.constant 0 : i32
    %dma_start3A_514 = tpu.memref_slice %arg3[%add3A_512, %dma_start3A_513] : memref<5120x64xi32, #tpu.memory_space<hbm>> -> memref<1x64xi32, #tpu.memory_space<hbm>>
    %dma_start3A_515 = tpu.memref_squeeze %dma_start3A_514 : memref<1x64xi32, #tpu.memory_space<hbm>> -> memref<64xi32, #tpu.memory_space<hbm>>
    %dma_start3A_516 = arith.constant 0 : i32
    %dma_start3A_517 = tpu.memref_slice %arg3[%add3A_512, %dma_start3A_516] : memref<5120x64xi32, #tpu.memory_space<hbm>> -> memref<1x64xi32, #tpu.memory_space<hbm>>
    %dma_start3A_518 = tpu.memref_squeeze %dma_start3A_517 : memref<1x64xi32, #tpu.memory_space<hbm>> -> memref<64xi32, #tpu.memory_space<hbm>>
    tpu.enqueue_dma source(%dma_start3A_518 : memref<64xi32, #tpu.memory_space<hbm>>) target(%arg14 : memref<64xi32, #tpu.memory_space<vmem>>) target_semaphore(%arg32 : memref<!tpu.dma_semaphore, #tpu.memory_space<semaphore_mem>>)
    %dma_start3A_519 = arith.constant 0 : i32
    %dma_start3A_520 = arith.constant 0 : i32
    %dma_start3A_521 = tpu.memref_slice %arg2[%dma_start3A_519, %dma_start3A_520] : memref<10000x128xf32, #tpu.memory_space<hbm>> -> memref<10000x128xf32, #tpu.memory_space<hbm>>
    tpu.enqueue_indirect_dma source(%dma_start3A_521 : memref<10000x128xf32, #tpu.memory_space<hbm>>) target(%arg26 : memref<64x128xf32, #tpu.memory_space<vmem>>) offsets(%arg18 : memref<64xi32, #tpu.memory_space<vmem>>) semaphore(%arg36 : memref<!tpu.dma_semaphore, #tpu.memory_space<semaphore_mem>>)
    %scan3A = arith.constant 0 : i32
    %scan3A_522 = arith.constant 39 : i32
    %scan3A_523 = arith.addi %scan3A, %scan3A_522 : i32
    %scan3A_524 = arith.constant 1 : i32
    scf.for %scan3A_1030 = %scan3A to %scan3A_523 step %scan3A_524  : i32 {
      %mul3A_1031 = arith.constant 1 : i32
      %mul3A_1032 = arith.muli %scan3A_1030, %mul3A_1031 : i32
      %add3A_1033 = arith.constant 0 : i32
      %add3A_1034 = arith.addi %add3A_1033, %mul3A_1032 : i32
      %mul3A_1035 = arith.constant 4 : i32
      %mul3A_1036 = arith.muli %add3A_1034, %mul3A_1035 : i32
      %multiple_of3A = tpu.assume_multiple %mul3A_1036, 4 : i32
      %dma_wait3A_1037 = arith.constant 0 : i32
      %dma_wait3A_1038 = arith.constant 0 : i32
      %dma_wait3A_1039 = tpu.memref_slice %arg2[%dma_wait3A_1037, %dma_wait3A_1038] : memref<10000x128xf32, #tpu.memory_space<hbm>> -> memref<10000x128xf32, #tpu.memory_space<hbm>>
      tpu.wait_indirect_dma semaphore(%arg33 : memref<!tpu.dma_semaphore, #tpu.memory_space<semaphore_mem>>) src(%dma_wait3A_1039 : memref<10000x128xf32, #tpu.memory_space<hbm>>) dst(%arg23 : memref<64x128xf32, #tpu.memory_space<vmem>>)
      %dma_start3A_1040 = arith.constant 0 : i32
      %dma_start3A_1041 = arith.constant 0 : i32
      %dma_start3A_1042 = tpu.memref_slice %arg9[%dma_start3A_1040, %dma_start3A_1041] : memref<10240x128xf32, #tpu.memory_space<vmem_shared>> -> memref<10240x128xf32, #tpu.memory_space<vmem_shared>>
      tpu.enqueue_indirect_dma source(%arg23 : memref<64x128xf32, #tpu.memory_space<vmem>>) target(%dma_start3A_1042 : memref<10240x128xf32, #tpu.memory_space<vmem_shared>>) offsets(%arg19 : memref<64xi32, #tpu.memory_space<vmem>>) semaphore(%arg37 : memref<!tpu.dma_semaphore, #tpu.memory_space<semaphore_mem>>) {add = true}
      %dma_start3A_1043 = arith.constant 0 : i32
      %dma_start3A_1044 = arith.constant 0 : i32
      %dma_start3A_1045 = tpu.memref_slice %arg10[%dma_start3A_1043, %dma_start3A_1044] : memref<10240x16xf32, #tpu.memory_space<vmem_shared>> -> memref<10240x16xf32, #tpu.memory_space<vmem_shared>>
      tpu.enqueue_indirect_dma source(%arg27 : memref<64x16xf32, #tpu.memory_space<vmem>>) target(%dma_start3A_1045 : memref<10240x16xf32, #tpu.memory_space<vmem_shared>>) offsets(%arg19 : memref<64xi32, #tpu.memory_space<vmem>>) semaphore(%arg41 : memref<!tpu.dma_semaphore, #tpu.memory_space<semaphore_mem>>) {add = true}
      %dma_wait3A_1046 = arith.constant 0 : i32
      %dma_wait3A_1047 = arith.constant 0 : i32
      %dma_wait3A_1048 = tpu.memref_slice %arg2[%dma_wait3A_1046, %dma_wait3A_1047] : memref<10000x128xf32, #tpu.memory_space<hbm>> -> memref<10000x128xf32, #tpu.memory_space<hbm>>
      tpu.wait_indirect_dma semaphore(%arg34 : memref<!tpu.dma_semaphore, #tpu.memory_space<semaphore_mem>>) src(%dma_wait3A_1048 : memref<10000x128xf32, #tpu.memory_space<hbm>>) dst(%arg24 : memref<64x128xf32, #tpu.memory_space<vmem>>)
      %dma_start3A_1049 = arith.constant 0 : i32
      %dma_start3A_1050 = arith.constant 0 : i32
      %dma_start3A_1051 = tpu.memref_slice %arg9[%dma_start3A_1049, %dma_start3A_1050] : memref<10240x128xf32, #tpu.memory_space<vmem_shared>> -> memref<10240x128xf32, #tpu.memory_space<vmem_shared>>
      tpu.enqueue_indirect_dma source(%arg24 : memref<64x128xf32, #tpu.memory_space<vmem>>) target(%dma_start3A_1051 : memref<10240x128xf32, #tpu.memory_space<vmem_shared>>) offsets(%arg20 : memref<64xi32, #tpu.memory_space<vmem>>) semaphore(%arg38 : memref<!tpu.dma_semaphore, #tpu.memory_space<semaphore_mem>>) {add = true}
      %dma_start3A_1052 = arith.constant 0 : i32
      %dma_start3A_1053 = arith.constant 0 : i32
      %dma_start3A_1054 = tpu.memref_slice %arg10[%dma_start3A_1052, %dma_start3A_1053] : memref<10240x16xf32, #tpu.memory_space<vmem_shared>> -> memref<10240x16xf32, #tpu.memory_space<vmem_shared>>
      tpu.enqueue_indirect_dma source(%arg27 : memref<64x16xf32, #tpu.memory_space<vmem>>) target(%dma_start3A_1054 : memref<10240x16xf32, #tpu.memory_space<vmem_shared>>) offsets(%arg20 : memref<64xi32, #tpu.memory_space<vmem>>) semaphore(%arg42 : memref<!tpu.dma_semaphore, #tpu.memory_space<semaphore_mem>>) {add = true}
      %dma_wait3A_1055 = arith.constant 0 : i32
      %dma_wait3A_1056 = arith.constant 0 : i32
      %dma_wait3A_1057 = tpu.memref_slice %arg2[%dma_wait3A_1055, %dma_wait3A_1056] : memref<10000x128xf32, #tpu.memory_space<hbm>> -> memref<10000x128xf32, #tpu.memory_space<hbm>>
      tpu.wait_indirect_dma semaphore(%arg35 : memref<!tpu.dma_semaphore, #tpu.memory_space<semaphore_mem>>) src(%dma_wait3A_1057 : memref<10000x128xf32, #tpu.memory_space<hbm>>) dst(%arg25 : memref<64x128xf32, #tpu.memory_space<vmem>>)
      %dma_start3A_1058 = arith.constant 0 : i32
      %dma_start3A_1059 = arith.constant 0 : i32
      %dma_start3A_1060 = tpu.memref_slice %arg9[%dma_start3A_1058, %dma_start3A_1059] : memref<10240x128xf32, #tpu.memory_space<vmem_shared>> -> memref<10240x128xf32, #tpu.memory_space<vmem_shared>>
      tpu.enqueue_indirect_dma source(%arg25 : memref<64x128xf32, #tpu.memory_space<vmem>>) target(%dma_start3A_1060 : memref<10240x128xf32, #tpu.memory_space<vmem_shared>>) offsets(%arg21 : memref<64xi32, #tpu.memory_space<vmem>>) semaphore(%arg39 : memref<!tpu.dma_semaphore, #tpu.memory_space<semaphore_mem>>) {add = true}
      %dma_start3A_1061 = arith.constant 0 : i32
      %dma_start3A_1062 = arith.constant 0 : i32
      %dma_start3A_1063 = tpu.memref_slice %arg10[%dma_start3A_1061, %dma_start3A_1062] : memref<10240x16xf32, #tpu.memory_space<vmem_shared>> -> memref<10240x16xf32, #tpu.memory_space<vmem_shared>>
      tpu.enqueue_indirect_dma source(%arg27 : memref<64x16xf32, #tpu.memory_space<vmem>>) target(%dma_start3A_1063 : memref<10240x16xf32, #tpu.memory_space<vmem_shared>>) offsets(%arg21 : memref<64xi32, #tpu.memory_space<vmem>>) semaphore(%arg43 : memref<!tpu.dma_semaphore, #tpu.memory_space<semaphore_mem>>) {add = true}
      %dma_wait3A_1064 = arith.constant 0 : i32
      %dma_wait3A_1065 = arith.constant 0 : i32
      %dma_wait3A_1066 = tpu.memref_slice %arg2[%dma_wait3A_1064, %dma_wait3A_1065] : memref<10000x128xf32, #tpu.memory_space<hbm>> -> memref<10000x128xf32, #tpu.memory_space<hbm>>
      tpu.wait_indirect_dma semaphore(%arg36 : memref<!tpu.dma_semaphore, #tpu.memory_space<semaphore_mem>>) src(%dma_wait3A_1066 : memref<10000x128xf32, #tpu.memory_space<hbm>>) dst(%arg26 : memref<64x128xf32, #tpu.memory_space<vmem>>)
      %dma_start3A_1067 = arith.constant 0 : i32
      %dma_start3A_1068 = arith.constant 0 : i32
      %dma_start3A_1069 = tpu.memref_slice %arg9[%dma_start3A_1067, %dma_start3A_1068] : memref<10240x128xf32, #tpu.memory_space<vmem_shared>> -> memref<10240x128xf32, #tpu.memory_space<vmem_shared>>
      tpu.enqueue_indirect_dma source(%arg26 : memref<64x128xf32, #tpu.memory_space<vmem>>) target(%dma_start3A_1069 : memref<10240x128xf32, #tpu.memory_space<vmem_shared>>) offsets(%arg22 : memref<64xi32, #tpu.memory_space<vmem>>) semaphore(%arg40 : memref<!tpu.dma_semaphore, #tpu.memory_space<semaphore_mem>>) {add = true}
      %dma_start3A_1070 = arith.constant 0 : i32
      %dma_start3A_1071 = arith.constant 0 : i32
      %dma_start3A_1072 = tpu.memref_slice %arg10[%dma_start3A_1070, %dma_start3A_1071] : memref<10240x16xf32, #tpu.memory_space<vmem_shared>> -> memref<10240x16xf32, #tpu.memory_space<vmem_shared>>
      tpu.enqueue_indirect_dma source(%arg27 : memref<64x16xf32, #tpu.memory_space<vmem>>) target(%dma_start3A_1072 : memref<10240x16xf32, #tpu.memory_space<vmem_shared>>) offsets(%arg22 : memref<64xi32, #tpu.memory_space<vmem>>) semaphore(%arg44 : memref<!tpu.dma_semaphore, #tpu.memory_space<semaphore_mem>>) {add = true}
      %dma_wait3A_1073 = arith.constant 0 : i32
      %dma_wait3A_1074 = arith.constant 0 : i32
      %dma_wait3A_1075 = tpu.memref_slice %arg9[%dma_wait3A_1073, %dma_wait3A_1074] : memref<10240x128xf32, #tpu.memory_space<vmem_shared>> -> memref<10240x128xf32, #tpu.memory_space<vmem_shared>>
      tpu.wait_indirect_dma semaphore(%arg37 : memref<!tpu.dma_semaphore, #tpu.memory_space<semaphore_mem>>) src(%arg23 : memref<64x128xf32, #tpu.memory_space<vmem>>) dst(%dma_wait3A_1075 : memref<10240x128xf32, #tpu.memory_space<vmem_shared>>)
      %dma_wait3A_1076 = arith.constant 0 : i32
      %dma_wait3A_1077 = arith.constant 0 : i32
      %dma_wait3A_1078 = tpu.memref_slice %arg10[%dma_wait3A_1076, %dma_wait3A_1077] : memref<10240x16xf32, #tpu.memory_space<vmem_shared>> -> memref<10240x16xf32, #tpu.memory_space<vmem_shared>>
      tpu.wait_indirect_dma semaphore(%arg41 : memref<!tpu.dma_semaphore, #tpu.memory_space<semaphore_mem>>) src(%arg27 : memref<64x16xf32, #tpu.memory_space<vmem>>) dst(%dma_wait3A_1078 : memref<10240x16xf32, #tpu.memory_space<vmem_shared>>)
      %add3A_1079 = arith.constant 0 : i32
      %add3A_1080 = arith.addi %multiple_of3A, %add3A_1079 : i32
      %add3A_1081 = arith.constant 4 : i32
      %add3A_1082 = arith.addi %add3A_1080, %add3A_1081 : i32
      %min3A_1083 = arith.constant 159 : i32
      %min3A_1084 = arith.minsi %add3A_1082, %min3A_1083 : i32
      %add3A_1085 = arith.addi %mul3A_4, %min3A_1084 : i32
      %dma_wait3A_1086 = arith.constant 0 : i32
      %dma_wait3A_1087 = tpu.memref_slice %arg3[%add3A_1085, %dma_wait3A_1086] : memref<5120x64xi32, #tpu.memory_space<hbm>> -> memref<1x64xi32, #tpu.memory_space<hbm>>
      %dma_wait3A_1088 = tpu.memref_squeeze %dma_wait3A_1087 : memref<1x64xi32, #tpu.memory_space<hbm>> -> memref<64xi32, #tpu.memory_space<hbm>>
      %dma_wait3A_1089 = arith.constant 0 : i32
      %dma_wait3A_1090 = tpu.memref_slice %arg3[%add3A_1085, %dma_wait3A_1089] : memref<5120x64xi32, #tpu.memory_space<hbm>> -> memref<1x64xi32, #tpu.memory_space<hbm>>
      %dma_wait3A_1091 = tpu.memref_squeeze %dma_wait3A_1090 : memref<1x64xi32, #tpu.memory_space<hbm>> -> memref<64xi32, #tpu.memory_space<hbm>>
      tpu.wait_dma2 semaphore(%arg29 : memref<!tpu.dma_semaphore, #tpu.memory_space<semaphore_mem>>) src(%dma_wait3A_1091 : memref<64xi32, #tpu.memory_space<hbm>>) dst(%arg11 : memref<64xi32, #tpu.memory_space<vmem>>)
      %get3A_1092 = arith.constant 0 : index
      %get3A_1093 = tpu.vector_load %arg11[%get3A_1092] {strides = array<i32>} : memref<64xi32, #tpu.memory_space<vmem>>, vector<16xi32>,
      %shift_right_arithmetic3A_1094 = arith.constant 14 : i32
      %shift_right_arithmetic3A_1095 = vector.broadcast %shift_right_arithmetic3A_1094 : i32 to vector<16xi32>
      %shift_right_arithmetic3A_1096 = arith.shrsi %get3A_1093, %shift_right_arithmetic3A_1095 : vector<16xi32>
      %swap3A_1097 = arith.constant 0 : index
      %swap3A_1098 = tpu.vector_load %arg15[%swap3A_1097] {strides = array<i32>} : memref<64xi32, #tpu.memory_space<vmem>>, vector<16xi32>,
      tpu.vector_store %arg15[%swap3A_1097], %shift_right_arithmetic3A_1096 {strides = array<i32>} : memref<64xi32, #tpu.memory_space<vmem>>, vector<16xi32>,
      %and3A_1099 = arith.constant 16383 : i32
      %and3A_1100 = vector.broadcast %and3A_1099 : i32 to vector<16xi32>
      %and3A_1101 = arith.andi %get3A_1093, %and3A_1100 : vector<16xi32>
      %swap3A_1102 = arith.constant 0 : index
      %swap3A_1103 = tpu.vector_load %arg19[%swap3A_1102] {strides = array<i32>} : memref<64xi32, #tpu.memory_space<vmem>>, vector<16xi32>,
      tpu.vector_store %arg19[%swap3A_1102], %and3A_1101 {strides = array<i32>} : memref<64xi32, #tpu.memory_space<vmem>>, vector<16xi32>,
      %get3A_1104 = arith.constant 16 : index
      %get3A_1105 = tpu.vector_load %arg11[%get3A_1104] {strides = array<i32>} : memref<64xi32, #tpu.memory_space<vmem>>, vector<16xi32>,
      %shift_right_arithmetic3A_1106 = arith.constant 14 : i32
      %shift_right_arithmetic3A_1107 = vector.broadcast %shift_right_arithmetic3A_1106 : i32 to vector<16xi32>
      %shift_right_arithmetic3A_1108 = arith.shrsi %get3A_1105, %shift_right_arithmetic3A_1107 : vector<16xi32>
      %swap3A_1109 = arith.constant 16 : index
      %swap3A_1110 = tpu.vector_load %arg15[%swap3A_1109] {strides = array<i32>} : memref<64xi32, #tpu.memory_space<vmem>>, vector<16xi32>,
      tpu.vector_store %arg15[%swap3A_1109], %shift_right_arithmetic3A_1108 {strides = array<i32>} : memref<64xi32, #tpu.memory_space<vmem>>, vector<16xi32>,
      %and3A_1111 = arith.constant 16383 : i32
      %and3A_1112 = vector.broadcast %and3A_1111 : i32 to vector<16xi32>
      %and3A_1113 = arith.andi %get3A_1105, %and3A_1112 : vector<16xi32>
      %swap3A_1114 = arith.constant 16 : index
      %swap3A_1115 = tpu.vector_load %arg19[%swap3A_1114] {strides = array<i32>} : memref<64xi32, #tpu.memory_space<vmem>>, vector<16xi32>,
      tpu.vector_store %arg19[%swap3A_1114], %and3A_1113 {strides = array<i32>} : memref<64xi32, #tpu.memory_space<vmem>>, vector<16xi32>,
      %get3A_1116 = arith.constant 32 : index
      %get3A_1117 = tpu.vector_load %arg11[%get3A_1116] {strides = array<i32>} : memref<64xi32, #tpu.memory_space<vmem>>, vector<16xi32>,
      %shift_right_arithmetic3A_1118 = arith.constant 14 : i32
      %shift_right_arithmetic3A_1119 = vector.broadcast %shift_right_arithmetic3A_1118 : i32 to vector<16xi32>
      %shift_right_arithmetic3A_1120 = arith.shrsi %get3A_1117, %shift_right_arithmetic3A_1119 : vector<16xi32>
      %swap3A_1121 = arith.constant 32 : index
      %swap3A_1122 = tpu.vector_load %arg15[%swap3A_1121] {strides = array<i32>} : memref<64xi32, #tpu.memory_space<vmem>>, vector<16xi32>,
      tpu.vector_store %arg15[%swap3A_1121], %shift_right_arithmetic3A_1120 {strides = array<i32>} : memref<64xi32, #tpu.memory_space<vmem>>, vector<16xi32>,
      %and3A_1123 = arith.constant 16383 : i32
      %and3A_1124 = vector.broadcast %and3A_1123 : i32 to vector<16xi32>
      %and3A_1125 = arith.andi %get3A_1117, %and3A_1124 : vector<16xi32>
      %swap3A_1126 = arith.constant 32 : index
      %swap3A_1127 = tpu.vector_load %arg19[%swap3A_1126] {strides = array<i32>} : memref<64xi32, #tpu.memory_space<vmem>>, vector<16xi32>,
      tpu.vector_store %arg19[%swap3A_1126], %and3A_1125 {strides = array<i32>} : memref<64xi32, #tpu.memory_space<vmem>>, vector<16xi32>,
      %get3A_1128 = arith.constant 48 : index
      %get3A_1129 = tpu.vector_load %arg11[%get3A_1128] {strides = array<i32>} : memref<64xi32, #tpu.memory_space<vmem>>, vector<16xi32>,
      %shift_right_arithmetic3A_1130 = arith.constant 14 : i32
      %shift_right_arithmetic3A_1131 = vector.broadcast %shift_right_arithmetic3A_1130 : i32 to vector<16xi32>
      %shift_right_arithmetic3A_1132 = arith.shrsi %get3A_1129, %shift_right_arithmetic3A_1131 : vector<16xi32>
      %swap3A_1133 = arith.constant 48 : index
      %swap3A_1134 = tpu.vector_load %arg15[%swap3A_1133] {strides = array<i32>} : memref<64xi32, #tpu.memory_space<vmem>>, vector<16xi32>,
      tpu.vector_store %arg15[%swap3A_1133], %shift_right_arithmetic3A_1132 {strides = array<i32>} : memref<64xi32, #tpu.memory_space<vmem>>, vector<16xi32>,
      %and3A_1135 = arith.constant 16383 : i32
      %and3A_1136 = vector.broadcast %and3A_1135 : i32 to vector<16xi32>
      %and3A_1137 = arith.andi %get3A_1129, %and3A_1136 : vector<16xi32>
      %swap3A_1138 = arith.constant 48 : index
      %swap3A_1139 = tpu.vector_load %arg19[%swap3A_1138] {strides = array<i32>} : memref<64xi32, #tpu.memory_space<vmem>>, vector<16xi32>,
      tpu.vector_store %arg19[%swap3A_1138], %and3A_1137 {strides = array<i32>} : memref<64xi32, #tpu.memory_space<vmem>>, vector<16xi32>,
      %add3A_1140 = arith.constant 0 : i32
      %add3A_1141 = arith.addi %multiple_of3A, %add3A_1140 : i32
      %add3A_1142 = arith.constant 8 : i32
      %add3A_1143 = arith.addi %add3A_1141, %add3A_1142 : i32
      %min3A_1144 = arith.constant 159 : i32
      %min3A_1145 = arith.minsi %add3A_1143, %min3A_1144 : i32
      %add3A_1146 = arith.addi %mul3A_4, %min3A_1145 : i32
      %dma_start3A_1147 = arith.constant 0 : i32
      %dma_start3A_1148 = tpu.memref_slice %arg3[%add3A_1146, %dma_start3A_1147] : memref<5120x64xi32, #tpu.memory_space<hbm>> -> memref<1x64xi32, #tpu.memory_space<hbm>>
      %dma_start3A_1149 = tpu.memref_squeeze %dma_start3A_1148 : memref<1x64xi32, #tpu.memory_space<hbm>> -> memref<64xi32, #tpu.memory_space<hbm>>
      %dma_start3A_1150 = arith.constant 0 : i32
      %dma_start3A_1151 = tpu.memref_slice %arg3[%add3A_1146, %dma_start3A_1150] : memref<5120x64xi32, #tpu.memory_space<hbm>> -> memref<1x64xi32, #tpu.memory_space<hbm>>
      %dma_start3A_1152 = tpu.memref_squeeze %dma_start3A_1151 : memref<1x64xi32, #tpu.memory_space<hbm>> -> memref<64xi32, #tpu.memory_space<hbm>>
      tpu.enqueue_dma source(%dma_start3A_1152 : memref<64xi32, #tpu.memory_space<hbm>>) target(%arg11 : memref<64xi32, #tpu.memory_space<vmem>>) target_semaphore(%arg29 : memref<!tpu.dma_semaphore, #tpu.memory_space<semaphore_mem>>)
      %dma_start3A_1153 = arith.constant 0 : i32
      %dma_start3A_1154 = arith.constant 0 : i32
      %dma_start3A_1155 = tpu.memref_slice %arg2[%dma_start3A_1153, %dma_start3A_1154] : memref<10000x128xf32, #tpu.memory_space<hbm>> -> memref<10000x128xf32, #tpu.memory_space<hbm>>
      tpu.enqueue_indirect_dma source(%dma_start3A_1155 : memref<10000x128xf32, #tpu.memory_space<hbm>>) target(%arg23 : memref<64x128xf32, #tpu.memory_space<vmem>>) offsets(%arg15 : memref<64xi32, #tpu.memory_space<vmem>>) semaphore(%arg33 : memref<!tpu.dma_semaphore, #tpu.memory_space<semaphore_mem>>)
      %dma_wait3A_1156 = arith.constant 0 : i32
      %dma_wait3A_1157 = arith.constant 0 : i32
      %dma_wait3A_1158 = tpu.memref_slice %arg9[%dma_wait3A_1156, %dma_wait3A_1157] : memref<10240x128xf32, #tpu.memory_space<vmem_shared>> -> memref<10240x128xf32, #tpu.memory_space<vmem_shared>>
      tpu.wait_indirect_dma semaphore(%arg38 : memref<!tpu.dma_semaphore, #tpu.memory_space<semaphore_mem>>) src(%arg24 : memref<64x128xf32, #tpu.memory_space<vmem>>) dst(%dma_wait3A_1158 : memref<10240x128xf32, #tpu.memory_space<vmem_shared>>)
      %dma_wait3A_1159 = arith.constant 0 : i32
      %dma_wait3A_1160 = arith.constant 0 : i32
      %dma_wait3A_1161 = tpu.memref_slice %arg10[%dma_wait3A_1159, %dma_wait3A_1160] : memref<10240x16xf32, #tpu.memory_space<vmem_shared>> -> memref<10240x16xf32, #tpu.memory_space<vmem_shared>>
      tpu.wait_indirect_dma semaphore(%arg42 : memref<!tpu.dma_semaphore, #tpu.memory_space<semaphore_mem>>) src(%arg27 : memref<64x16xf32, #tpu.memory_space<vmem>>) dst(%dma_wait3A_1161 : memref<10240x16xf32, #tpu.memory_space<vmem_shared>>)
      %add3A_1162 = arith.constant 1 : i32
      %add3A_1163 = arith.addi %multiple_of3A, %add3A_1162 : i32
      %add3A_1164 = arith.constant 4 : i32
      %add3A_1165 = arith.addi %add3A_1163, %add3A_1164 : i32
      %min3A_1166 = arith.constant 159 : i32
      %min3A_1167 = arith.minsi %add3A_1165, %min3A_1166 : i32
      %add3A_1168 = arith.addi %mul3A_4, %min3A_1167 : i32
      %dma_wait3A_1169 = arith.constant 0 : i32
      %dma_wait3A_1170 = tpu.memref_slice %arg3[%add3A_1168, %dma_wait3A_1169] : memref<5120x64xi32, #tpu.memory_space<hbm>> -> memref<1x64xi32, #tpu.memory_space<hbm>>
      %dma_wait3A_1171 = tpu.memref_squeeze %dma_wait3A_1170 : memref<1x64xi32, #tpu.memory_space<hbm>> -> memref<64xi32, #tpu.memory_space<hbm>>
      %dma_wait3A_1172 = arith.constant 0 : i32
      %dma_wait3A_1173 = tpu.memref_slice %arg3[%add3A_1168, %dma_wait3A_1172] : memref<5120x64xi32, #tpu.memory_space<hbm>> -> memref<1x64xi32, #tpu.memory_space<hbm>>
      %dma_wait3A_1174 = tpu.memref_squeeze %dma_wait3A_1173 : memref<1x64xi32, #tpu.memory_space<hbm>> -> memref<64xi32, #tpu.memory_space<hbm>>
      tpu.wait_dma2 semaphore(%arg30 : memref<!tpu.dma_semaphore, #tpu.memory_space<semaphore_mem>>) src(%dma_wait3A_1174 : memref<64xi32, #tpu.memory_space<hbm>>) dst(%arg12 : memref<64xi32, #tpu.memory_space<vmem>>)
      %get3A_1175 = arith.constant 0 : index
      %get3A_1176 = tpu.vector_load %arg12[%get3A_1175] {strides = array<i32>} : memref<64xi32, #tpu.memory_space<vmem>>, vector<16xi32>,
      %shift_right_arithmetic3A_1177 = arith.constant 14 : i32
      %shift_right_arithmetic3A_1178 = vector.broadcast %shift_right_arithmetic3A_1177 : i32 to vector<16xi32>
      %shift_right_arithmetic3A_1179 = arith.shrsi %get3A_1176, %shift_right_arithmetic3A_1178 : vector<16xi32>
      %swap3A_1180 = arith.constant 0 : index
      %swap3A_1181 = tpu.vector_load %arg16[%swap3A_1180] {strides = array<i32>} : memref<64xi32, #tpu.memory_space<vmem>>, vector<16xi32>,
      tpu.vector_store %arg16[%swap3A_1180], %shift_right_arithmetic3A_1179 {strides = array<i32>} : memref<64xi32, #tpu.memory_space<vmem>>, vector<16xi32>,
      %and3A_1182 = arith.constant 16383 : i32
      %and3A_1183 = vector.broadcast %and3A_1182 : i32 to vector<16xi32>
      %and3A_1184 = arith.andi %get3A_1176, %and3A_1183 : vector<16xi32>
      %swap3A_1185 = arith.constant 0 : index
      %swap3A_1186 = tpu.vector_load %arg20[%swap3A_1185] {strides = array<i32>} : memref<64xi32, #tpu.memory_space<vmem>>, vector<16xi32>,
      tpu.vector_store %arg20[%swap3A_1185], %and3A_1184 {strides = array<i32>} : memref<64xi32, #tpu.memory_space<vmem>>, vector<16xi32>,
      %get3A_1187 = arith.constant 16 : index
      %get3A_1188 = tpu.vector_load %arg12[%get3A_1187] {strides = array<i32>} : memref<64xi32, #tpu.memory_space<vmem>>, vector<16xi32>,
      %shift_right_arithmetic3A_1189 = arith.constant 14 : i32
      %shift_right_arithmetic3A_1190 = vector.broadcast %shift_right_arithmetic3A_1189 : i32 to vector<16xi32>
      %shift_right_arithmetic3A_1191 = arith.shrsi %get3A_1188, %shift_right_arithmetic3A_1190 : vector<16xi32>
      %swap3A_1192 = arith.constant 16 : index
      %swap3A_1193 = tpu.vector_load %arg16[%swap3A_1192] {strides = array<i32>} : memref<64xi32, #tpu.memory_space<vmem>>, vector<16xi32>,
      tpu.vector_store %arg16[%swap3A_1192], %shift_right_arithmetic3A_1191 {strides = array<i32>} : memref<64xi32, #tpu.memory_space<vmem>>, vector<16xi32>,
      %and3A_1194 = arith.constant 16383 : i32
      %and3A_1195 = vector.broadcast %and3A_1194 : i32 to vector<16xi32>
      %and3A_1196 = arith.andi %get3A_1188, %and3A_1195 : vector<16xi32>
      %swap3A_1197 = arith.constant 16 : index
      %swap3A_1198 = tpu.vector_load %arg20[%swap3A_1197] {strides = array<i32>} : memref<64xi32, #tpu.memory_space<vmem>>, vector<16xi32>,
      tpu.vector_store %arg20[%swap3A_1197], %and3A_1196 {strides = array<i32>} : memref<64xi32, #tpu.memory_space<vmem>>, vector<16xi32>,
      %get3A_1199 = arith.constant 32 : index
      %get3A_1200 = tpu.vector_load %arg12[%get3A_1199] {strides = array<i32>} : memref<64xi32, #tpu.memory_space<vmem>>, vector<16xi32>,
      %shift_right_arithmetic3A_1201 = arith.constant 14 : i32
      %shift_right_arithmetic3A_1202 = vector.broadcast %shift_right_arithmetic3A_1201 : i32 to vector<16xi32>
      %shift_right_arithmetic3A_1203 = arith.shrsi %get3A_1200, %shift_right_arithmetic3A_1202 : vector<16xi32>
      %swap3A_1204 = arith.constant 32 : index
      %swap3A_1205 = tpu.vector_load %arg16[%swap3A_1204] {strides = array<i32>} : memref<64xi32, #tpu.memory_space<vmem>>, vector<16xi32>,
      tpu.vector_store %arg16[%swap3A_1204], %shift_right_arithmetic3A_1203 {strides = array<i32>} : memref<64xi32, #tpu.memory_space<vmem>>, vector<16xi32>,
      %and3A_1206 = arith.constant 16383 : i32
      %and3A_1207 = vector.broadcast %and3A_1206 : i32 to vector<16xi32>
      %and3A_1208 = arith.andi %get3A_1200, %and3A_1207 : vector<16xi32>
      %swap3A_1209 = arith.constant 32 : index
      %swap3A_1210 = tpu.vector_load %arg20[%swap3A_1209] {strides = array<i32>} : memref<64xi32, #tpu.memory_space<vmem>>, vector<16xi32>,
      tpu.vector_store %arg20[%swap3A_1209], %and3A_1208 {strides = array<i32>} : memref<64xi32, #tpu.memory_space<vmem>>, vector<16xi32>,
      %get3A_1211 = arith.constant 48 : index
      %get3A_1212 = tpu.vector_load %arg12[%get3A_1211] {strides = array<i32>} : memref<64xi32, #tpu.memory_space<vmem>>, vector<16xi32>,
      %shift_right_arithmetic3A_1213 = arith.constant 14 : i32
      %shift_right_arithmetic3A_1214 = vector.broadcast %shift_right_arithmetic3A_1213 : i32 to vector<16xi32>
      %shift_right_arithmetic3A_1215 = arith.shrsi %get3A_1212, %shift_right_arithmetic3A_1214 : vector<16xi32>
      %swap3A_1216 = arith.constant 48 : index
      %swap3A_1217 = tpu.vector_load %arg16[%swap3A_1216] {strides = array<i32>} : memref<64xi32, #tpu.memory_space<vmem>>, vector<16xi32>,
      tpu.vector_store %arg16[%swap3A_1216], %shift_right_arithmetic3A_1215 {strides = array<i32>} : memref<64xi32, #tpu.memory_space<vmem>>, vector<16xi32>,
      %and3A_1218 = arith.constant 16383 : i32
      %and3A_1219 = vector.broadcast %and3A_1218 : i32 to vector<16xi32>
      %and3A_1220 = arith.andi %get3A_1212, %and3A_1219 : vector<16xi32>
      %swap3A_1221 = arith.constant 48 : index
      %swap3A_1222 = tpu.vector_load %arg20[%swap3A_1221] {strides = array<i32>} : memref<64xi32, #tpu.memory_space<vmem>>, vector<16xi32>,
      tpu.vector_store %arg20[%swap3A_1221], %and3A_1220 {strides = array<i32>} : memref<64xi32, #tpu.memory_space<vmem>>, vector<16xi32>,
      %add3A_1223 = arith.constant 1 : i32
      %add3A_1224 = arith.addi %multiple_of3A, %add3A_1223 : i32
      %add3A_1225 = arith.constant 8 : i32
      %add3A_1226 = arith.addi %add3A_1224, %add3A_1225 : i32
      %min3A_1227 = arith.constant 159 : i32
      %min3A_1228 = arith.minsi %add3A_1226, %min3A_1227 : i32
      %add3A_1229 = arith.addi %mul3A_4, %min3A_1228 : i32
      %dma_start3A_1230 = arith.constant 0 : i32
      %dma_start3A_1231 = tpu.memref_slice %arg3[%add3A_1229, %dma_start3A_1230] : memref<5120x64xi32, #tpu.memory_space<hbm>> -> memref<1x64xi32, #tpu.memory_space<hbm>>
      %dma_start3A_1232 = tpu.memref_squeeze %dma_start3A_1231 : memref<1x64xi32, #tpu.memory_space<hbm>> -> memref<64xi32, #tpu.memory_space<hbm>>
      %dma_start3A_1233 = arith.constant 0 : i32
      %dma_start3A_1234 = tpu.memref_slice %arg3[%add3A_1229, %dma_start3A_1233] : memref<5120x64xi32, #tpu.memory_space<hbm>> -> memref<1x64xi32, #tpu.memory_space<hbm>>
      %dma_start3A_1235 = tpu.memref_squeeze %dma_start3A_1234 : memref<1x64xi32, #tpu.memory_space<hbm>> -> memref<64xi32, #tpu.memory_space<hbm>>
      tpu.enqueue_dma source(%dma_start3A_1235 : memref<64xi32, #tpu.memory_space<hbm>>) target(%arg12 : memref<64xi32, #tpu.memory_space<vmem>>) target_semaphore(%arg30 : memref<!tpu.dma_semaphore, #tpu.memory_space<semaphore_mem>>)
      %dma_start3A_1236 = arith.constant 0 : i32
      %dma_start3A_1237 = arith.constant 0 : i32
      %dma_start3A_1238 = tpu.memref_slice %arg2[%dma_start3A_1236, %dma_start3A_1237] : memref<10000x128xf32, #tpu.memory_space<hbm>> -> memref<10000x128xf32, #tpu.memory_space<hbm>>
      tpu.enqueue_indirect_dma source(%dma_start3A_1238 : memref<10000x128xf32, #tpu.memory_space<hbm>>) target(%arg24 : memref<64x128xf32, #tpu.memory_space<vmem>>) offsets(%arg16 : memref<64xi32, #tpu.memory_space<vmem>>) semaphore(%arg34 : memref<!tpu.dma_semaphore, #tpu.memory_space<semaphore_mem>>)
      %dma_wait3A_1239 = arith.constant 0 : i32
      %dma_wait3A_1240 = arith.constant 0 : i32
      %dma_wait3A_1241 = tpu.memref_slice %arg9[%dma_wait3A_1239, %dma_wait3A_1240] : memref<10240x128xf32, #tpu.memory_space<vmem_shared>> -> memref<10240x128xf32, #tpu.memory_space<vmem_shared>>
      tpu.wait_indirect_dma semaphore(%arg39 : memref<!tpu.dma_semaphore, #tpu.memory_space<semaphore_mem>>) src(%arg25 : memref<64x128xf32, #tpu.memory_space<vmem>>) dst(%dma_wait3A_1241 : memref<10240x128xf32, #tpu.memory_space<vmem_shared>>)
      %dma_wait3A_1242 = arith.constant 0 : i32
      %dma_wait3A_1243 = arith.constant 0 : i32
      %dma_wait3A_1244 = tpu.memref_slice %arg10[%dma_wait3A_1242, %dma_wait3A_1243] : memref<10240x16xf32, #tpu.memory_space<vmem_shared>> -> memref<10240x16xf32, #tpu.memory_space<vmem_shared>>
      tpu.wait_indirect_dma semaphore(%arg43 : memref<!tpu.dma_semaphore, #tpu.memory_space<semaphore_mem>>) src(%arg27 : memref<64x16xf32, #tpu.memory_space<vmem>>) dst(%dma_wait3A_1244 : memref<10240x16xf32, #tpu.memory_space<vmem_shared>>)
      %add3A_1245 = arith.constant 2 : i32
      %add3A_1246 = arith.addi %multiple_of3A, %add3A_1245 : i32
      %add3A_1247 = arith.constant 4 : i32
      %add3A_1248 = arith.addi %add3A_1246, %add3A_1247 : i32
      %min3A_1249 = arith.constant 159 : i32
      %min3A_1250 = arith.minsi %add3A_1248, %min3A_1249 : i32
      %add3A_1251 = arith.addi %mul3A_4, %min3A_1250 : i32
      %dma_wait3A_1252 = arith.constant 0 : i32
      %dma_wait3A_1253 = tpu.memref_slice %arg3[%add3A_1251, %dma_wait3A_1252] : memref<5120x64xi32, #tpu.memory_space<hbm>> -> memref<1x64xi32, #tpu.memory_space<hbm>>
      %dma_wait3A_1254 = tpu.memref_squeeze %dma_wait3A_1253 : memref<1x64xi32, #tpu.memory_space<hbm>> -> memref<64xi32, #tpu.memory_space<hbm>>
      %dma_wait3A_1255 = arith.constant 0 : i32
      %dma_wait3A_1256 = tpu.memref_slice %arg3[%add3A_1251, %dma_wait3A_1255] : memref<5120x64xi32, #tpu.memory_space<hbm>> -> memref<1x64xi32, #tpu.memory_space<hbm>>
      %dma_wait3A_1257 = tpu.memref_squeeze %dma_wait3A_1256 : memref<1x64xi32, #tpu.memory_space<hbm>> -> memref<64xi32, #tpu.memory_space<hbm>>
      tpu.wait_dma2 semaphore(%arg31 : memref<!tpu.dma_semaphore, #tpu.memory_space<semaphore_mem>>) src(%dma_wait3A_1257 : memref<64xi32, #tpu.memory_space<hbm>>) dst(%arg13 : memref<64xi32, #tpu.memory_space<vmem>>)
      %get3A_1258 = arith.constant 0 : index
      %get3A_1259 = tpu.vector_load %arg13[%get3A_1258] {strides = array<i32>} : memref<64xi32, #tpu.memory_space<vmem>>, vector<16xi32>,
      %shift_right_arithmetic3A_1260 = arith.constant 14 : i32
      %shift_right_arithmetic3A_1261 = vector.broadcast %shift_right_arithmetic3A_1260 : i32 to vector<16xi32>
      %shift_right_arithmetic3A_1262 = arith.shrsi %get3A_1259, %shift_right_arithmetic3A_1261 : vector<16xi32>
      %swap3A_1263 = arith.constant 0 : index
      %swap3A_1264 = tpu.vector_load %arg17[%swap3A_1263] {strides = array<i32>} : memref<64xi32, #tpu.memory_space<vmem>>, vector<16xi32>,
      tpu.vector_store %arg17[%swap3A_1263], %shift_right_arithmetic3A_1262 {strides = array<i32>} : memref<64xi32, #tpu.memory_space<vmem>>, vector<16xi32>,
      %and3A_1265 = arith.constant 16383 : i32
      %and3A_1266 = vector.broadcast %and3A_1265 : i32 to vector<16xi32>
      %and3A_1267 = arith.andi %get3A_1259, %and3A_1266 : vector<16xi32>
      %swap3A_1268 = arith.constant 0 : index
      %swap3A_1269 = tpu.vector_load %arg21[%swap3A_1268] {strides = array<i32>} : memref<64xi32, #tpu.memory_space<vmem>>, vector<16xi32>,
      tpu.vector_store %arg21[%swap3A_1268], %and3A_1267 {strides = array<i32>} : memref<64xi32, #tpu.memory_space<vmem>>, vector<16xi32>,
      %get3A_1270 = arith.constant 16 : index
      %get3A_1271 = tpu.vector_load %arg13[%get3A_1270] {strides = array<i32>} : memref<64xi32, #tpu.memory_space<vmem>>, vector<16xi32>,
      %shift_right_arithmetic3A_1272 = arith.constant 14 : i32
      %shift_right_arithmetic3A_1273 = vector.broadcast %shift_right_arithmetic3A_1272 : i32 to vector<16xi32>
      %shift_right_arithmetic3A_1274 = arith.shrsi %get3A_1271, %shift_right_arithmetic3A_1273 : vector<16xi32>
      %swap3A_1275 = arith.constant 16 : index
      %swap3A_1276 = tpu.vector_load %arg17[%swap3A_1275] {strides = array<i32>} : memref<64xi32, #tpu.memory_space<vmem>>, vector<16xi32>,
      tpu.vector_store %arg17[%swap3A_1275], %shift_right_arithmetic3A_1274 {strides = array<i32>} : memref<64xi32, #tpu.memory_space<vmem>>, vector<16xi32>,
      %and3A_1277 = arith.constant 16383 : i32
      %and3A_1278 = vector.broadcast %and3A_1277 : i32 to vector<16xi32>
      %and3A_1279 = arith.andi %get3A_1271, %and3A_1278 : vector<16xi32>
      %swap3A_1280 = arith.constant 16 : index
      %swap3A_1281 = tpu.vector_load %arg21[%swap3A_1280] {strides = array<i32>} : memref<64xi32, #tpu.memory_space<vmem>>, vector<16xi32>,
      tpu.vector_store %arg21[%swap3A_1280], %and3A_1279 {strides = array<i32>} : memref<64xi32, #tpu.memory_space<vmem>>, vector<16xi32>,
      %get3A_1282 = arith.constant 32 : index
      %get3A_1283 = tpu.vector_load %arg13[%get3A_1282] {strides = array<i32>} : memref<64xi32, #tpu.memory_space<vmem>>, vector<16xi32>,
      %shift_right_arithmetic3A_1284 = arith.constant 14 : i32
      %shift_right_arithmetic3A_1285 = vector.broadcast %shift_right_arithmetic3A_1284 : i32 to vector<16xi32>
      %shift_right_arithmetic3A_1286 = arith.shrsi %get3A_1283, %shift_right_arithmetic3A_1285 : vector<16xi32>
      %swap3A_1287 = arith.constant 32 : index
      %swap3A_1288 = tpu.vector_load %arg17[%swap3A_1287] {strides = array<i32>} : memref<64xi32, #tpu.memory_space<vmem>>, vector<16xi32>,
      tpu.vector_store %arg17[%swap3A_1287], %shift_right_arithmetic3A_1286 {strides = array<i32>} : memref<64xi32, #tpu.memory_space<vmem>>, vector<16xi32>,
      %and3A_1289 = arith.constant 16383 : i32
      %and3A_1290 = vector.broadcast %and3A_1289 : i32 to vector<16xi32>
      %and3A_1291 = arith.andi %get3A_1283, %and3A_1290 : vector<16xi32>
      %swap3A_1292 = arith.constant 32 : index
      %swap3A_1293 = tpu.vector_load %arg21[%swap3A_1292] {strides = array<i32>} : memref<64xi32, #tpu.memory_space<vmem>>, vector<16xi32>,
      tpu.vector_store %arg21[%swap3A_1292], %and3A_1291 {strides = array<i32>} : memref<64xi32, #tpu.memory_space<vmem>>, vector<16xi32>,
      %get3A_1294 = arith.constant 48 : index
      %get3A_1295 = tpu.vector_load %arg13[%get3A_1294] {strides = array<i32>} : memref<64xi32, #tpu.memory_space<vmem>>, vector<16xi32>,
      %shift_right_arithmetic3A_1296 = arith.constant 14 : i32
      %shift_right_arithmetic3A_1297 = vector.broadcast %shift_right_arithmetic3A_1296 : i32 to vector<16xi32>
      %shift_right_arithmetic3A_1298 = arith.shrsi %get3A_1295, %shift_right_arithmetic3A_1297 : vector<16xi32>
      %swap3A_1299 = arith.constant 48 : index
      %swap3A_1300 = tpu.vector_load %arg17[%swap3A_1299] {strides = array<i32>} : memref<64xi32, #tpu.memory_space<vmem>>, vector<16xi32>,
      tpu.vector_store %arg17[%swap3A_1299], %shift_right_arithmetic3A_1298 {strides = array<i32>} : memref<64xi32, #tpu.memory_space<vmem>>, vector<16xi32>,
      %and3A_1301 = arith.constant 16383 : i32
      %and3A_1302 = vector.broadcast %and3A_1301 : i32 to vector<16xi32>
      %and3A_1303 = arith.andi %get3A_1295, %and3A_1302 : vector<16xi32>
      %swap3A_1304 = arith.constant 48 : index
      %swap3A_1305 = tpu.vector_load %arg21[%swap3A_1304] {strides = array<i32>} : memref<64xi32, #tpu.memory_space<vmem>>, vector<16xi32>,
      tpu.vector_store %arg21[%swap3A_1304], %and3A_1303 {strides = array<i32>} : memref<64xi32, #tpu.memory_space<vmem>>, vector<16xi32>,
      %add3A_1306 = arith.constant 2 : i32
      %add3A_1307 = arith.addi %multiple_of3A, %add3A_1306 : i32
      %add3A_1308 = arith.constant 8 : i32
      %add3A_1309 = arith.addi %add3A_1307, %add3A_1308 : i32
      %min3A_1310 = arith.constant 159 : i32
      %min3A_1311 = arith.minsi %add3A_1309, %min3A_1310 : i32
      %add3A_1312 = arith.addi %mul3A_4, %min3A_1311 : i32
      %dma_start3A_1313 = arith.constant 0 : i32
      %dma_start3A_1314 = tpu.memref_slice %arg3[%add3A_1312, %dma_start3A_1313] : memref<5120x64xi32, #tpu.memory_space<hbm>> -> memref<1x64xi32, #tpu.memory_space<hbm>>
      %dma_start3A_1315 = tpu.memref_squeeze %dma_start3A_1314 : memref<1x64xi32, #tpu.memory_space<hbm>> -> memref<64xi32, #tpu.memory_space<hbm>>
      %dma_start3A_1316 = arith.constant 0 : i32
      %dma_start3A_1317 = tpu.memref_slice %arg3[%add3A_1312, %dma_start3A_1316] : memref<5120x64xi32, #tpu.memory_space<hbm>> -> memref<1x64xi32, #tpu.memory_space<hbm>>
      %dma_start3A_1318 = tpu.memref_squeeze %dma_start3A_1317 : memref<1x64xi32, #tpu.memory_space<hbm>> -> memref<64xi32, #tpu.memory_space<hbm>>
      tpu.enqueue_dma source(%dma_start3A_1318 : memref<64xi32, #tpu.memory_space<hbm>>) target(%arg13 : memref<64xi32, #tpu.memory_space<vmem>>) target_semaphore(%arg31 : memref<!tpu.dma_semaphore, #tpu.memory_space<semaphore_mem>>)
      %dma_start3A_1319 = arith.constant 0 : i32
      %dma_start3A_1320 = arith.constant 0 : i32
      %dma_start3A_1321 = tpu.memref_slice %arg2[%dma_start3A_1319, %dma_start3A_1320] : memref<10000x128xf32, #tpu.memory_space<hbm>> -> memref<10000x128xf32, #tpu.memory_space<hbm>>
      tpu.enqueue_indirect_dma source(%dma_start3A_1321 : memref<10000x128xf32, #tpu.memory_space<hbm>>) target(%arg25 : memref<64x128xf32, #tpu.memory_space<vmem>>) offsets(%arg17 : memref<64xi32, #tpu.memory_space<vmem>>) semaphore(%arg35 : memref<!tpu.dma_semaphore, #tpu.memory_space<semaphore_mem>>)
      %dma_wait3A_1322 = arith.constant 0 : i32
      %dma_wait3A_1323 = arith.constant 0 : i32
      %dma_wait3A_1324 = tpu.memref_slice %arg9[%dma_wait3A_1322, %dma_wait3A_1323] : memref<10240x128xf32, #tpu.memory_space<vmem_shared>> -> memref<10240x128xf32, #tpu.memory_space<vmem_shared>>
      tpu.wait_indirect_dma semaphore(%arg40 : memref<!tpu.dma_semaphore, #tpu.memory_space<semaphore_mem>>) src(%arg26 : memref<64x128xf32, #tpu.memory_space<vmem>>) dst(%dma_wait3A_1324 : memref<10240x128xf32, #tpu.memory_space<vmem_shared>>)
      %dma_wait3A_1325 = arith.constant 0 : i32
      %dma_wait3A_1326 = arith.constant 0 : i32
      %dma_wait3A_1327 = tpu.memref_slice %arg10[%dma_wait3A_1325, %dma_wait3A_1326] : memref<10240x16xf32, #tpu.memory_space<vmem_shared>> -> memref<10240x16xf32, #tpu.memory_space<vmem_shared>>
      tpu.wait_indirect_dma semaphore(%arg44 : memref<!tpu.dma_semaphore, #tpu.memory_space<semaphore_mem>>) src(%arg27 : memref<64x16xf32, #tpu.memory_space<vmem>>) dst(%dma_wait3A_1327 : memref<10240x16xf32, #tpu.memory_space<vmem_shared>>)
      %add3A_1328 = arith.constant 3 : i32
      %add3A_1329 = arith.addi %multiple_of3A, %add3A_1328 : i32
      %add3A_1330 = arith.constant 4 : i32
      %add3A_1331 = arith.addi %add3A_1329, %add3A_1330 : i32
      %min3A_1332 = arith.constant 159 : i32
      %min3A_1333 = arith.minsi %add3A_1331, %min3A_1332 : i32
      %add3A_1334 = arith.addi %mul3A_4, %min3A_1333 : i32
      %dma_wait3A_1335 = arith.constant 0 : i32
      %dma_wait3A_1336 = tpu.memref_slice %arg3[%add3A_1334, %dma_wait3A_1335] : memref<5120x64xi32, #tpu.memory_space<hbm>> -> memref<1x64xi32, #tpu.memory_space<hbm>>
      %dma_wait3A_1337 = tpu.memref_squeeze %dma_wait3A_1336 : memref<1x64xi32, #tpu.memory_space<hbm>> -> memref<64xi32, #tpu.memory_space<hbm>>
      %dma_wait3A_1338 = arith.constant 0 : i32
      %dma_wait3A_1339 = tpu.memref_slice %arg3[%add3A_1334, %dma_wait3A_1338] : memref<5120x64xi32, #tpu.memory_space<hbm>> -> memref<1x64xi32, #tpu.memory_space<hbm>>
      %dma_wait3A_1340 = tpu.memref_squeeze %dma_wait3A_1339 : memref<1x64xi32, #tpu.memory_space<hbm>> -> memref<64xi32, #tpu.memory_space<hbm>>
      tpu.wait_dma2 semaphore(%arg32 : memref<!tpu.dma_semaphore, #tpu.memory_space<semaphore_mem>>) src(%dma_wait3A_1340 : memref<64xi32, #tpu.memory_space<hbm>>) dst(%arg14 : memref<64xi32, #tpu.memory_space<vmem>>)
      %get3A_1341 = arith.constant 0 : index
      %get3A_1342 = tpu.vector_load %arg14[%get3A_1341] {strides = array<i32>} : memref<64xi32, #tpu.memory_space<vmem>>, vector<16xi32>,
      %shift_right_arithmetic3A_1343 = arith.constant 14 : i32
      %shift_right_arithmetic3A_1344 = vector.broadcast %shift_right_arithmetic3A_1343 : i32 to vector<16xi32>
      %shift_right_arithmetic3A_1345 = arith.shrsi %get3A_1342, %shift_right_arithmetic3A_1344 : vector<16xi32>
      %swap3A_1346 = arith.constant 0 : index
      %swap3A_1347 = tpu.vector_load %arg18[%swap3A_1346] {strides = array<i32>} : memref<64xi32, #tpu.memory_space<vmem>>, vector<16xi32>,
      tpu.vector_store %arg18[%swap3A_1346], %shift_right_arithmetic3A_1345 {strides = array<i32>} : memref<64xi32, #tpu.memory_space<vmem>>, vector<16xi32>,
      %and3A_1348 = arith.constant 16383 : i32
      %and3A_1349 = vector.broadcast %and3A_1348 : i32 to vector<16xi32>
      %and3A_1350 = arith.andi %get3A_1342, %and3A_1349 : vector<16xi32>
      %swap3A_1351 = arith.constant 0 : index
      %swap3A_1352 = tpu.vector_load %arg22[%swap3A_1351] {strides = array<i32>} : memref<64xi32, #tpu.memory_space<vmem>>, vector<16xi32>,
      tpu.vector_store %arg22[%swap3A_1351], %and3A_1350 {strides = array<i32>} : memref<64xi32, #tpu.memory_space<vmem>>, vector<16xi32>,
      %get3A_1353 = arith.constant 16 : index
      %get3A_1354 = tpu.vector_load %arg14[%get3A_1353] {strides = array<i32>} : memref<64xi32, #tpu.memory_space<vmem>>, vector<16xi32>,
      %shift_right_arithmetic3A_1355 = arith.constant 14 : i32
      %shift_right_arithmetic3A_1356 = vector.broadcast %shift_right_arithmetic3A_1355 : i32 to vector<16xi32>
      %shift_right_arithmetic3A_1357 = arith.shrsi %get3A_1354, %shift_right_arithmetic3A_1356 : vector<16xi32>
      %swap3A_1358 = arith.constant 16 : index
      %swap3A_1359 = tpu.vector_load %arg18[%swap3A_1358] {strides = array<i32>} : memref<64xi32, #tpu.memory_space<vmem>>, vector<16xi32>,
      tpu.vector_store %arg18[%swap3A_1358], %shift_right_arithmetic3A_1357 {strides = array<i32>} : memref<64xi32, #tpu.memory_space<vmem>>, vector<16xi32>,
      %and3A_1360 = arith.constant 16383 : i32
      %and3A_1361 = vector.broadcast %and3A_1360 : i32 to vector<16xi32>
      %and3A_1362 = arith.andi %get3A_1354, %and3A_1361 : vector<16xi32>
      %swap3A_1363 = arith.constant 16 : index
      %swap3A_1364 = tpu.vector_load %arg22[%swap3A_1363] {strides = array<i32>} : memref<64xi32, #tpu.memory_space<vmem>>, vector<16xi32>,
      tpu.vector_store %arg22[%swap3A_1363], %and3A_1362 {strides = array<i32>} : memref<64xi32, #tpu.memory_space<vmem>>, vector<16xi32>,
      %get3A_1365 = arith.constant 32 : index
      %get3A_1366 = tpu.vector_load %arg14[%get3A_1365] {strides = array<i32>} : memref<64xi32, #tpu.memory_space<vmem>>, vector<16xi32>,
      %shift_right_arithmetic3A_1367 = arith.constant 14 : i32
      %shift_right_arithmetic3A_1368 = vector.broadcast %shift_right_arithmetic3A_1367 : i32 to vector<16xi32>
      %shift_right_arithmetic3A_1369 = arith.shrsi %get3A_1366, %shift_right_arithmetic3A_1368 : vector<16xi32>
      %swap3A_1370 = arith.constant 32 : index
      %swap3A_1371 = tpu.vector_load %arg18[%swap3A_1370] {strides = array<i32>} : memref<64xi32, #tpu.memory_space<vmem>>, vector<16xi32>,
      tpu.vector_store %arg18[%swap3A_1370], %shift_right_arithmetic3A_1369 {strides = array<i32>} : memref<64xi32, #tpu.memory_space<vmem>>, vector<16xi32>,
      %and3A_1372 = arith.constant 16383 : i32
      %and3A_1373 = vector.broadcast %and3A_1372 : i32 to vector<16xi32>
      %and3A_1374 = arith.andi %get3A_1366, %and3A_1373 : vector<16xi32>
      %swap3A_1375 = arith.constant 32 : index
      %swap3A_1376 = tpu.vector_load %arg22[%swap3A_1375] {strides = array<i32>} : memref<64xi32, #tpu.memory_space<vmem>>, vector<16xi32>,
      tpu.vector_store %arg22[%swap3A_1375], %and3A_1374 {strides = array<i32>} : memref<64xi32, #tpu.memory_space<vmem>>, vector<16xi32>,
      %get3A_1377 = arith.constant 48 : index
      %get3A_1378 = tpu.vector_load %arg14[%get3A_1377] {strides = array<i32>} : memref<64xi32, #tpu.memory_space<vmem>>, vector<16xi32>,
      %shift_right_arithmetic3A_1379 = arith.constant 14 : i32
      %shift_right_arithmetic3A_1380 = vector.broadcast %shift_right_arithmetic3A_1379 : i32 to vector<16xi32>
      %shift_right_arithmetic3A_1381 = arith.shrsi %get3A_1378, %shift_right_arithmetic3A_1380 : vector<16xi32>
      %swap3A_1382 = arith.constant 48 : index
      %swap3A_1383 = tpu.vector_load %arg18[%swap3A_1382] {strides = array<i32>} : memref<64xi32, #tpu.memory_space<vmem>>, vector<16xi32>,
      tpu.vector_store %arg18[%swap3A_1382], %shift_right_arithmetic3A_1381 {strides = array<i32>} : memref<64xi32, #tpu.memory_space<vmem>>, vector<16xi32>,
      %and3A_1384 = arith.constant 16383 : i32
      %and3A_1385 = vector.broadcast %and3A_1384 : i32 to vector<16xi32>
      %and3A_1386 = arith.andi %get3A_1378, %and3A_1385 : vector<16xi32>
      %swap3A_1387 = arith.constant 48 : index
      %swap3A_1388 = tpu.vector_load %arg22[%swap3A_1387] {strides = array<i32>} : memref<64xi32, #tpu.memory_space<vmem>>, vector<16xi32>,
      tpu.vector_store %arg22[%swap3A_1387], %and3A_1386 {strides = array<i32>} : memref<64xi32, #tpu.memory_space<vmem>>, vector<16xi32>,
      %add3A_1389 = arith.constant 3 : i32
      %add3A_1390 = arith.addi %multiple_of3A, %add3A_1389 : i32
      %add3A_1391 = arith.constant 8 : i32
      %add3A_1392 = arith.addi %add3A_1390, %add3A_1391 : i32
      %min3A_1393 = arith.constant 159 : i32
      %min3A_1394 = arith.minsi %add3A_1392, %min3A_1393 : i32
      %add3A_1395 = arith.addi %mul3A_4, %min3A_1394 : i32
      %dma_start3A_1396 = arith.constant 0 : i32
      %dma_start3A_1397 = tpu.memref_slice %arg3[%add3A_1395, %dma_start3A_1396] : memref<5120x64xi32, #tpu.memory_space<hbm>> -> memref<1x64xi32, #tpu.memory_space<hbm>>
      %dma_start3A_1398 = tpu.memref_squeeze %dma_start3A_1397 : memref<1x64xi32, #tpu.memory_space<hbm>> -> memref<64xi32, #tpu.memory_space<hbm>>
      %dma_start3A_1399 = arith.constant 0 : i32
      %dma_start3A_1400 = tpu.memref_slice %arg3[%add3A_1395, %dma_start3A_1399] : memref<5120x64xi32, #tpu.memory_space<hbm>> -> memref<1x64xi32, #tpu.memory_space<hbm>>
      %dma_start3A_1401 = tpu.memref_squeeze %dma_start3A_1400 : memref<1x64xi32, #tpu.memory_space<hbm>> -> memref<64xi32, #tpu.memory_space<hbm>>
      tpu.enqueue_dma source(%dma_start3A_1401 : memref<64xi32, #tpu.memory_space<hbm>>) target(%arg14 : memref<64xi32, #tpu.memory_space<vmem>>) target_semaphore(%arg32 : memref<!tpu.dma_semaphore, #tpu.memory_space<semaphore_mem>>)
      %dma_start3A_1402 = arith.constant 0 : i32
      %dma_start3A_1403 = arith.constant 0 : i32
      %dma_start3A_1404 = tpu.memref_slice %arg2[%dma_start3A_1402, %dma_start3A_1403] : memref<10000x128xf32, #tpu.memory_space<hbm>> -> memref<10000x128xf32, #tpu.memory_space<hbm>>
      tpu.enqueue_indirect_dma source(%dma_start3A_1404 : memref<10000x128xf32, #tpu.memory_space<hbm>>) target(%arg26 : memref<64x128xf32, #tpu.memory_space<vmem>>) offsets(%arg18 : memref<64xi32, #tpu.memory_space<vmem>>) semaphore(%arg36 : memref<!tpu.dma_semaphore, #tpu.memory_space<semaphore_mem>>)
    }
    %scan3A_525 = arith.constant 39 : i32
    %dma_wait3A_526 = arith.constant 0 : i32
    %dma_wait3A_527 = arith.constant 0 : i32
    %dma_wait3A_528 = tpu.memref_slice %arg2[%dma_wait3A_526, %dma_wait3A_527] : memref<10000x128xf32, #tpu.memory_space<hbm>> -> memref<10000x128xf32, #tpu.memory_space<hbm>>
    tpu.wait_indirect_dma semaphore(%arg33 : memref<!tpu.dma_semaphore, #tpu.memory_space<semaphore_mem>>) src(%dma_wait3A_528 : memref<10000x128xf32, #tpu.memory_space<hbm>>) dst(%arg23 : memref<64x128xf32, #tpu.memory_space<vmem>>)
    %dma_start3A_529 = arith.constant 0 : i32
    %dma_start3A_530 = arith.constant 0 : i32
    %dma_start3A_531 = tpu.memref_slice %arg9[%dma_start3A_529, %dma_start3A_530] : memref<10240x128xf32, #tpu.memory_space<vmem_shared>> -> memref<10240x128xf32, #tpu.memory_space<vmem_shared>>
    tpu.enqueue_indirect_dma source(%arg23 : memref<64x128xf32, #tpu.memory_space<vmem>>) target(%dma_start3A_531 : memref<10240x128xf32, #tpu.memory_space<vmem_shared>>) offsets(%arg19 : memref<64xi32, #tpu.memory_space<vmem>>) semaphore(%arg37 : memref<!tpu.dma_semaphore, #tpu.memory_space<semaphore_mem>>) {add = true}
    %dma_start3A_532 = arith.constant 0 : i32
    %dma_start3A_533 = arith.constant 0 : i32
    %dma_start3A_534 = tpu.memref_slice %arg10[%dma_start3A_532, %dma_start3A_533] : memref<10240x16xf32, #tpu.memory_space<vmem_shared>> -> memref<10240x16xf32, #tpu.memory_space<vmem_shared>>
    tpu.enqueue_indirect_dma source(%arg27 : memref<64x16xf32, #tpu.memory_space<vmem>>) target(%dma_start3A_534 : memref<10240x16xf32, #tpu.memory_space<vmem_shared>>) offsets(%arg19 : memref<64xi32, #tpu.memory_space<vmem>>) semaphore(%arg41 : memref<!tpu.dma_semaphore, #tpu.memory_space<semaphore_mem>>) {add = true}
    %dma_wait3A_535 = arith.constant 0 : i32
    %dma_wait3A_536 = arith.constant 0 : i32
    %dma_wait3A_537 = tpu.memref_slice %arg2[%dma_wait3A_535, %dma_wait3A_536] : memref<10000x128xf32, #tpu.memory_space<hbm>> -> memref<10000x128xf32, #tpu.memory_space<hbm>>
    tpu.wait_indirect_dma semaphore(%arg34 : memref<!tpu.dma_semaphore, #tpu.memory_space<semaphore_mem>>) src(%dma_wait3A_537 : memref<10000x128xf32, #tpu.memory_space<hbm>>) dst(%arg24 : memref<64x128xf32, #tpu.memory_space<vmem>>)
    %dma_start3A_538 = arith.constant 0 : i32
    %dma_start3A_539 = arith.constant 0 : i32
    %dma_start3A_540 = tpu.memref_slice %arg9[%dma_start3A_538, %dma_start3A_539] : memref<10240x128xf32, #tpu.memory_space<vmem_shared>> -> memref<10240x128xf32, #tpu.memory_space<vmem_shared>>
    tpu.enqueue_indirect_dma source(%arg24 : memref<64x128xf32, #tpu.memory_space<vmem>>) target(%dma_start3A_540 : memref<10240x128xf32, #tpu.memory_space<vmem_shared>>) offsets(%arg20 : memref<64xi32, #tpu.memory_space<vmem>>) semaphore(%arg38 : memref<!tpu.dma_semaphore, #tpu.memory_space<semaphore_mem>>) {add = true}
    %dma_start3A_541 = arith.constant 0 : i32
    %dma_start3A_542 = arith.constant 0 : i32
    %dma_start3A_543 = tpu.memref_slice %arg10[%dma_start3A_541, %dma_start3A_542] : memref<10240x16xf32, #tpu.memory_space<vmem_shared>> -> memref<10240x16xf32, #tpu.memory_space<vmem_shared>>
    tpu.enqueue_indirect_dma source(%arg27 : memref<64x16xf32, #tpu.memory_space<vmem>>) target(%dma_start3A_543 : memref<10240x16xf32, #tpu.memory_space<vmem_shared>>) offsets(%arg20 : memref<64xi32, #tpu.memory_space<vmem>>) semaphore(%arg42 : memref<!tpu.dma_semaphore, #tpu.memory_space<semaphore_mem>>) {add = true}
    %dma_wait3A_544 = arith.constant 0 : i32
    %dma_wait3A_545 = arith.constant 0 : i32
    %dma_wait3A_546 = tpu.memref_slice %arg2[%dma_wait3A_544, %dma_wait3A_545] : memref<10000x128xf32, #tpu.memory_space<hbm>> -> memref<10000x128xf32, #tpu.memory_space<hbm>>
    tpu.wait_indirect_dma semaphore(%arg35 : memref<!tpu.dma_semaphore, #tpu.memory_space<semaphore_mem>>) src(%dma_wait3A_546 : memref<10000x128xf32, #tpu.memory_space<hbm>>) dst(%arg25 : memref<64x128xf32, #tpu.memory_space<vmem>>)
    %dma_start3A_547 = arith.constant 0 : i32
    %dma_start3A_548 = arith.constant 0 : i32
    %dma_start3A_549 = tpu.memref_slice %arg9[%dma_start3A_547, %dma_start3A_548] : memref<10240x128xf32, #tpu.memory_space<vmem_shared>> -> memref<10240x128xf32, #tpu.memory_space<vmem_shared>>
    tpu.enqueue_indirect_dma source(%arg25 : memref<64x128xf32, #tpu.memory_space<vmem>>) target(%dma_start3A_549 : memref<10240x128xf32, #tpu.memory_space<vmem_shared>>) offsets(%arg21 : memref<64xi32, #tpu.memory_space<vmem>>) semaphore(%arg39 : memref<!tpu.dma_semaphore, #tpu.memory_space<semaphore_mem>>) {add = true}
    %dma_start3A_550 = arith.constant 0 : i32
    %dma_start3A_551 = arith.constant 0 : i32
    %dma_start3A_552 = tpu.memref_slice %arg10[%dma_start3A_550, %dma_start3A_551] : memref<10240x16xf32, #tpu.memory_space<vmem_shared>> -> memref<10240x16xf32, #tpu.memory_space<vmem_shared>>
    tpu.enqueue_indirect_dma source(%arg27 : memref<64x16xf32, #tpu.memory_space<vmem>>) target(%dma_start3A_552 : memref<10240x16xf32, #tpu.memory_space<vmem_shared>>) offsets(%arg21 : memref<64xi32, #tpu.memory_space<vmem>>) semaphore(%arg43 : memref<!tpu.dma_semaphore, #tpu.memory_space<semaphore_mem>>) {add = true}
    %dma_wait3A_553 = arith.constant 0 : i32
    %dma_wait3A_554 = arith.constant 0 : i32
    %dma_wait3A_555 = tpu.memref_slice %arg2[%dma_wait3A_553, %dma_wait3A_554] : memref<10000x128xf32, #tpu.memory_space<hbm>> -> memref<10000x128xf32, #tpu.memory_space<hbm>>
    tpu.wait_indirect_dma semaphore(%arg36 : memref<!tpu.dma_semaphore, #tpu.memory_space<semaphore_mem>>) src(%dma_wait3A_555 : memref<10000x128xf32, #tpu.memory_space<hbm>>) dst(%arg26 : memref<64x128xf32, #tpu.memory_space<vmem>>)
    %dma_start3A_556 = arith.constant 0 : i32
    %dma_start3A_557 = arith.constant 0 : i32
    %dma_start3A_558 = tpu.memref_slice %arg9[%dma_start3A_556, %dma_start3A_557] : memref<10240x128xf32, #tpu.memory_space<vmem_shared>> -> memref<10240x128xf32, #tpu.memory_space<vmem_shared>>
    tpu.enqueue_indirect_dma source(%arg26 : memref<64x128xf32, #tpu.memory_space<vmem>>) target(%dma_start3A_558 : memref<10240x128xf32, #tpu.memory_space<vmem_shared>>) offsets(%arg22 : memref<64xi32, #tpu.memory_space<vmem>>) semaphore(%arg40 : memref<!tpu.dma_semaphore, #tpu.memory_space<semaphore_mem>>) {add = true}
    %dma_start3A_559 = arith.constant 0 : i32
    %dma_start3A_560 = arith.constant 0 : i32
    %dma_start3A_561 = tpu.memref_slice %arg10[%dma_start3A_559, %dma_start3A_560] : memref<10240x16xf32, #tpu.memory_space<vmem_shared>> -> memref<10240x16xf32, #tpu.memory_space<vmem_shared>>
    tpu.enqueue_indirect_dma source(%arg27 : memref<64x16xf32, #tpu.memory_space<vmem>>) target(%dma_start3A_561 : memref<10240x16xf32, #tpu.memory_space<vmem_shared>>) offsets(%arg22 : memref<64xi32, #tpu.memory_space<vmem>>) semaphore(%arg44 : memref<!tpu.dma_semaphore, #tpu.memory_space<semaphore_mem>>) {add = true}
    %dma_wait3A_562 = arith.constant 0 : i32
    %dma_wait3A_563 = arith.constant 0 : i32
    %dma_wait3A_564 = tpu.memref_slice %arg9[%dma_wait3A_562, %dma_wait3A_563] : memref<10240x128xf32, #tpu.memory_space<vmem_shared>> -> memref<10240x128xf32, #tpu.memory_space<vmem_shared>>
    tpu.wait_indirect_dma semaphore(%arg37 : memref<!tpu.dma_semaphore, #tpu.memory_space<semaphore_mem>>) src(%arg23 : memref<64x128xf32, #tpu.memory_space<vmem>>) dst(%dma_wait3A_564 : memref<10240x128xf32, #tpu.memory_space<vmem_shared>>)
    %dma_wait3A_565 = arith.constant 0 : i32
    %dma_wait3A_566 = arith.constant 0 : i32
    %dma_wait3A_567 = tpu.memref_slice %arg10[%dma_wait3A_565, %dma_wait3A_566] : memref<10240x16xf32, #tpu.memory_space<vmem_shared>> -> memref<10240x16xf32, #tpu.memory_space<vmem_shared>>
    tpu.wait_indirect_dma semaphore(%arg41 : memref<!tpu.dma_semaphore, #tpu.memory_space<semaphore_mem>>) src(%arg27 : memref<64x16xf32, #tpu.memory_space<vmem>>) dst(%dma_wait3A_567 : memref<10240x16xf32, #tpu.memory_space<vmem_shared>>)
    %min3A_568 = arith.constant 160 : i32
    %min3A_569 = arith.constant 159 : i32
    %min3A_570 = arith.minsi %min3A_568, %min3A_569 : i32
    %add3A_571 = arith.addi %mul3A_4, %min3A_570 : i32
    %dma_wait3A_572 = arith.constant 0 : i32
    %dma_wait3A_573 = tpu.memref_slice %arg3[%add3A_571, %dma_wait3A_572] : memref<5120x64xi32, #tpu.memory_space<hbm>> -> memref<1x64xi32, #tpu.memory_space<hbm>>
    %dma_wait3A_574 = tpu.memref_squeeze %dma_wait3A_573 : memref<1x64xi32, #tpu.memory_space<hbm>> -> memref<64xi32, #tpu.memory_space<hbm>>
    %dma_wait3A_575 = arith.constant 0 : i32
    %dma_wait3A_576 = tpu.memref_slice %arg3[%add3A_571, %dma_wait3A_575] : memref<5120x64xi32, #tpu.memory_space<hbm>> -> memref<1x64xi32, #tpu.memory_space<hbm>>
    %dma_wait3A_577 = tpu.memref_squeeze %dma_wait3A_576 : memref<1x64xi32, #tpu.memory_space<hbm>> -> memref<64xi32, #tpu.memory_space<hbm>>
    tpu.wait_dma2 semaphore(%arg29 : memref<!tpu.dma_semaphore, #tpu.memory_space<semaphore_mem>>) src(%dma_wait3A_577 : memref<64xi32, #tpu.memory_space<hbm>>) dst(%arg11 : memref<64xi32, #tpu.memory_space<vmem>>)
    %dma_wait3A_578 = arith.constant 0 : i32
    %dma_wait3A_579 = arith.constant 0 : i32
    %dma_wait3A_580 = tpu.memref_slice %arg9[%dma_wait3A_578, %dma_wait3A_579] : memref<10240x128xf32, #tpu.memory_space<vmem_shared>> -> memref<10240x128xf32, #tpu.memory_space<vmem_shared>>
    tpu.wait_indirect_dma semaphore(%arg38 : memref<!tpu.dma_semaphore, #tpu.memory_space<semaphore_mem>>) src(%arg24 : memref<64x128xf32, #tpu.memory_space<vmem>>) dst(%dma_wait3A_580 : memref<10240x128xf32, #tpu.memory_space<vmem_shared>>)
    %dma_wait3A_581 = arith.constant 0 : i32
    %dma_wait3A_582 = arith.constant 0 : i32
    %dma_wait3A_583 = tpu.memref_slice %arg10[%dma_wait3A_581, %dma_wait3A_582] : memref<10240x16xf32, #tpu.memory_space<vmem_shared>> -> memref<10240x16xf32, #tpu.memory_space<vmem_shared>>
    tpu.wait_indirect_dma semaphore(%arg42 : memref<!tpu.dma_semaphore, #tpu.memory_space<semaphore_mem>>) src(%arg27 : memref<64x16xf32, #tpu.memory_space<vmem>>) dst(%dma_wait3A_583 : memref<10240x16xf32, #tpu.memory_space<vmem_shared>>)
    %min3A_584 = arith.constant 161 : i32
    %min3A_585 = arith.constant 159 : i32
    %min3A_586 = arith.minsi %min3A_584, %min3A_585 : i32
    %add3A_587 = arith.addi %mul3A_4, %min3A_586 : i32
    %dma_wait3A_588 = arith.constant 0 : i32
    %dma_wait3A_589 = tpu.memref_slice %arg3[%add3A_587, %dma_wait3A_588] : memref<5120x64xi32, #tpu.memory_space<hbm>> -> memref<1x64xi32, #tpu.memory_space<hbm>>
    %dma_wait3A_590 = tpu.memref_squeeze %dma_wait3A_589 : memref<1x64xi32, #tpu.memory_space<hbm>> -> memref<64xi32, #tpu.memory_space<hbm>>
    %dma_wait3A_591 = arith.constant 0 : i32
    %dma_wait3A_592 = tpu.memref_slice %arg3[%add3A_587, %dma_wait3A_591] : memref<5120x64xi32, #tpu.memory_space<hbm>> -> memref<1x64xi32, #tpu.memory_space<hbm>>
    %dma_wait3A_593 = tpu.memref_squeeze %dma_wait3A_592 : memref<1x64xi32, #tpu.memory_space<hbm>> -> memref<64xi32, #tpu.memory_space<hbm>>
    tpu.wait_dma2 semaphore(%arg30 : memref<!tpu.dma_semaphore, #tpu.memory_space<semaphore_mem>>) src(%dma_wait3A_593 : memref<64xi32, #tpu.memory_space<hbm>>) dst(%arg12 : memref<64xi32, #tpu.memory_space<vmem>>)
    %dma_wait3A_594 = arith.constant 0 : i32
    %dma_wait3A_595 = arith.constant 0 : i32
    %dma_wait3A_596 = tpu.memref_slice %arg9[%dma_wait3A_594, %dma_wait3A_595] : memref<10240x128xf32, #tpu.memory_space<vmem_shared>> -> memref<10240x128xf32, #tpu.memory_space<vmem_shared>>
    tpu.wait_indirect_dma semaphore(%arg39 : memref<!tpu.dma_semaphore, #tpu.memory_space<semaphore_mem>>) src(%arg25 : memref<64x128xf32, #tpu.memory_space<vmem>>) dst(%dma_wait3A_596 : memref<10240x128xf32, #tpu.memory_space<vmem_shared>>)
    %dma_wait3A_597 = arith.constant 0 : i32
    %dma_wait3A_598 = arith.constant 0 : i32
    %dma_wait3A_599 = tpu.memref_slice %arg10[%dma_wait3A_597, %dma_wait3A_598] : memref<10240x16xf32, #tpu.memory_space<vmem_shared>> -> memref<10240x16xf32, #tpu.memory_space<vmem_shared>>
    tpu.wait_indirect_dma semaphore(%arg43 : memref<!tpu.dma_semaphore, #tpu.memory_space<semaphore_mem>>) src(%arg27 : memref<64x16xf32, #tpu.memory_space<vmem>>) dst(%dma_wait3A_599 : memref<10240x16xf32, #tpu.memory_space<vmem_shared>>)
    %min3A_600 = arith.constant 162 : i32
    %min3A_601 = arith.constant 159 : i32
    %min3A_602 = arith.minsi %min3A_600, %min3A_601 : i32
    %add3A_603 = arith.addi %mul3A_4, %min3A_602 : i32
    %dma_wait3A_604 = arith.constant 0 : i32
    %dma_wait3A_605 = tpu.memref_slice %arg3[%add3A_603, %dma_wait3A_604] : memref<5120x64xi32, #tpu.memory_space<hbm>> -> memref<1x64xi32, #tpu.memory_space<hbm>>
    %dma_wait3A_606 = tpu.memref_squeeze %dma_wait3A_605 : memref<1x64xi32, #tpu.memory_space<hbm>> -> memref<64xi32, #tpu.memory_space<hbm>>
    %dma_wait3A_607 = arith.constant 0 : i32
    %dma_wait3A_608 = tpu.memref_slice %arg3[%add3A_603, %dma_wait3A_607] : memref<5120x64xi32, #tpu.memory_space<hbm>> -> memref<1x64xi32, #tpu.memory_space<hbm>>
    %dma_wait3A_609 = tpu.memref_squeeze %dma_wait3A_608 : memref<1x64xi32, #tpu.memory_space<hbm>> -> memref<64xi32, #tpu.memory_space<hbm>>
    tpu.wait_dma2 semaphore(%arg31 : memref<!tpu.dma_semaphore, #tpu.memory_space<semaphore_mem>>) src(%dma_wait3A_609 : memref<64xi32, #tpu.memory_space<hbm>>) dst(%arg13 : memref<64xi32, #tpu.memory_space<vmem>>)
    %dma_wait3A_610 = arith.constant 0 : i32
    %dma_wait3A_611 = arith.constant 0 : i32
    %dma_wait3A_612 = tpu.memref_slice %arg9[%dma_wait3A_610, %dma_wait3A_611] : memref<10240x128xf32, #tpu.memory_space<vmem_shared>> -> memref<10240x128xf32, #tpu.memory_space<vmem_shared>>
    tpu.wait_indirect_dma semaphore(%arg40 : memref<!tpu.dma_semaphore, #tpu.memory_space<semaphore_mem>>) src(%arg26 : memref<64x128xf32, #tpu.memory_space<vmem>>) dst(%dma_wait3A_612 : memref<10240x128xf32, #tpu.memory_space<vmem_shared>>)
    %dma_wait3A_613 = arith.constant 0 : i32
    %dma_wait3A_614 = arith.constant 0 : i32
    %dma_wait3A_615 = tpu.memref_slice %arg10[%dma_wait3A_613, %dma_wait3A_614] : memref<10240x16xf32, #tpu.memory_space<vmem_shared>> -> memref<10240x16xf32, #tpu.memory_space<vmem_shared>>
    tpu.wait_indirect_dma semaphore(%arg44 : memref<!tpu.dma_semaphore, #tpu.memory_space<semaphore_mem>>) src(%arg27 : memref<64x16xf32, #tpu.memory_space<vmem>>) dst(%dma_wait3A_615 : memref<10240x16xf32, #tpu.memory_space<vmem_shared>>)
    %min3A_616 = arith.constant 163 : i32
    %min3A_617 = arith.constant 159 : i32
    %min3A_618 = arith.minsi %min3A_616, %min3A_617 : i32
    %add3A_619 = arith.addi %mul3A_4, %min3A_618 : i32
    %dma_wait3A_620 = arith.constant 0 : i32
    %dma_wait3A_621 = tpu.memref_slice %arg3[%add3A_619, %dma_wait3A_620] : memref<5120x64xi32, #tpu.memory_space<hbm>> -> memref<1x64xi32, #tpu.memory_space<hbm>>
    %dma_wait3A_622 = tpu.memref_squeeze %dma_wait3A_621 : memref<1x64xi32, #tpu.memory_space<hbm>> -> memref<64xi32, #tpu.memory_space<hbm>>
    %dma_wait3A_623 = arith.constant 0 : i32
    %dma_wait3A_624 = tpu.memref_slice %arg3[%add3A_619, %dma_wait3A_623] : memref<5120x64xi32, #tpu.memory_space<hbm>> -> memref<1x64xi32, #tpu.memory_space<hbm>>
    %dma_wait3A_625 = tpu.memref_squeeze %dma_wait3A_624 : memref<1x64xi32, #tpu.memory_space<hbm>> -> memref<64xi32, #tpu.memory_space<hbm>>
    tpu.wait_dma2 semaphore(%arg32 : memref<!tpu.dma_semaphore, #tpu.memory_space<semaphore_mem>>) src(%dma_wait3A_625 : memref<64xi32, #tpu.memory_space<hbm>>) dst(%arg14 : memref<64xi32, #tpu.memory_space<vmem>>)
    %barrier3A_626 = arith.constant 0 : index
    tpu.barrier barrier_id(%barrier3A_626)
    %mul3A_627 = arith.constant 10240 : i32
    %mul3A_628 = arith.muli %arg0, %mul3A_627 : i32
    %add3A_629 = arith.addi %mul3A_628, %mul3A_2 : i32
    %broadcast_in_dim3A = arith.constant 0 : i32
    %broadcast_in_dim3A_630 = vector.broadcast %broadcast_in_dim3A : i32 to vector<16xi32>
    %iota3A = tpu.iota {dimensions = array<i32: 0>} : vector<16xi32>
    %add3A_631 = arith.constant 0 : i32
    %add3A_632 = arith.addi %mul3A_2, %add3A_631 : i32
    "tpu.region"() ({
      %run_scoped3A = tpu.sem_alloc : memref<!tpu.dma_semaphore, #tpu.memory_space<semaphore_mem>>
      %dma_start3A_1030 = arith.constant 0 : i32
      %dma_start3A_1031 = tpu.memref_slice %arg9[%add3A_632, %dma_start3A_1030] : memref<10240x128xf32, #tpu.memory_space<vmem_shared>> -> memref<64x128xf32, #tpu.memory_space<vmem_shared>>
      %dma_start3A_1032 = arith.constant 0 : i32
      %dma_start3A_1033 = tpu.memref_slice %arg9[%add3A_632, %dma_start3A_1032] : memref<10240x128xf32, #tpu.memory_space<vmem_shared>> -> memref<64x128xf32, #tpu.memory_space<vmem_shared>>
      tpu.enqueue_dma source(%dma_start3A_1033 : memref<64x128xf32, #tpu.memory_space<vmem_shared>>) target(%arg23 : memref<64x128xf32, #tpu.memory_space<vmem>>) target_semaphore(%run_scoped3A : memref<!tpu.dma_semaphore, #tpu.memory_space<semaphore_mem>>)
      %dma_wait3A_1034 = arith.constant 0 : i32
      %dma_wait3A_1035 = tpu.memref_slice %arg9[%add3A_632, %dma_wait3A_1034] : memref<10240x128xf32, #tpu.memory_space<vmem_shared>> -> memref<64x128xf32, #tpu.memory_space<vmem_shared>>
      %dma_wait3A_1036 = arith.constant 0 : i32
      %dma_wait3A_1037 = tpu.memref_slice %arg9[%add3A_632, %dma_wait3A_1036] : memref<10240x128xf32, #tpu.memory_space<vmem_shared>> -> memref<64x128xf32, #tpu.memory_space<vmem_shared>>
      tpu.wait_dma2 semaphore(%run_scoped3A : memref<!tpu.dma_semaphore, #tpu.memory_space<semaphore_mem>>) src(%dma_wait3A_1037 : memref<64x128xf32, #tpu.memory_space<vmem_shared>>) dst(%arg23 : memref<64x128xf32, #tpu.memory_space<vmem>>)
      tpu.yield
    }) : () -> ()
    %add3A_633 = arith.constant 0 : i32
    %add3A_634 = arith.addi %add3A_629, %add3A_633 : i32
    %dma_start3A_635 = arith.constant 0 : i32
    %dma_start3A_636 = tpu.memref_slice %arg7[%add3A_634, %dma_start3A_635] : memref<20480x128xf32, #tpu.memory_space<hbm>> -> memref<64x128xf32, #tpu.memory_space<hbm>>
    %dma_start3A_637 = arith.constant 0 : i32
    %dma_start3A_638 = tpu.memref_slice %arg7[%add3A_634, %dma_start3A_637] : memref<20480x128xf32, #tpu.memory_space<hbm>> -> memref<64x128xf32, #tpu.memory_space<hbm>>
    tpu.enqueue_dma source(%arg23 : memref<64x128xf32, #tpu.memory_space<vmem>>) target(%dma_start3A_638 : memref<64x128xf32, #tpu.memory_space<hbm>>) target_semaphore(%arg37 : memref<!tpu.dma_semaphore, #tpu.memory_space<semaphore_mem>>)
    %add3A_639 = arith.constant 0 : i32
    %add3A_640 = arith.addi %mul3A_2, %add3A_639 : i32
    "tpu.region"() ({
      %run_scoped3A = tpu.sem_alloc : memref<!tpu.dma_semaphore, #tpu.memory_space<semaphore_mem>>
      %dma_start3A_1030 = arith.constant 0 : i32
      %dma_start3A_1031 = tpu.memref_slice %arg10[%add3A_640, %dma_start3A_1030] : memref<10240x16xf32, #tpu.memory_space<vmem_shared>> -> memref<64x16xf32, #tpu.memory_space<vmem_shared>>
      %dma_start3A_1032 = arith.constant 0 : i32
      %dma_start3A_1033 = tpu.memref_slice %arg10[%add3A_640, %dma_start3A_1032] : memref<10240x16xf32, #tpu.memory_space<vmem_shared>> -> memref<64x16xf32, #tpu.memory_space<vmem_shared>>
      tpu.enqueue_dma source(%dma_start3A_1033 : memref<64x16xf32, #tpu.memory_space<vmem_shared>>) target(%arg27 : memref<64x16xf32, #tpu.memory_space<vmem>>) target_semaphore(%run_scoped3A : memref<!tpu.dma_semaphore, #tpu.memory_space<semaphore_mem>>)
      %dma_wait3A_1034 = arith.constant 0 : i32
      %dma_wait3A_1035 = tpu.memref_slice %arg10[%add3A_640, %dma_wait3A_1034] : memref<10240x16xf32, #tpu.memory_space<vmem_shared>> -> memref<64x16xf32, #tpu.memory_space<vmem_shared>>
      %dma_wait3A_1036 = arith.constant 0 : i32
      %dma_wait3A_1037 = tpu.memref_slice %arg10[%add3A_640, %dma_wait3A_1036] : memref<10240x16xf32, #tpu.memory_space<vmem_shared>> -> memref<64x16xf32, #tpu.memory_space<vmem_shared>>
      tpu.wait_dma2 semaphore(%run_scoped3A : memref<!tpu.dma_semaphore, #tpu.memory_space<semaphore_mem>>) src(%dma_wait3A_1037 : memref<64x16xf32, #tpu.memory_space<vmem_shared>>) dst(%arg27 : memref<64x16xf32, #tpu.memory_space<vmem>>)
      tpu.yield
    }) : () -> ()
    %add3A_641 = arith.constant 0 : i32
    %add3A_642 = vector.broadcast %add3A_641 : i32 to vector<16xi32>
    %add3A_643 = arith.addi %iota3A, %add3A_642 : vector<16xi32>
    %gather3A = tpu.vector_load_idx %arg27[%add3A_643, %broadcast_in_dim3A_630] : memref<64x16xf32, #tpu.memory_space<vmem>>[vector<16xi32>, vector<16xi32>], vector<16xf32>,
    %swap3A_644 = arith.constant 0 : index
    %swap3A_645 = tpu.vector_load %arg28[%swap3A_644] {strides = array<i32>} : memref<640xf32, #tpu.memory_space<vmem>>, vector<16xf32>,
    tpu.vector_store %arg28[%swap3A_644], %gather3A {strides = array<i32>} : memref<640xf32, #tpu.memory_space<vmem>>, vector<16xf32>,
    %add3A_646 = arith.constant 16 : i32
    %add3A_647 = vector.broadcast %add3A_646 : i32 to vector<16xi32>
    %add3A_648 = arith.addi %iota3A, %add3A_647 : vector<16xi32>
    %gather3A_649 = tpu.vector_load_idx %arg27[%add3A_648, %broadcast_in_dim3A_630] : memref<64x16xf32, #tpu.memory_space<vmem>>[vector<16xi32>, vector<16xi32>], vector<16xf32>,
    %swap3A_650 = arith.constant 16 : index
    %swap3A_651 = tpu.vector_load %arg28[%swap3A_650] {strides = array<i32>} : memref<640xf32, #tpu.memory_space<vmem>>, vector<16xf32>,
    tpu.vector_store %arg28[%swap3A_650], %gather3A_649 {strides = array<i32>} : memref<640xf32, #tpu.memory_space<vmem>>, vector<16xf32>,
    %add3A_652 = arith.constant 32 : i32
    %add3A_653 = vector.broadcast %add3A_652 : i32 to vector<16xi32>
    %add3A_654 = arith.addi %iota3A, %add3A_653 : vector<16xi32>
    %gather3A_655 = tpu.vector_load_idx %arg27[%add3A_654, %broadcast_in_dim3A_630] : memref<64x16xf32, #tpu.memory_space<vmem>>[vector<16xi32>, vector<16xi32>], vector<16xf32>,
    %swap3A_656 = arith.constant 32 : index
    %swap3A_657 = tpu.vector_load %arg28[%swap3A_656] {strides = array<i32>} : memref<640xf32, #tpu.memory_space<vmem>>, vector<16xf32>,
    tpu.vector_store %arg28[%swap3A_656], %gather3A_655 {strides = array<i32>} : memref<640xf32, #tpu.memory_space<vmem>>, vector<16xf32>,
    %add3A_658 = arith.constant 48 : i32
    %add3A_659 = vector.broadcast %add3A_658 : i32 to vector<16xi32>
    %add3A_660 = arith.addi %iota3A, %add3A_659 : vector<16xi32>
    %gather3A_661 = tpu.vector_load_idx %arg27[%add3A_660, %broadcast_in_dim3A_630] : memref<64x16xf32, #tpu.memory_space<vmem>>[vector<16xi32>, vector<16xi32>], vector<16xf32>,
    %swap3A_662 = arith.constant 48 : index
    %swap3A_663 = tpu.vector_load %arg28[%swap3A_662] {strides = array<i32>} : memref<640xf32, #tpu.memory_space<vmem>>, vector<16xf32>,
    tpu.vector_store %arg28[%swap3A_662], %gather3A_661 {strides = array<i32>} : memref<640xf32, #tpu.memory_space<vmem>>, vector<16xf32>,
    %add3A_664 = arith.constant 64 : i32
    %add3A_665 = arith.addi %mul3A_2, %add3A_664 : i32
    "tpu.region"() ({
      %run_scoped3A = tpu.sem_alloc : memref<!tpu.dma_semaphore, #tpu.memory_space<semaphore_mem>>
      %dma_start3A_1030 = arith.constant 0 : i32
      %dma_start3A_1031 = tpu.memref_slice %arg9[%add3A_665, %dma_start3A_1030] : memref<10240x128xf32, #tpu.memory_space<vmem_shared>> -> memref<64x128xf32, #tpu.memory_space<vmem_shared>>
      %dma_start3A_1032 = arith.constant 0 : i32
      %dma_start3A_1033 = tpu.memref_slice %arg9[%add3A_665, %dma_start3A_1032] : memref<10240x128xf32, #tpu.memory_space<vmem_shared>> -> memref<64x128xf32, #tpu.memory_space<vmem_shared>>
      tpu.enqueue_dma source(%dma_start3A_1033 : memref<64x128xf32, #tpu.memory_space<vmem_shared>>) target(%arg24 : memref<64x128xf32, #tpu.memory_space<vmem>>) target_semaphore(%run_scoped3A : memref<!tpu.dma_semaphore, #tpu.memory_space<semaphore_mem>>)
      %dma_wait3A_1034 = arith.constant 0 : i32
      %dma_wait3A_1035 = tpu.memref_slice %arg9[%add3A_665, %dma_wait3A_1034] : memref<10240x128xf32, #tpu.memory_space<vmem_shared>> -> memref<64x128xf32, #tpu.memory_space<vmem_shared>>
      %dma_wait3A_1036 = arith.constant 0 : i32
      %dma_wait3A_1037 = tpu.memref_slice %arg9[%add3A_665, %dma_wait3A_1036] : memref<10240x128xf32, #tpu.memory_space<vmem_shared>> -> memref<64x128xf32, #tpu.memory_space<vmem_shared>>
      tpu.wait_dma2 semaphore(%run_scoped3A : memref<!tpu.dma_semaphore, #tpu.memory_space<semaphore_mem>>) src(%dma_wait3A_1037 : memref<64x128xf32, #tpu.memory_space<vmem_shared>>) dst(%arg24 : memref<64x128xf32, #tpu.memory_space<vmem>>)
      tpu.yield
    }) : () -> ()
    %add3A_666 = arith.constant 64 : i32
    %add3A_667 = arith.addi %add3A_629, %add3A_666 : i32
    %dma_start3A_668 = arith.constant 0 : i32
    %dma_start3A_669 = tpu.memref_slice %arg7[%add3A_667, %dma_start3A_668] : memref<20480x128xf32, #tpu.memory_space<hbm>> -> memref<64x128xf32, #tpu.memory_space<hbm>>
    %dma_start3A_670 = arith.constant 0 : i32
    %dma_start3A_671 = tpu.memref_slice %arg7[%add3A_667, %dma_start3A_670] : memref<20480x128xf32, #tpu.memory_space<hbm>> -> memref<64x128xf32, #tpu.memory_space<hbm>>
    tpu.enqueue_dma source(%arg24 : memref<64x128xf32, #tpu.memory_space<vmem>>) target(%dma_start3A_671 : memref<64x128xf32, #tpu.memory_space<hbm>>) target_semaphore(%arg38 : memref<!tpu.dma_semaphore, #tpu.memory_space<semaphore_mem>>)
    %add3A_672 = arith.constant 64 : i32
    %add3A_673 = arith.addi %mul3A_2, %add3A_672 : i32
    "tpu.region"() ({
      %run_scoped3A = tpu.sem_alloc : memref<!tpu.dma_semaphore, #tpu.memory_space<semaphore_mem>>
      %dma_start3A_1030 = arith.constant 0 : i32
      %dma_start3A_1031 = tpu.memref_slice %arg10[%add3A_673, %dma_start3A_1030] : memref<10240x16xf32, #tpu.memory_space<vmem_shared>> -> memref<64x16xf32, #tpu.memory_space<vmem_shared>>
      %dma_start3A_1032 = arith.constant 0 : i32
      %dma_start3A_1033 = tpu.memref_slice %arg10[%add3A_673, %dma_start3A_1032] : memref<10240x16xf32, #tpu.memory_space<vmem_shared>> -> memref<64x16xf32, #tpu.memory_space<vmem_shared>>
      tpu.enqueue_dma source(%dma_start3A_1033 : memref<64x16xf32, #tpu.memory_space<vmem_shared>>) target(%arg27 : memref<64x16xf32, #tpu.memory_space<vmem>>) target_semaphore(%run_scoped3A : memref<!tpu.dma_semaphore, #tpu.memory_space<semaphore_mem>>)
      %dma_wait3A_1034 = arith.constant 0 : i32
      %dma_wait3A_1035 = tpu.memref_slice %arg10[%add3A_673, %dma_wait3A_1034] : memref<10240x16xf32, #tpu.memory_space<vmem_shared>> -> memref<64x16xf32, #tpu.memory_space<vmem_shared>>
      %dma_wait3A_1036 = arith.constant 0 : i32
      %dma_wait3A_1037 = tpu.memref_slice %arg10[%add3A_673, %dma_wait3A_1036] : memref<10240x16xf32, #tpu.memory_space<vmem_shared>> -> memref<64x16xf32, #tpu.memory_space<vmem_shared>>
      tpu.wait_dma2 semaphore(%run_scoped3A : memref<!tpu.dma_semaphore, #tpu.memory_space<semaphore_mem>>) src(%dma_wait3A_1037 : memref<64x16xf32, #tpu.memory_space<vmem_shared>>) dst(%arg27 : memref<64x16xf32, #tpu.memory_space<vmem>>)
      tpu.yield
    }) : () -> ()
    %add3A_674 = arith.constant 0 : i32
    %add3A_675 = vector.broadcast %add3A_674 : i32 to vector<16xi32>
    %add3A_676 = arith.addi %iota3A, %add3A_675 : vector<16xi32>
    %gather3A_677 = tpu.vector_load_idx %arg27[%add3A_676, %broadcast_in_dim3A_630] : memref<64x16xf32, #tpu.memory_space<vmem>>[vector<16xi32>, vector<16xi32>], vector<16xf32>,
    %swap3A_678 = arith.constant 64 : index
    %swap3A_679 = tpu.vector_load %arg28[%swap3A_678] {strides = array<i32>} : memref<640xf32, #tpu.memory_space<vmem>>, vector<16xf32>,
    tpu.vector_store %arg28[%swap3A_678], %gather3A_677 {strides = array<i32>} : memref<640xf32, #tpu.memory_space<vmem>>, vector<16xf32>,
    %add3A_680 = arith.constant 16 : i32
    %add3A_681 = vector.broadcast %add3A_680 : i32 to vector<16xi32>
    %add3A_682 = arith.addi %iota3A, %add3A_681 : vector<16xi32>
    %gather3A_683 = tpu.vector_load_idx %arg27[%add3A_682, %broadcast_in_dim3A_630] : memref<64x16xf32, #tpu.memory_space<vmem>>[vector<16xi32>, vector<16xi32>], vector<16xf32>,
    %swap3A_684 = arith.constant 80 : index
    %swap3A_685 = tpu.vector_load %arg28[%swap3A_684] {strides = array<i32>} : memref<640xf32, #tpu.memory_space<vmem>>, vector<16xf32>,
    tpu.vector_store %arg28[%swap3A_684], %gather3A_683 {strides = array<i32>} : memref<640xf32, #tpu.memory_space<vmem>>, vector<16xf32>,
    %add3A_686 = arith.constant 32 : i32
    %add3A_687 = vector.broadcast %add3A_686 : i32 to vector<16xi32>
    %add3A_688 = arith.addi %iota3A, %add3A_687 : vector<16xi32>
    %gather3A_689 = tpu.vector_load_idx %arg27[%add3A_688, %broadcast_in_dim3A_630] : memref<64x16xf32, #tpu.memory_space<vmem>>[vector<16xi32>, vector<16xi32>], vector<16xf32>,
    %swap3A_690 = arith.constant 96 : index
    %swap3A_691 = tpu.vector_load %arg28[%swap3A_690] {strides = array<i32>} : memref<640xf32, #tpu.memory_space<vmem>>, vector<16xf32>,
    tpu.vector_store %arg28[%swap3A_690], %gather3A_689 {strides = array<i32>} : memref<640xf32, #tpu.memory_space<vmem>>, vector<16xf32>,
    %add3A_692 = arith.constant 48 : i32
    %add3A_693 = vector.broadcast %add3A_692 : i32 to vector<16xi32>
    %add3A_694 = arith.addi %iota3A, %add3A_693 : vector<16xi32>
    %gather3A_695 = tpu.vector_load_idx %arg27[%add3A_694, %broadcast_in_dim3A_630] : memref<64x16xf32, #tpu.memory_space<vmem>>[vector<16xi32>, vector<16xi32>], vector<16xf32>,
    %swap3A_696 = arith.constant 112 : index
    %swap3A_697 = tpu.vector_load %arg28[%swap3A_696] {strides = array<i32>} : memref<640xf32, #tpu.memory_space<vmem>>, vector<16xf32>,
    tpu.vector_store %arg28[%swap3A_696], %gather3A_695 {strides = array<i32>} : memref<640xf32, #tpu.memory_space<vmem>>, vector<16xf32>,
    %add3A_698 = arith.constant 128 : i32
    %add3A_699 = arith.addi %mul3A_2, %add3A_698 : i32
    "tpu.region"() ({
      %run_scoped3A = tpu.sem_alloc : memref<!tpu.dma_semaphore, #tpu.memory_space<semaphore_mem>>
      %dma_start3A_1030 = arith.constant 0 : i32
      %dma_start3A_1031 = tpu.memref_slice %arg9[%add3A_699, %dma_start3A_1030] : memref<10240x128xf32, #tpu.memory_space<vmem_shared>> -> memref<64x128xf32, #tpu.memory_space<vmem_shared>>
      %dma_start3A_1032 = arith.constant 0 : i32
      %dma_start3A_1033 = tpu.memref_slice %arg9[%add3A_699, %dma_start3A_1032] : memref<10240x128xf32, #tpu.memory_space<vmem_shared>> -> memref<64x128xf32, #tpu.memory_space<vmem_shared>>
      tpu.enqueue_dma source(%dma_start3A_1033 : memref<64x128xf32, #tpu.memory_space<vmem_shared>>) target(%arg25 : memref<64x128xf32, #tpu.memory_space<vmem>>) target_semaphore(%run_scoped3A : memref<!tpu.dma_semaphore, #tpu.memory_space<semaphore_mem>>)
      %dma_wait3A_1034 = arith.constant 0 : i32
      %dma_wait3A_1035 = tpu.memref_slice %arg9[%add3A_699, %dma_wait3A_1034] : memref<10240x128xf32, #tpu.memory_space<vmem_shared>> -> memref<64x128xf32, #tpu.memory_space<vmem_shared>>
      %dma_wait3A_1036 = arith.constant 0 : i32
      %dma_wait3A_1037 = tpu.memref_slice %arg9[%add3A_699, %dma_wait3A_1036] : memref<10240x128xf32, #tpu.memory_space<vmem_shared>> -> memref<64x128xf32, #tpu.memory_space<vmem_shared>>
      tpu.wait_dma2 semaphore(%run_scoped3A : memref<!tpu.dma_semaphore, #tpu.memory_space<semaphore_mem>>) src(%dma_wait3A_1037 : memref<64x128xf32, #tpu.memory_space<vmem_shared>>) dst(%arg25 : memref<64x128xf32, #tpu.memory_space<vmem>>)
      tpu.yield
    }) : () -> ()
    %add3A_700 = arith.constant 128 : i32
    %add3A_701 = arith.addi %add3A_629, %add3A_700 : i32
    %dma_start3A_702 = arith.constant 0 : i32
    %dma_start3A_703 = tpu.memref_slice %arg7[%add3A_701, %dma_start3A_702] : memref<20480x128xf32, #tpu.memory_space<hbm>> -> memref<64x128xf32, #tpu.memory_space<hbm>>
    %dma_start3A_704 = arith.constant 0 : i32
    %dma_start3A_705 = tpu.memref_slice %arg7[%add3A_701, %dma_start3A_704] : memref<20480x128xf32, #tpu.memory_space<hbm>> -> memref<64x128xf32, #tpu.memory_space<hbm>>
    tpu.enqueue_dma source(%arg25 : memref<64x128xf32, #tpu.memory_space<vmem>>) target(%dma_start3A_705 : memref<64x128xf32, #tpu.memory_space<hbm>>) target_semaphore(%arg39 : memref<!tpu.dma_semaphore, #tpu.memory_space<semaphore_mem>>)
    %add3A_706 = arith.constant 128 : i32
    %add3A_707 = arith.addi %mul3A_2, %add3A_706 : i32
    "tpu.region"() ({
      %run_scoped3A = tpu.sem_alloc : memref<!tpu.dma_semaphore, #tpu.memory_space<semaphore_mem>>
      %dma_start3A_1030 = arith.constant 0 : i32
      %dma_start3A_1031 = tpu.memref_slice %arg10[%add3A_707, %dma_start3A_1030] : memref<10240x16xf32, #tpu.memory_space<vmem_shared>> -> memref<64x16xf32, #tpu.memory_space<vmem_shared>>
      %dma_start3A_1032 = arith.constant 0 : i32
      %dma_start3A_1033 = tpu.memref_slice %arg10[%add3A_707, %dma_start3A_1032] : memref<10240x16xf32, #tpu.memory_space<vmem_shared>> -> memref<64x16xf32, #tpu.memory_space<vmem_shared>>
      tpu.enqueue_dma source(%dma_start3A_1033 : memref<64x16xf32, #tpu.memory_space<vmem_shared>>) target(%arg27 : memref<64x16xf32, #tpu.memory_space<vmem>>) target_semaphore(%run_scoped3A : memref<!tpu.dma_semaphore, #tpu.memory_space<semaphore_mem>>)
      %dma_wait3A_1034 = arith.constant 0 : i32
      %dma_wait3A_1035 = tpu.memref_slice %arg10[%add3A_707, %dma_wait3A_1034] : memref<10240x16xf32, #tpu.memory_space<vmem_shared>> -> memref<64x16xf32, #tpu.memory_space<vmem_shared>>
      %dma_wait3A_1036 = arith.constant 0 : i32
      %dma_wait3A_1037 = tpu.memref_slice %arg10[%add3A_707, %dma_wait3A_1036] : memref<10240x16xf32, #tpu.memory_space<vmem_shared>> -> memref<64x16xf32, #tpu.memory_space<vmem_shared>>
      tpu.wait_dma2 semaphore(%run_scoped3A : memref<!tpu.dma_semaphore, #tpu.memory_space<semaphore_mem>>) src(%dma_wait3A_1037 : memref<64x16xf32, #tpu.memory_space<vmem_shared>>) dst(%arg27 : memref<64x16xf32, #tpu.memory_space<vmem>>)
      tpu.yield
    }) : () -> ()
    %add3A_708 = arith.constant 0 : i32
    %add3A_709 = vector.broadcast %add3A_708 : i32 to vector<16xi32>
    %add3A_710 = arith.addi %iota3A, %add3A_709 : vector<16xi32>
    %gather3A_711 = tpu.vector_load_idx %arg27[%add3A_710, %broadcast_in_dim3A_630] : memref<64x16xf32, #tpu.memory_space<vmem>>[vector<16xi32>, vector<16xi32>], vector<16xf32>,
    %swap3A_712 = arith.constant 128 : index
    %swap3A_713 = tpu.vector_load %arg28[%swap3A_712] {strides = array<i32>} : memref<640xf32, #tpu.memory_space<vmem>>, vector<16xf32>,
    tpu.vector_store %arg28[%swap3A_712], %gather3A_711 {strides = array<i32>} : memref<640xf32, #tpu.memory_space<vmem>>, vector<16xf32>,
    %add3A_714 = arith.constant 16 : i32
    %add3A_715 = vector.broadcast %add3A_714 : i32 to vector<16xi32>
    %add3A_716 = arith.addi %iota3A, %add3A_715 : vector<16xi32>
    %gather3A_717 = tpu.vector_load_idx %arg27[%add3A_716, %broadcast_in_dim3A_630] : memref<64x16xf32, #tpu.memory_space<vmem>>[vector<16xi32>, vector<16xi32>], vector<16xf32>,
    %swap3A_718 = arith.constant 144 : index
    %swap3A_719 = tpu.vector_load %arg28[%swap3A_718] {strides = array<i32>} : memref<640xf32, #tpu.memory_space<vmem>>, vector<16xf32>,
    tpu.vector_store %arg28[%swap3A_718], %gather3A_717 {strides = array<i32>} : memref<640xf32, #tpu.memory_space<vmem>>, vector<16xf32>,
    %add3A_720 = arith.constant 32 : i32
    %add3A_721 = vector.broadcast %add3A_720 : i32 to vector<16xi32>
    %add3A_722 = arith.addi %iota3A, %add3A_721 : vector<16xi32>
    %gather3A_723 = tpu.vector_load_idx %arg27[%add3A_722, %broadcast_in_dim3A_630] : memref<64x16xf32, #tpu.memory_space<vmem>>[vector<16xi32>, vector<16xi32>], vector<16xf32>,
    %swap3A_724 = arith.constant 160 : index
    %swap3A_725 = tpu.vector_load %arg28[%swap3A_724] {strides = array<i32>} : memref<640xf32, #tpu.memory_space<vmem>>, vector<16xf32>,
    tpu.vector_store %arg28[%swap3A_724], %gather3A_723 {strides = array<i32>} : memref<640xf32, #tpu.memory_space<vmem>>, vector<16xf32>,
    %add3A_726 = arith.constant 48 : i32
    %add3A_727 = vector.broadcast %add3A_726 : i32 to vector<16xi32>
    %add3A_728 = arith.addi %iota3A, %add3A_727 : vector<16xi32>
    %gather3A_729 = tpu.vector_load_idx %arg27[%add3A_728, %broadcast_in_dim3A_630] : memref<64x16xf32, #tpu.memory_space<vmem>>[vector<16xi32>, vector<16xi32>], vector<16xf32>,
    %swap3A_730 = arith.constant 176 : index
    %swap3A_731 = tpu.vector_load %arg28[%swap3A_730] {strides = array<i32>} : memref<640xf32, #tpu.memory_space<vmem>>, vector<16xf32>,
    tpu.vector_store %arg28[%swap3A_730], %gather3A_729 {strides = array<i32>} : memref<640xf32, #tpu.memory_space<vmem>>, vector<16xf32>,
    %add3A_732 = arith.constant 192 : i32
    %add3A_733 = arith.addi %mul3A_2, %add3A_732 : i32
    "tpu.region"() ({
      %run_scoped3A = tpu.sem_alloc : memref<!tpu.dma_semaphore, #tpu.memory_space<semaphore_mem>>
      %dma_start3A_1030 = arith.constant 0 : i32
      %dma_start3A_1031 = tpu.memref_slice %arg9[%add3A_733, %dma_start3A_1030] : memref<10240x128xf32, #tpu.memory_space<vmem_shared>> -> memref<64x128xf32, #tpu.memory_space<vmem_shared>>
      %dma_start3A_1032 = arith.constant 0 : i32
      %dma_start3A_1033 = tpu.memref_slice %arg9[%add3A_733, %dma_start3A_1032] : memref<10240x128xf32, #tpu.memory_space<vmem_shared>> -> memref<64x128xf32, #tpu.memory_space<vmem_shared>>
      tpu.enqueue_dma source(%dma_start3A_1033 : memref<64x128xf32, #tpu.memory_space<vmem_shared>>) target(%arg26 : memref<64x128xf32, #tpu.memory_space<vmem>>) target_semaphore(%run_scoped3A : memref<!tpu.dma_semaphore, #tpu.memory_space<semaphore_mem>>)
      %dma_wait3A_1034 = arith.constant 0 : i32
      %dma_wait3A_1035 = tpu.memref_slice %arg9[%add3A_733, %dma_wait3A_1034] : memref<10240x128xf32, #tpu.memory_space<vmem_shared>> -> memref<64x128xf32, #tpu.memory_space<vmem_shared>>
      %dma_wait3A_1036 = arith.constant 0 : i32
      %dma_wait3A_1037 = tpu.memref_slice %arg9[%add3A_733, %dma_wait3A_1036] : memref<10240x128xf32, #tpu.memory_space<vmem_shared>> -> memref<64x128xf32, #tpu.memory_space<vmem_shared>>
      tpu.wait_dma2 semaphore(%run_scoped3A : memref<!tpu.dma_semaphore, #tpu.memory_space<semaphore_mem>>) src(%dma_wait3A_1037 : memref<64x128xf32, #tpu.memory_space<vmem_shared>>) dst(%arg26 : memref<64x128xf32, #tpu.memory_space<vmem>>)
      tpu.yield
    }) : () -> ()
    %add3A_734 = arith.constant 192 : i32
    %add3A_735 = arith.addi %add3A_629, %add3A_734 : i32
    %dma_start3A_736 = arith.constant 0 : i32
    %dma_start3A_737 = tpu.memref_slice %arg7[%add3A_735, %dma_start3A_736] : memref<20480x128xf32, #tpu.memory_space<hbm>> -> memref<64x128xf32, #tpu.memory_space<hbm>>
    %dma_start3A_738 = arith.constant 0 : i32
    %dma_start3A_739 = tpu.memref_slice %arg7[%add3A_735, %dma_start3A_738] : memref<20480x128xf32, #tpu.memory_space<hbm>> -> memref<64x128xf32, #tpu.memory_space<hbm>>
    tpu.enqueue_dma source(%arg26 : memref<64x128xf32, #tpu.memory_space<vmem>>) target(%dma_start3A_739 : memref<64x128xf32, #tpu.memory_space<hbm>>) target_semaphore(%arg40 : memref<!tpu.dma_semaphore, #tpu.memory_space<semaphore_mem>>)
    %add3A_740 = arith.constant 192 : i32
    %add3A_741 = arith.addi %mul3A_2, %add3A_740 : i32
    "tpu.region"() ({
      %run_scoped3A = tpu.sem_alloc : memref<!tpu.dma_semaphore, #tpu.memory_space<semaphore_mem>>
      %dma_start3A_1030 = arith.constant 0 : i32
      %dma_start3A_1031 = tpu.memref_slice %arg10[%add3A_741, %dma_start3A_1030] : memref<10240x16xf32, #tpu.memory_space<vmem_shared>> -> memref<64x16xf32, #tpu.memory_space<vmem_shared>>
      %dma_start3A_1032 = arith.constant 0 : i32
      %dma_start3A_1033 = tpu.memref_slice %arg10[%add3A_741, %dma_start3A_1032] : memref<10240x16xf32, #tpu.memory_space<vmem_shared>> -> memref<64x16xf32, #tpu.memory_space<vmem_shared>>
      tpu.enqueue_dma source(%dma_start3A_1033 : memref<64x16xf32, #tpu.memory_space<vmem_shared>>) target(%arg27 : memref<64x16xf32, #tpu.memory_space<vmem>>) target_semaphore(%run_scoped3A : memref<!tpu.dma_semaphore, #tpu.memory_space<semaphore_mem>>)
      %dma_wait3A_1034 = arith.constant 0 : i32
      %dma_wait3A_1035 = tpu.memref_slice %arg10[%add3A_741, %dma_wait3A_1034] : memref<10240x16xf32, #tpu.memory_space<vmem_shared>> -> memref<64x16xf32, #tpu.memory_space<vmem_shared>>
      %dma_wait3A_1036 = arith.constant 0 : i32
      %dma_wait3A_1037 = tpu.memref_slice %arg10[%add3A_741, %dma_wait3A_1036] : memref<10240x16xf32, #tpu.memory_space<vmem_shared>> -> memref<64x16xf32, #tpu.memory_space<vmem_shared>>
      tpu.wait_dma2 semaphore(%run_scoped3A : memref<!tpu.dma_semaphore, #tpu.memory_space<semaphore_mem>>) src(%dma_wait3A_1037 : memref<64x16xf32, #tpu.memory_space<vmem_shared>>) dst(%arg27 : memref<64x16xf32, #tpu.memory_space<vmem>>)
      tpu.yield
    }) : () -> ()
    %add3A_742 = arith.constant 0 : i32
    %add3A_743 = vector.broadcast %add3A_742 : i32 to vector<16xi32>
    %add3A_744 = arith.addi %iota3A, %add3A_743 : vector<16xi32>
    %gather3A_745 = tpu.vector_load_idx %arg27[%add3A_744, %broadcast_in_dim3A_630] : memref<64x16xf32, #tpu.memory_space<vmem>>[vector<16xi32>, vector<16xi32>], vector<16xf32>,
    %swap3A_746 = arith.constant 192 : index
    %swap3A_747 = tpu.vector_load %arg28[%swap3A_746] {strides = array<i32>} : memref<640xf32, #tpu.memory_space<vmem>>, vector<16xf32>,
    tpu.vector_store %arg28[%swap3A_746], %gather3A_745 {strides = array<i32>} : memref<640xf32, #tpu.memory_space<vmem>>, vector<16xf32>,
    %add3A_748 = arith.constant 16 : i32
    %add3A_749 = vector.broadcast %add3A_748 : i32 to vector<16xi32>
    %add3A_750 = arith.addi %iota3A, %add3A_749 : vector<16xi32>
    %gather3A_751 = tpu.vector_load_idx %arg27[%add3A_750, %broadcast_in_dim3A_630] : memref<64x16xf32, #tpu.memory_space<vmem>>[vector<16xi32>, vector<16xi32>], vector<16xf32>,
    %swap3A_752 = arith.constant 208 : index
    %swap3A_753 = tpu.vector_load %arg28[%swap3A_752] {strides = array<i32>} : memref<640xf32, #tpu.memory_space<vmem>>, vector<16xf32>,
    tpu.vector_store %arg28[%swap3A_752], %gather3A_751 {strides = array<i32>} : memref<640xf32, #tpu.memory_space<vmem>>, vector<16xf32>,
    %add3A_754 = arith.constant 32 : i32
    %add3A_755 = vector.broadcast %add3A_754 : i32 to vector<16xi32>
    %add3A_756 = arith.addi %iota3A, %add3A_755 : vector<16xi32>
    %gather3A_757 = tpu.vector_load_idx %arg27[%add3A_756, %broadcast_in_dim3A_630] : memref<64x16xf32, #tpu.memory_space<vmem>>[vector<16xi32>, vector<16xi32>], vector<16xf32>,
    %swap3A_758 = arith.constant 224 : index
    %swap3A_759 = tpu.vector_load %arg28[%swap3A_758] {strides = array<i32>} : memref<640xf32, #tpu.memory_space<vmem>>, vector<16xf32>,
    tpu.vector_store %arg28[%swap3A_758], %gather3A_757 {strides = array<i32>} : memref<640xf32, #tpu.memory_space<vmem>>, vector<16xf32>,
    %add3A_760 = arith.constant 48 : i32
    %add3A_761 = vector.broadcast %add3A_760 : i32 to vector<16xi32>
    %add3A_762 = arith.addi %iota3A, %add3A_761 : vector<16xi32>
    %gather3A_763 = tpu.vector_load_idx %arg27[%add3A_762, %broadcast_in_dim3A_630] : memref<64x16xf32, #tpu.memory_space<vmem>>[vector<16xi32>, vector<16xi32>], vector<16xf32>,
    %swap3A_764 = arith.constant 240 : index
    %swap3A_765 = tpu.vector_load %arg28[%swap3A_764] {strides = array<i32>} : memref<640xf32, #tpu.memory_space<vmem>>, vector<16xf32>,
    tpu.vector_store %arg28[%swap3A_764], %gather3A_763 {strides = array<i32>} : memref<640xf32, #tpu.memory_space<vmem>>, vector<16xf32>,
    %add3A_766 = arith.constant 0 : i32
    %add3A_767 = arith.addi %add3A_629, %add3A_766 : i32
    %dma_wait3A_768 = arith.constant 0 : i32
    %dma_wait3A_769 = tpu.memref_slice %arg7[%add3A_767, %dma_wait3A_768] : memref<20480x128xf32, #tpu.memory_space<hbm>> -> memref<64x128xf32, #tpu.memory_space<hbm>>
    %dma_wait3A_770 = arith.constant 0 : i32
    %dma_wait3A_771 = tpu.memref_slice %arg7[%add3A_767, %dma_wait3A_770] : memref<20480x128xf32, #tpu.memory_space<hbm>> -> memref<64x128xf32, #tpu.memory_space<hbm>>
    tpu.wait_dma2 semaphore(%arg37 : memref<!tpu.dma_semaphore, #tpu.memory_space<semaphore_mem>>) src(%arg23 : memref<64x128xf32, #tpu.memory_space<vmem>>) dst(%dma_wait3A_771 : memref<64x128xf32, #tpu.memory_space<hbm>>)
    %add3A_772 = arith.constant 256 : i32
    %add3A_773 = arith.addi %mul3A_2, %add3A_772 : i32
    "tpu.region"() ({
      %run_scoped3A = tpu.sem_alloc : memref<!tpu.dma_semaphore, #tpu.memory_space<semaphore_mem>>
      %dma_start3A_1030 = arith.constant 0 : i32
      %dma_start3A_1031 = tpu.memref_slice %arg9[%add3A_773, %dma_start3A_1030] : memref<10240x128xf32, #tpu.memory_space<vmem_shared>> -> memref<64x128xf32, #tpu.memory_space<vmem_shared>>
      %dma_start3A_1032 = arith.constant 0 : i32
      %dma_start3A_1033 = tpu.memref_slice %arg9[%add3A_773, %dma_start3A_1032] : memref<10240x128xf32, #tpu.memory_space<vmem_shared>> -> memref<64x128xf32, #tpu.memory_space<vmem_shared>>
      tpu.enqueue_dma source(%dma_start3A_1033 : memref<64x128xf32, #tpu.memory_space<vmem_shared>>) target(%arg23 : memref<64x128xf32, #tpu.memory_space<vmem>>) target_semaphore(%run_scoped3A : memref<!tpu.dma_semaphore, #tpu.memory_space<semaphore_mem>>)
      %dma_wait3A_1034 = arith.constant 0 : i32
      %dma_wait3A_1035 = tpu.memref_slice %arg9[%add3A_773, %dma_wait3A_1034] : memref<10240x128xf32, #tpu.memory_space<vmem_shared>> -> memref<64x128xf32, #tpu.memory_space<vmem_shared>>
      %dma_wait3A_1036 = arith.constant 0 : i32
      %dma_wait3A_1037 = tpu.memref_slice %arg9[%add3A_773, %dma_wait3A_1036] : memref<10240x128xf32, #tpu.memory_space<vmem_shared>> -> memref<64x128xf32, #tpu.memory_space<vmem_shared>>
      tpu.wait_dma2 semaphore(%run_scoped3A : memref<!tpu.dma_semaphore, #tpu.memory_space<semaphore_mem>>) src(%dma_wait3A_1037 : memref<64x128xf32, #tpu.memory_space<vmem_shared>>) dst(%arg23 : memref<64x128xf32, #tpu.memory_space<vmem>>)
      tpu.yield
    }) : () -> ()
    %add3A_774 = arith.constant 256 : i32
    %add3A_775 = arith.addi %add3A_629, %add3A_774 : i32
    %dma_start3A_776 = arith.constant 0 : i32
    %dma_start3A_777 = tpu.memref_slice %arg7[%add3A_775, %dma_start3A_776] : memref<20480x128xf32, #tpu.memory_space<hbm>> -> memref<64x128xf32, #tpu.memory_space<hbm>>
    %dma_start3A_778 = arith.constant 0 : i32
    %dma_start3A_779 = tpu.memref_slice %arg7[%add3A_775, %dma_start3A_778] : memref<20480x128xf32, #tpu.memory_space<hbm>> -> memref<64x128xf32, #tpu.memory_space<hbm>>
    tpu.enqueue_dma source(%arg23 : memref<64x128xf32, #tpu.memory_space<vmem>>) target(%dma_start3A_779 : memref<64x128xf32, #tpu.memory_space<hbm>>) target_semaphore(%arg37 : memref<!tpu.dma_semaphore, #tpu.memory_space<semaphore_mem>>)
    %add3A_780 = arith.constant 256 : i32
    %add3A_781 = arith.addi %mul3A_2, %add3A_780 : i32
    "tpu.region"() ({
      %run_scoped3A = tpu.sem_alloc : memref<!tpu.dma_semaphore, #tpu.memory_space<semaphore_mem>>
      %dma_start3A_1030 = arith.constant 0 : i32
      %dma_start3A_1031 = tpu.memref_slice %arg10[%add3A_781, %dma_start3A_1030] : memref<10240x16xf32, #tpu.memory_space<vmem_shared>> -> memref<64x16xf32, #tpu.memory_space<vmem_shared>>
      %dma_start3A_1032 = arith.constant 0 : i32
      %dma_start3A_1033 = tpu.memref_slice %arg10[%add3A_781, %dma_start3A_1032] : memref<10240x16xf32, #tpu.memory_space<vmem_shared>> -> memref<64x16xf32, #tpu.memory_space<vmem_shared>>
      tpu.enqueue_dma source(%dma_start3A_1033 : memref<64x16xf32, #tpu.memory_space<vmem_shared>>) target(%arg27 : memref<64x16xf32, #tpu.memory_space<vmem>>) target_semaphore(%run_scoped3A : memref<!tpu.dma_semaphore, #tpu.memory_space<semaphore_mem>>)
      %dma_wait3A_1034 = arith.constant 0 : i32
      %dma_wait3A_1035 = tpu.memref_slice %arg10[%add3A_781, %dma_wait3A_1034] : memref<10240x16xf32, #tpu.memory_space<vmem_shared>> -> memref<64x16xf32, #tpu.memory_space<vmem_shared>>
      %dma_wait3A_1036 = arith.constant 0 : i32
      %dma_wait3A_1037 = tpu.memref_slice %arg10[%add3A_781, %dma_wait3A_1036] : memref<10240x16xf32, #tpu.memory_space<vmem_shared>> -> memref<64x16xf32, #tpu.memory_space<vmem_shared>>
      tpu.wait_dma2 semaphore(%run_scoped3A : memref<!tpu.dma_semaphore, #tpu.memory_space<semaphore_mem>>) src(%dma_wait3A_1037 : memref<64x16xf32, #tpu.memory_space<vmem_shared>>) dst(%arg27 : memref<64x16xf32, #tpu.memory_space<vmem>>)
      tpu.yield
    }) : () -> ()
    %add3A_782 = arith.constant 0 : i32
    %add3A_783 = vector.broadcast %add3A_782 : i32 to vector<16xi32>
    %add3A_784 = arith.addi %iota3A, %add3A_783 : vector<16xi32>
    %gather3A_785 = tpu.vector_load_idx %arg27[%add3A_784, %broadcast_in_dim3A_630] : memref<64x16xf32, #tpu.memory_space<vmem>>[vector<16xi32>, vector<16xi32>], vector<16xf32>,
    %swap3A_786 = arith.constant 256 : index
    %swap3A_787 = tpu.vector_load %arg28[%swap3A_786] {strides = array<i32>} : memref<640xf32, #tpu.memory_space<vmem>>, vector<16xf32>,
    tpu.vector_store %arg28[%swap3A_786], %gather3A_785 {strides = array<i32>} : memref<640xf32, #tpu.memory_space<vmem>>, vector<16xf32>,
    %add3A_788 = arith.constant 16 : i32
    %add3A_789 = vector.broadcast %add3A_788 : i32 to vector<16xi32>
    %add3A_790 = arith.addi %iota3A, %add3A_789 : vector<16xi32>
    %gather3A_791 = tpu.vector_load_idx %arg27[%add3A_790, %broadcast_in_dim3A_630] : memref<64x16xf32, #tpu.memory_space<vmem>>[vector<16xi32>, vector<16xi32>], vector<16xf32>,
    %swap3A_792 = arith.constant 272 : index
    %swap3A_793 = tpu.vector_load %arg28[%swap3A_792] {strides = array<i32>} : memref<640xf32, #tpu.memory_space<vmem>>, vector<16xf32>,
    tpu.vector_store %arg28[%swap3A_792], %gather3A_791 {strides = array<i32>} : memref<640xf32, #tpu.memory_space<vmem>>, vector<16xf32>,
    %add3A_794 = arith.constant 32 : i32
    %add3A_795 = vector.broadcast %add3A_794 : i32 to vector<16xi32>
    %add3A_796 = arith.addi %iota3A, %add3A_795 : vector<16xi32>
    %gather3A_797 = tpu.vector_load_idx %arg27[%add3A_796, %broadcast_in_dim3A_630] : memref<64x16xf32, #tpu.memory_space<vmem>>[vector<16xi32>, vector<16xi32>], vector<16xf32>,
    %swap3A_798 = arith.constant 288 : index
    %swap3A_799 = tpu.vector_load %arg28[%swap3A_798] {strides = array<i32>} : memref<640xf32, #tpu.memory_space<vmem>>, vector<16xf32>,
    tpu.vector_store %arg28[%swap3A_798], %gather3A_797 {strides = array<i32>} : memref<640xf32, #tpu.memory_space<vmem>>, vector<16xf32>,
    %add3A_800 = arith.constant 48 : i32
    %add3A_801 = vector.broadcast %add3A_800 : i32 to vector<16xi32>
    %add3A_802 = arith.addi %iota3A, %add3A_801 : vector<16xi32>
    %gather3A_803 = tpu.vector_load_idx %arg27[%add3A_802, %broadcast_in_dim3A_630] : memref<64x16xf32, #tpu.memory_space<vmem>>[vector<16xi32>, vector<16xi32>], vector<16xf32>,
    %swap3A_804 = arith.constant 304 : index
    %swap3A_805 = tpu.vector_load %arg28[%swap3A_804] {strides = array<i32>} : memref<640xf32, #tpu.memory_space<vmem>>, vector<16xf32>,
    tpu.vector_store %arg28[%swap3A_804], %gather3A_803 {strides = array<i32>} : memref<640xf32, #tpu.memory_space<vmem>>, vector<16xf32>,
    %add3A_806 = arith.constant 64 : i32
    %add3A_807 = arith.addi %add3A_629, %add3A_806 : i32
    %dma_wait3A_808 = arith.constant 0 : i32
    %dma_wait3A_809 = tpu.memref_slice %arg7[%add3A_807, %dma_wait3A_808] : memref<20480x128xf32, #tpu.memory_space<hbm>> -> memref<64x128xf32, #tpu.memory_space<hbm>>
    %dma_wait3A_810 = arith.constant 0 : i32
    %dma_wait3A_811 = tpu.memref_slice %arg7[%add3A_807, %dma_wait3A_810] : memref<20480x128xf32, #tpu.memory_space<hbm>> -> memref<64x128xf32, #tpu.memory_space<hbm>>
    tpu.wait_dma2 semaphore(%arg38 : memref<!tpu.dma_semaphore, #tpu.memory_space<semaphore_mem>>) src(%arg24 : memref<64x128xf32, #tpu.memory_space<vmem>>) dst(%dma_wait3A_811 : memref<64x128xf32, #tpu.memory_space<hbm>>)
    %add3A_812 = arith.constant 320 : i32
    %add3A_813 = arith.addi %mul3A_2, %add3A_812 : i32
    "tpu.region"() ({
      %run_scoped3A = tpu.sem_alloc : memref<!tpu.dma_semaphore, #tpu.memory_space<semaphore_mem>>
      %dma_start3A_1030 = arith.constant 0 : i32
      %dma_start3A_1031 = tpu.memref_slice %arg9[%add3A_813, %dma_start3A_1030] : memref<10240x128xf32, #tpu.memory_space<vmem_shared>> -> memref<64x128xf32, #tpu.memory_space<vmem_shared>>
      %dma_start3A_1032 = arith.constant 0 : i32
      %dma_start3A_1033 = tpu.memref_slice %arg9[%add3A_813, %dma_start3A_1032] : memref<10240x128xf32, #tpu.memory_space<vmem_shared>> -> memref<64x128xf32, #tpu.memory_space<vmem_shared>>
      tpu.enqueue_dma source(%dma_start3A_1033 : memref<64x128xf32, #tpu.memory_space<vmem_shared>>) target(%arg24 : memref<64x128xf32, #tpu.memory_space<vmem>>) target_semaphore(%run_scoped3A : memref<!tpu.dma_semaphore, #tpu.memory_space<semaphore_mem>>)
      %dma_wait3A_1034 = arith.constant 0 : i32
      %dma_wait3A_1035 = tpu.memref_slice %arg9[%add3A_813, %dma_wait3A_1034] : memref<10240x128xf32, #tpu.memory_space<vmem_shared>> -> memref<64x128xf32, #tpu.memory_space<vmem_shared>>
      %dma_wait3A_1036 = arith.constant 0 : i32
      %dma_wait3A_1037 = tpu.memref_slice %arg9[%add3A_813, %dma_wait3A_1036] : memref<10240x128xf32, #tpu.memory_space<vmem_shared>> -> memref<64x128xf32, #tpu.memory_space<vmem_shared>>
      tpu.wait_dma2 semaphore(%run_scoped3A : memref<!tpu.dma_semaphore, #tpu.memory_space<semaphore_mem>>) src(%dma_wait3A_1037 : memref<64x128xf32, #tpu.memory_space<vmem_shared>>) dst(%arg24 : memref<64x128xf32, #tpu.memory_space<vmem>>)
      tpu.yield
    }) : () -> ()
    %add3A_814 = arith.constant 320 : i32
    %add3A_815 = arith.addi %add3A_629, %add3A_814 : i32
    %dma_start3A_816 = arith.constant 0 : i32
    %dma_start3A_817 = tpu.memref_slice %arg7[%add3A_815, %dma_start3A_816] : memref<20480x128xf32, #tpu.memory_space<hbm>> -> memref<64x128xf32, #tpu.memory_space<hbm>>
    %dma_start3A_818 = arith.constant 0 : i32
    %dma_start3A_819 = tpu.memref_slice %arg7[%add3A_815, %dma_start3A_818] : memref<20480x128xf32, #tpu.memory_space<hbm>> -> memref<64x128xf32, #tpu.memory_space<hbm>>
    tpu.enqueue_dma source(%arg24 : memref<64x128xf32, #tpu.memory_space<vmem>>) target(%dma_start3A_819 : memref<64x128xf32, #tpu.memory_space<hbm>>) target_semaphore(%arg38 : memref<!tpu.dma_semaphore, #tpu.memory_space<semaphore_mem>>)
    %add3A_820 = arith.constant 320 : i32
    %add3A_821 = arith.addi %mul3A_2, %add3A_820 : i32
    "tpu.region"() ({
      %run_scoped3A = tpu.sem_alloc : memref<!tpu.dma_semaphore, #tpu.memory_space<semaphore_mem>>
      %dma_start3A_1030 = arith.constant 0 : i32
      %dma_start3A_1031 = tpu.memref_slice %arg10[%add3A_821, %dma_start3A_1030] : memref<10240x16xf32, #tpu.memory_space<vmem_shared>> -> memref<64x16xf32, #tpu.memory_space<vmem_shared>>
      %dma_start3A_1032 = arith.constant 0 : i32
      %dma_start3A_1033 = tpu.memref_slice %arg10[%add3A_821, %dma_start3A_1032] : memref<10240x16xf32, #tpu.memory_space<vmem_shared>> -> memref<64x16xf32, #tpu.memory_space<vmem_shared>>
      tpu.enqueue_dma source(%dma_start3A_1033 : memref<64x16xf32, #tpu.memory_space<vmem_shared>>) target(%arg27 : memref<64x16xf32, #tpu.memory_space<vmem>>) target_semaphore(%run_scoped3A : memref<!tpu.dma_semaphore, #tpu.memory_space<semaphore_mem>>)
      %dma_wait3A_1034 = arith.constant 0 : i32
      %dma_wait3A_1035 = tpu.memref_slice %arg10[%add3A_821, %dma_wait3A_1034] : memref<10240x16xf32, #tpu.memory_space<vmem_shared>> -> memref<64x16xf32, #tpu.memory_space<vmem_shared>>
      %dma_wait3A_1036 = arith.constant 0 : i32
      %dma_wait3A_1037 = tpu.memref_slice %arg10[%add3A_821, %dma_wait3A_1036] : memref<10240x16xf32, #tpu.memory_space<vmem_shared>> -> memref<64x16xf32, #tpu.memory_space<vmem_shared>>
      tpu.wait_dma2 semaphore(%run_scoped3A : memref<!tpu.dma_semaphore, #tpu.memory_space<semaphore_mem>>) src(%dma_wait3A_1037 : memref<64x16xf32, #tpu.memory_space<vmem_shared>>) dst(%arg27 : memref<64x16xf32, #tpu.memory_space<vmem>>)
      tpu.yield
    }) : () -> ()
    %add3A_822 = arith.constant 0 : i32
    %add3A_823 = vector.broadcast %add3A_822 : i32 to vector<16xi32>
    %add3A_824 = arith.addi %iota3A, %add3A_823 : vector<16xi32>
    %gather3A_825 = tpu.vector_load_idx %arg27[%add3A_824, %broadcast_in_dim3A_630] : memref<64x16xf32, #tpu.memory_space<vmem>>[vector<16xi32>, vector<16xi32>], vector<16xf32>,
    %swap3A_826 = arith.constant 320 : index
    %swap3A_827 = tpu.vector_load %arg28[%swap3A_826] {strides = array<i32>} : memref<640xf32, #tpu.memory_space<vmem>>, vector<16xf32>,
    tpu.vector_store %arg28[%swap3A_826], %gather3A_825 {strides = array<i32>} : memref<640xf32, #tpu.memory_space<vmem>>, vector<16xf32>,
    %add3A_828 = arith.constant 16 : i32
    %add3A_829 = vector.broadcast %add3A_828 : i32 to vector<16xi32>
    %add3A_830 = arith.addi %iota3A, %add3A_829 : vector<16xi32>
    %gather3A_831 = tpu.vector_load_idx %arg27[%add3A_830, %broadcast_in_dim3A_630] : memref<64x16xf32, #tpu.memory_space<vmem>>[vector<16xi32>, vector<16xi32>], vector<16xf32>,
    %swap3A_832 = arith.constant 336 : index
    %swap3A_833 = tpu.vector_load %arg28[%swap3A_832] {strides = array<i32>} : memref<640xf32, #tpu.memory_space<vmem>>, vector<16xf32>,
    tpu.vector_store %arg28[%swap3A_832], %gather3A_831 {strides = array<i32>} : memref<640xf32, #tpu.memory_space<vmem>>, vector<16xf32>,
    %add3A_834 = arith.constant 32 : i32
    %add3A_835 = vector.broadcast %add3A_834 : i32 to vector<16xi32>
    %add3A_836 = arith.addi %iota3A, %add3A_835 : vector<16xi32>
    %gather3A_837 = tpu.vector_load_idx %arg27[%add3A_836, %broadcast_in_dim3A_630] : memref<64x16xf32, #tpu.memory_space<vmem>>[vector<16xi32>, vector<16xi32>], vector<16xf32>,
    %swap3A_838 = arith.constant 352 : index
    %swap3A_839 = tpu.vector_load %arg28[%swap3A_838] {strides = array<i32>} : memref<640xf32, #tpu.memory_space<vmem>>, vector<16xf32>,
    tpu.vector_store %arg28[%swap3A_838], %gather3A_837 {strides = array<i32>} : memref<640xf32, #tpu.memory_space<vmem>>, vector<16xf32>,
    %add3A_840 = arith.constant 48 : i32
    %add3A_841 = vector.broadcast %add3A_840 : i32 to vector<16xi32>
    %add3A_842 = arith.addi %iota3A, %add3A_841 : vector<16xi32>
    %gather3A_843 = tpu.vector_load_idx %arg27[%add3A_842, %broadcast_in_dim3A_630] : memref<64x16xf32, #tpu.memory_space<vmem>>[vector<16xi32>, vector<16xi32>], vector<16xf32>,
    %swap3A_844 = arith.constant 368 : index
    %swap3A_845 = tpu.vector_load %arg28[%swap3A_844] {strides = array<i32>} : memref<640xf32, #tpu.memory_space<vmem>>, vector<16xf32>,
    tpu.vector_store %arg28[%swap3A_844], %gather3A_843 {strides = array<i32>} : memref<640xf32, #tpu.memory_space<vmem>>, vector<16xf32>,
    %add3A_846 = arith.constant 128 : i32
    %add3A_847 = arith.addi %add3A_629, %add3A_846 : i32
    %dma_wait3A_848 = arith.constant 0 : i32
    %dma_wait3A_849 = tpu.memref_slice %arg7[%add3A_847, %dma_wait3A_848] : memref<20480x128xf32, #tpu.memory_space<hbm>> -> memref<64x128xf32, #tpu.memory_space<hbm>>
    %dma_wait3A_850 = arith.constant 0 : i32
    %dma_wait3A_851 = tpu.memref_slice %arg7[%add3A_847, %dma_wait3A_850] : memref<20480x128xf32, #tpu.memory_space<hbm>> -> memref<64x128xf32, #tpu.memory_space<hbm>>
    tpu.wait_dma2 semaphore(%arg39 : memref<!tpu.dma_semaphore, #tpu.memory_space<semaphore_mem>>) src(%arg25 : memref<64x128xf32, #tpu.memory_space<vmem>>) dst(%dma_wait3A_851 : memref<64x128xf32, #tpu.memory_space<hbm>>)
    %add3A_852 = arith.constant 384 : i32
    %add3A_853 = arith.addi %mul3A_2, %add3A_852 : i32
    "tpu.region"() ({
      %run_scoped3A = tpu.sem_alloc : memref<!tpu.dma_semaphore, #tpu.memory_space<semaphore_mem>>
      %dma_start3A_1030 = arith.constant 0 : i32
      %dma_start3A_1031 = tpu.memref_slice %arg9[%add3A_853, %dma_start3A_1030] : memref<10240x128xf32, #tpu.memory_space<vmem_shared>> -> memref<64x128xf32, #tpu.memory_space<vmem_shared>>
      %dma_start3A_1032 = arith.constant 0 : i32
      %dma_start3A_1033 = tpu.memref_slice %arg9[%add3A_853, %dma_start3A_1032] : memref<10240x128xf32, #tpu.memory_space<vmem_shared>> -> memref<64x128xf32, #tpu.memory_space<vmem_shared>>
      tpu.enqueue_dma source(%dma_start3A_1033 : memref<64x128xf32, #tpu.memory_space<vmem_shared>>) target(%arg25 : memref<64x128xf32, #tpu.memory_space<vmem>>) target_semaphore(%run_scoped3A : memref<!tpu.dma_semaphore, #tpu.memory_space<semaphore_mem>>)
      %dma_wait3A_1034 = arith.constant 0 : i32
      %dma_wait3A_1035 = tpu.memref_slice %arg9[%add3A_853, %dma_wait3A_1034] : memref<10240x128xf32, #tpu.memory_space<vmem_shared>> -> memref<64x128xf32, #tpu.memory_space<vmem_shared>>
      %dma_wait3A_1036 = arith.constant 0 : i32
      %dma_wait3A_1037 = tpu.memref_slice %arg9[%add3A_853, %dma_wait3A_1036] : memref<10240x128xf32, #tpu.memory_space<vmem_shared>> -> memref<64x128xf32, #tpu.memory_space<vmem_shared>>
      tpu.wait_dma2 semaphore(%run_scoped3A : memref<!tpu.dma_semaphore, #tpu.memory_space<semaphore_mem>>) src(%dma_wait3A_1037 : memref<64x128xf32, #tpu.memory_space<vmem_shared>>) dst(%arg25 : memref<64x128xf32, #tpu.memory_space<vmem>>)
      tpu.yield
    }) : () -> ()
    %add3A_854 = arith.constant 384 : i32
    %add3A_855 = arith.addi %add3A_629, %add3A_854 : i32
    %dma_start3A_856 = arith.constant 0 : i32
    %dma_start3A_857 = tpu.memref_slice %arg7[%add3A_855, %dma_start3A_856] : memref<20480x128xf32, #tpu.memory_space<hbm>> -> memref<64x128xf32, #tpu.memory_space<hbm>>
    %dma_start3A_858 = arith.constant 0 : i32
    %dma_start3A_859 = tpu.memref_slice %arg7[%add3A_855, %dma_start3A_858] : memref<20480x128xf32, #tpu.memory_space<hbm>> -> memref<64x128xf32, #tpu.memory_space<hbm>>
    tpu.enqueue_dma source(%arg25 : memref<64x128xf32, #tpu.memory_space<vmem>>) target(%dma_start3A_859 : memref<64x128xf32, #tpu.memory_space<hbm>>) target_semaphore(%arg39 : memref<!tpu.dma_semaphore, #tpu.memory_space<semaphore_mem>>)
    %add3A_860 = arith.constant 384 : i32
    %add3A_861 = arith.addi %mul3A_2, %add3A_860 : i32
    "tpu.region"() ({
      %run_scoped3A = tpu.sem_alloc : memref<!tpu.dma_semaphore, #tpu.memory_space<semaphore_mem>>
      %dma_start3A_1030 = arith.constant 0 : i32
      %dma_start3A_1031 = tpu.memref_slice %arg10[%add3A_861, %dma_start3A_1030] : memref<10240x16xf32, #tpu.memory_space<vmem_shared>> -> memref<64x16xf32, #tpu.memory_space<vmem_shared>>
      %dma_start3A_1032 = arith.constant 0 : i32
      %dma_start3A_1033 = tpu.memref_slice %arg10[%add3A_861, %dma_start3A_1032] : memref<10240x16xf32, #tpu.memory_space<vmem_shared>> -> memref<64x16xf32, #tpu.memory_space<vmem_shared>>
      tpu.enqueue_dma source(%dma_start3A_1033 : memref<64x16xf32, #tpu.memory_space<vmem_shared>>) target(%arg27 : memref<64x16xf32, #tpu.memory_space<vmem>>) target_semaphore(%run_scoped3A : memref<!tpu.dma_semaphore, #tpu.memory_space<semaphore_mem>>)
      %dma_wait3A_1034 = arith.constant 0 : i32
      %dma_wait3A_1035 = tpu.memref_slice %arg10[%add3A_861, %dma_wait3A_1034] : memref<10240x16xf32, #tpu.memory_space<vmem_shared>> -> memref<64x16xf32, #tpu.memory_space<vmem_shared>>
      %dma_wait3A_1036 = arith.constant 0 : i32
      %dma_wait3A_1037 = tpu.memref_slice %arg10[%add3A_861, %dma_wait3A_1036] : memref<10240x16xf32, #tpu.memory_space<vmem_shared>> -> memref<64x16xf32, #tpu.memory_space<vmem_shared>>
      tpu.wait_dma2 semaphore(%run_scoped3A : memref<!tpu.dma_semaphore, #tpu.memory_space<semaphore_mem>>) src(%dma_wait3A_1037 : memref<64x16xf32, #tpu.memory_space<vmem_shared>>) dst(%arg27 : memref<64x16xf32, #tpu.memory_space<vmem>>)
      tpu.yield
    }) : () -> ()
    %add3A_862 = arith.constant 0 : i32
    %add3A_863 = vector.broadcast %add3A_862 : i32 to vector<16xi32>
    %add3A_864 = arith.addi %iota3A, %add3A_863 : vector<16xi32>
    %gather3A_865 = tpu.vector_load_idx %arg27[%add3A_864, %broadcast_in_dim3A_630] : memref<64x16xf32, #tpu.memory_space<vmem>>[vector<16xi32>, vector<16xi32>], vector<16xf32>,
    %swap3A_866 = arith.constant 384 : index
    %swap3A_867 = tpu.vector_load %arg28[%swap3A_866] {strides = array<i32>} : memref<640xf32, #tpu.memory_space<vmem>>, vector<16xf32>,
    tpu.vector_store %arg28[%swap3A_866], %gather3A_865 {strides = array<i32>} : memref<640xf32, #tpu.memory_space<vmem>>, vector<16xf32>,
    %add3A_868 = arith.constant 16 : i32
    %add3A_869 = vector.broadcast %add3A_868 : i32 to vector<16xi32>
    %add3A_870 = arith.addi %iota3A, %add3A_869 : vector<16xi32>
    %gather3A_871 = tpu.vector_load_idx %arg27[%add3A_870, %broadcast_in_dim3A_630] : memref<64x16xf32, #tpu.memory_space<vmem>>[vector<16xi32>, vector<16xi32>], vector<16xf32>,
    %swap3A_872 = arith.constant 400 : index
    %swap3A_873 = tpu.vector_load %arg28[%swap3A_872] {strides = array<i32>} : memref<640xf32, #tpu.memory_space<vmem>>, vector<16xf32>,
    tpu.vector_store %arg28[%swap3A_872], %gather3A_871 {strides = array<i32>} : memref<640xf32, #tpu.memory_space<vmem>>, vector<16xf32>,
    %add3A_874 = arith.constant 32 : i32
    %add3A_875 = vector.broadcast %add3A_874 : i32 to vector<16xi32>
    %add3A_876 = arith.addi %iota3A, %add3A_875 : vector<16xi32>
    %gather3A_877 = tpu.vector_load_idx %arg27[%add3A_876, %broadcast_in_dim3A_630] : memref<64x16xf32, #tpu.memory_space<vmem>>[vector<16xi32>, vector<16xi32>], vector<16xf32>,
    %swap3A_878 = arith.constant 416 : index
    %swap3A_879 = tpu.vector_load %arg28[%swap3A_878] {strides = array<i32>} : memref<640xf32, #tpu.memory_space<vmem>>, vector<16xf32>,
    tpu.vector_store %arg28[%swap3A_878], %gather3A_877 {strides = array<i32>} : memref<640xf32, #tpu.memory_space<vmem>>, vector<16xf32>,
    %add3A_880 = arith.constant 48 : i32
    %add3A_881 = vector.broadcast %add3A_880 : i32 to vector<16xi32>
    %add3A_882 = arith.addi %iota3A, %add3A_881 : vector<16xi32>
    %gather3A_883 = tpu.vector_load_idx %arg27[%add3A_882, %broadcast_in_dim3A_630] : memref<64x16xf32, #tpu.memory_space<vmem>>[vector<16xi32>, vector<16xi32>], vector<16xf32>,
    %swap3A_884 = arith.constant 432 : index
    %swap3A_885 = tpu.vector_load %arg28[%swap3A_884] {strides = array<i32>} : memref<640xf32, #tpu.memory_space<vmem>>, vector<16xf32>,
    tpu.vector_store %arg28[%swap3A_884], %gather3A_883 {strides = array<i32>} : memref<640xf32, #tpu.memory_space<vmem>>, vector<16xf32>,
    %add3A_886 = arith.constant 192 : i32
    %add3A_887 = arith.addi %add3A_629, %add3A_886 : i32
    %dma_wait3A_888 = arith.constant 0 : i32
    %dma_wait3A_889 = tpu.memref_slice %arg7[%add3A_887, %dma_wait3A_888] : memref<20480x128xf32, #tpu.memory_space<hbm>> -> memref<64x128xf32, #tpu.memory_space<hbm>>
    %dma_wait3A_890 = arith.constant 0 : i32
    %dma_wait3A_891 = tpu.memref_slice %arg7[%add3A_887, %dma_wait3A_890] : memref<20480x128xf32, #tpu.memory_space<hbm>> -> memref<64x128xf32, #tpu.memory_space<hbm>>
    tpu.wait_dma2 semaphore(%arg40 : memref<!tpu.dma_semaphore, #tpu.memory_space<semaphore_mem>>) src(%arg26 : memref<64x128xf32, #tpu.memory_space<vmem>>) dst(%dma_wait3A_891 : memref<64x128xf32, #tpu.memory_space<hbm>>)
    %add3A_892 = arith.constant 448 : i32
    %add3A_893 = arith.addi %mul3A_2, %add3A_892 : i32
    "tpu.region"() ({
      %run_scoped3A = tpu.sem_alloc : memref<!tpu.dma_semaphore, #tpu.memory_space<semaphore_mem>>
      %dma_start3A_1030 = arith.constant 0 : i32
      %dma_start3A_1031 = tpu.memref_slice %arg9[%add3A_893, %dma_start3A_1030] : memref<10240x128xf32, #tpu.memory_space<vmem_shared>> -> memref<64x128xf32, #tpu.memory_space<vmem_shared>>
      %dma_start3A_1032 = arith.constant 0 : i32
      %dma_start3A_1033 = tpu.memref_slice %arg9[%add3A_893, %dma_start3A_1032] : memref<10240x128xf32, #tpu.memory_space<vmem_shared>> -> memref<64x128xf32, #tpu.memory_space<vmem_shared>>
      tpu.enqueue_dma source(%dma_start3A_1033 : memref<64x128xf32, #tpu.memory_space<vmem_shared>>) target(%arg26 : memref<64x128xf32, #tpu.memory_space<vmem>>) target_semaphore(%run_scoped3A : memref<!tpu.dma_semaphore, #tpu.memory_space<semaphore_mem>>)
      %dma_wait3A_1034 = arith.constant 0 : i32
      %dma_wait3A_1035 = tpu.memref_slice %arg9[%add3A_893, %dma_wait3A_1034] : memref<10240x128xf32, #tpu.memory_space<vmem_shared>> -> memref<64x128xf32, #tpu.memory_space<vmem_shared>>
      %dma_wait3A_1036 = arith.constant 0 : i32
      %dma_wait3A_1037 = tpu.memref_slice %arg9[%add3A_893, %dma_wait3A_1036] : memref<10240x128xf32, #tpu.memory_space<vmem_shared>> -> memref<64x128xf32, #tpu.memory_space<vmem_shared>>
      tpu.wait_dma2 semaphore(%run_scoped3A : memref<!tpu.dma_semaphore, #tpu.memory_space<semaphore_mem>>) src(%dma_wait3A_1037 : memref<64x128xf32, #tpu.memory_space<vmem_shared>>) dst(%arg26 : memref<64x128xf32, #tpu.memory_space<vmem>>)
      tpu.yield
    }) : () -> ()
    %add3A_894 = arith.constant 448 : i32
    %add3A_895 = arith.addi %add3A_629, %add3A_894 : i32
    %dma_start3A_896 = arith.constant 0 : i32
    %dma_start3A_897 = tpu.memref_slice %arg7[%add3A_895, %dma_start3A_896] : memref<20480x128xf32, #tpu.memory_space<hbm>> -> memref<64x128xf32, #tpu.memory_space<hbm>>
    %dma_start3A_898 = arith.constant 0 : i32
    %dma_start3A_899 = tpu.memref_slice %arg7[%add3A_895, %dma_start3A_898] : memref<20480x128xf32, #tpu.memory_space<hbm>> -> memref<64x128xf32, #tpu.memory_space<hbm>>
    tpu.enqueue_dma source(%arg26 : memref<64x128xf32, #tpu.memory_space<vmem>>) target(%dma_start3A_899 : memref<64x128xf32, #tpu.memory_space<hbm>>) target_semaphore(%arg40 : memref<!tpu.dma_semaphore, #tpu.memory_space<semaphore_mem>>)
    %add3A_900 = arith.constant 448 : i32
    %add3A_901 = arith.addi %mul3A_2, %add3A_900 : i32
    "tpu.region"() ({
      %run_scoped3A = tpu.sem_alloc : memref<!tpu.dma_semaphore, #tpu.memory_space<semaphore_mem>>
      %dma_start3A_1030 = arith.constant 0 : i32
      %dma_start3A_1031 = tpu.memref_slice %arg10[%add3A_901, %dma_start3A_1030] : memref<10240x16xf32, #tpu.memory_space<vmem_shared>> -> memref<64x16xf32, #tpu.memory_space<vmem_shared>>
      %dma_start3A_1032 = arith.constant 0 : i32
      %dma_start3A_1033 = tpu.memref_slice %arg10[%add3A_901, %dma_start3A_1032] : memref<10240x16xf32, #tpu.memory_space<vmem_shared>> -> memref<64x16xf32, #tpu.memory_space<vmem_shared>>
      tpu.enqueue_dma source(%dma_start3A_1033 : memref<64x16xf32, #tpu.memory_space<vmem_shared>>) target(%arg27 : memref<64x16xf32, #tpu.memory_space<vmem>>) target_semaphore(%run_scoped3A : memref<!tpu.dma_semaphore, #tpu.memory_space<semaphore_mem>>)
      %dma_wait3A_1034 = arith.constant 0 : i32
      %dma_wait3A_1035 = tpu.memref_slice %arg10[%add3A_901, %dma_wait3A_1034] : memref<10240x16xf32, #tpu.memory_space<vmem_shared>> -> memref<64x16xf32, #tpu.memory_space<vmem_shared>>
      %dma_wait3A_1036 = arith.constant 0 : i32
      %dma_wait3A_1037 = tpu.memref_slice %arg10[%add3A_901, %dma_wait3A_1036] : memref<10240x16xf32, #tpu.memory_space<vmem_shared>> -> memref<64x16xf32, #tpu.memory_space<vmem_shared>>
      tpu.wait_dma2 semaphore(%run_scoped3A : memref<!tpu.dma_semaphore, #tpu.memory_space<semaphore_mem>>) src(%dma_wait3A_1037 : memref<64x16xf32, #tpu.memory_space<vmem_shared>>) dst(%arg27 : memref<64x16xf32, #tpu.memory_space<vmem>>)
      tpu.yield
    }) : () -> ()
    %add3A_902 = arith.constant 0 : i32
    %add3A_903 = vector.broadcast %add3A_902 : i32 to vector<16xi32>
    %add3A_904 = arith.addi %iota3A, %add3A_903 : vector<16xi32>
    %gather3A_905 = tpu.vector_load_idx %arg27[%add3A_904, %broadcast_in_dim3A_630] : memref<64x16xf32, #tpu.memory_space<vmem>>[vector<16xi32>, vector<16xi32>], vector<16xf32>,
    %swap3A_906 = arith.constant 448 : index
    %swap3A_907 = tpu.vector_load %arg28[%swap3A_906] {strides = array<i32>} : memref<640xf32, #tpu.memory_space<vmem>>, vector<16xf32>,
    tpu.vector_store %arg28[%swap3A_906], %gather3A_905 {strides = array<i32>} : memref<640xf32, #tpu.memory_space<vmem>>, vector<16xf32>,
    %add3A_908 = arith.constant 16 : i32
    %add3A_909 = vector.broadcast %add3A_908 : i32 to vector<16xi32>
    %add3A_910 = arith.addi %iota3A, %add3A_909 : vector<16xi32>
    %gather3A_911 = tpu.vector_load_idx %arg27[%add3A_910, %broadcast_in_dim3A_630] : memref<64x16xf32, #tpu.memory_space<vmem>>[vector<16xi32>, vector<16xi32>], vector<16xf32>,
    %swap3A_912 = arith.constant 464 : index
    %swap3A_913 = tpu.vector_load %arg28[%swap3A_912] {strides = array<i32>} : memref<640xf32, #tpu.memory_space<vmem>>, vector<16xf32>,
    tpu.vector_store %arg28[%swap3A_912], %gather3A_911 {strides = array<i32>} : memref<640xf32, #tpu.memory_space<vmem>>, vector<16xf32>,
    %add3A_914 = arith.constant 32 : i32
    %add3A_915 = vector.broadcast %add3A_914 : i32 to vector<16xi32>
    %add3A_916 = arith.addi %iota3A, %add3A_915 : vector<16xi32>
    %gather3A_917 = tpu.vector_load_idx %arg27[%add3A_916, %broadcast_in_dim3A_630] : memref<64x16xf32, #tpu.memory_space<vmem>>[vector<16xi32>, vector<16xi32>], vector<16xf32>,
    %swap3A_918 = arith.constant 480 : index
    %swap3A_919 = tpu.vector_load %arg28[%swap3A_918] {strides = array<i32>} : memref<640xf32, #tpu.memory_space<vmem>>, vector<16xf32>,
    tpu.vector_store %arg28[%swap3A_918], %gather3A_917 {strides = array<i32>} : memref<640xf32, #tpu.memory_space<vmem>>, vector<16xf32>,
    %add3A_920 = arith.constant 48 : i32
    %add3A_921 = vector.broadcast %add3A_920 : i32 to vector<16xi32>
    %add3A_922 = arith.addi %iota3A, %add3A_921 : vector<16xi32>
    %gather3A_923 = tpu.vector_load_idx %arg27[%add3A_922, %broadcast_in_dim3A_630] : memref<64x16xf32, #tpu.memory_space<vmem>>[vector<16xi32>, vector<16xi32>], vector<16xf32>,
    %swap3A_924 = arith.constant 496 : index
    %swap3A_925 = tpu.vector_load %arg28[%swap3A_924] {strides = array<i32>} : memref<640xf32, #tpu.memory_space<vmem>>, vector<16xf32>,
    tpu.vector_store %arg28[%swap3A_924], %gather3A_923 {strides = array<i32>} : memref<640xf32, #tpu.memory_space<vmem>>, vector<16xf32>,
    %add3A_926 = arith.constant 256 : i32
    %add3A_927 = arith.addi %add3A_629, %add3A_926 : i32
    %dma_wait3A_928 = arith.constant 0 : i32
    %dma_wait3A_929 = tpu.memref_slice %arg7[%add3A_927, %dma_wait3A_928] : memref<20480x128xf32, #tpu.memory_space<hbm>> -> memref<64x128xf32, #tpu.memory_space<hbm>>
    %dma_wait3A_930 = arith.constant 0 : i32
    %dma_wait3A_931 = tpu.memref_slice %arg7[%add3A_927, %dma_wait3A_930] : memref<20480x128xf32, #tpu.memory_space<hbm>> -> memref<64x128xf32, #tpu.memory_space<hbm>>
    tpu.wait_dma2 semaphore(%arg37 : memref<!tpu.dma_semaphore, #tpu.memory_space<semaphore_mem>>) src(%arg23 : memref<64x128xf32, #tpu.memory_space<vmem>>) dst(%dma_wait3A_931 : memref<64x128xf32, #tpu.memory_space<hbm>>)
    %add3A_932 = arith.constant 512 : i32
    %add3A_933 = arith.addi %mul3A_2, %add3A_932 : i32
    "tpu.region"() ({
      %run_scoped3A = tpu.sem_alloc : memref<!tpu.dma_semaphore, #tpu.memory_space<semaphore_mem>>
      %dma_start3A_1030 = arith.constant 0 : i32
      %dma_start3A_1031 = tpu.memref_slice %arg9[%add3A_933, %dma_start3A_1030] : memref<10240x128xf32, #tpu.memory_space<vmem_shared>> -> memref<64x128xf32, #tpu.memory_space<vmem_shared>>
      %dma_start3A_1032 = arith.constant 0 : i32
      %dma_start3A_1033 = tpu.memref_slice %arg9[%add3A_933, %dma_start3A_1032] : memref<10240x128xf32, #tpu.memory_space<vmem_shared>> -> memref<64x128xf32, #tpu.memory_space<vmem_shared>>
      tpu.enqueue_dma source(%dma_start3A_1033 : memref<64x128xf32, #tpu.memory_space<vmem_shared>>) target(%arg23 : memref<64x128xf32, #tpu.memory_space<vmem>>) target_semaphore(%run_scoped3A : memref<!tpu.dma_semaphore, #tpu.memory_space<semaphore_mem>>)
      %dma_wait3A_1034 = arith.constant 0 : i32
      %dma_wait3A_1035 = tpu.memref_slice %arg9[%add3A_933, %dma_wait3A_1034] : memref<10240x128xf32, #tpu.memory_space<vmem_shared>> -> memref<64x128xf32, #tpu.memory_space<vmem_shared>>
      %dma_wait3A_1036 = arith.constant 0 : i32
      %dma_wait3A_1037 = tpu.memref_slice %arg9[%add3A_933, %dma_wait3A_1036] : memref<10240x128xf32, #tpu.memory_space<vmem_shared>> -> memref<64x128xf32, #tpu.memory_space<vmem_shared>>
      tpu.wait_dma2 semaphore(%run_scoped3A : memref<!tpu.dma_semaphore, #tpu.memory_space<semaphore_mem>>) src(%dma_wait3A_1037 : memref<64x128xf32, #tpu.memory_space<vmem_shared>>) dst(%arg23 : memref<64x128xf32, #tpu.memory_space<vmem>>)
      tpu.yield
    }) : () -> ()
    %add3A_934 = arith.constant 512 : i32
    %add3A_935 = arith.addi %add3A_629, %add3A_934 : i32
    %dma_start3A_936 = arith.constant 0 : i32
    %dma_start3A_937 = tpu.memref_slice %arg7[%add3A_935, %dma_start3A_936] : memref<20480x128xf32, #tpu.memory_space<hbm>> -> memref<64x128xf32, #tpu.memory_space<hbm>>
    %dma_start3A_938 = arith.constant 0 : i32
    %dma_start3A_939 = tpu.memref_slice %arg7[%add3A_935, %dma_start3A_938] : memref<20480x128xf32, #tpu.memory_space<hbm>> -> memref<64x128xf32, #tpu.memory_space<hbm>>
    tpu.enqueue_dma source(%arg23 : memref<64x128xf32, #tpu.memory_space<vmem>>) target(%dma_start3A_939 : memref<64x128xf32, #tpu.memory_space<hbm>>) target_semaphore(%arg37 : memref<!tpu.dma_semaphore, #tpu.memory_space<semaphore_mem>>)
    %add3A_940 = arith.constant 512 : i32
    %add3A_941 = arith.addi %mul3A_2, %add3A_940 : i32
    "tpu.region"() ({
      %run_scoped3A = tpu.sem_alloc : memref<!tpu.dma_semaphore, #tpu.memory_space<semaphore_mem>>
      %dma_start3A_1030 = arith.constant 0 : i32
      %dma_start3A_1031 = tpu.memref_slice %arg10[%add3A_941, %dma_start3A_1030] : memref<10240x16xf32, #tpu.memory_space<vmem_shared>> -> memref<64x16xf32, #tpu.memory_space<vmem_shared>>
      %dma_start3A_1032 = arith.constant 0 : i32
      %dma_start3A_1033 = tpu.memref_slice %arg10[%add3A_941, %dma_start3A_1032] : memref<10240x16xf32, #tpu.memory_space<vmem_shared>> -> memref<64x16xf32, #tpu.memory_space<vmem_shared>>
      tpu.enqueue_dma source(%dma_start3A_1033 : memref<64x16xf32, #tpu.memory_space<vmem_shared>>) target(%arg27 : memref<64x16xf32, #tpu.memory_space<vmem>>) target_semaphore(%run_scoped3A : memref<!tpu.dma_semaphore, #tpu.memory_space<semaphore_mem>>)
      %dma_wait3A_1034 = arith.constant 0 : i32
      %dma_wait3A_1035 = tpu.memref_slice %arg10[%add3A_941, %dma_wait3A_1034] : memref<10240x16xf32, #tpu.memory_space<vmem_shared>> -> memref<64x16xf32, #tpu.memory_space<vmem_shared>>
      %dma_wait3A_1036 = arith.constant 0 : i32
      %dma_wait3A_1037 = tpu.memref_slice %arg10[%add3A_941, %dma_wait3A_1036] : memref<10240x16xf32, #tpu.memory_space<vmem_shared>> -> memref<64x16xf32, #tpu.memory_space<vmem_shared>>
      tpu.wait_dma2 semaphore(%run_scoped3A : memref<!tpu.dma_semaphore, #tpu.memory_space<semaphore_mem>>) src(%dma_wait3A_1037 : memref<64x16xf32, #tpu.memory_space<vmem_shared>>) dst(%arg27 : memref<64x16xf32, #tpu.memory_space<vmem>>)
      tpu.yield
    }) : () -> ()
    %add3A_942 = arith.constant 0 : i32
    %add3A_943 = vector.broadcast %add3A_942 : i32 to vector<16xi32>
    %add3A_944 = arith.addi %iota3A, %add3A_943 : vector<16xi32>
    %gather3A_945 = tpu.vector_load_idx %arg27[%add3A_944, %broadcast_in_dim3A_630] : memref<64x16xf32, #tpu.memory_space<vmem>>[vector<16xi32>, vector<16xi32>], vector<16xf32>,
    %swap3A_946 = arith.constant 512 : index
    %swap3A_947 = tpu.vector_load %arg28[%swap3A_946] {strides = array<i32>} : memref<640xf32, #tpu.memory_space<vmem>>, vector<16xf32>,
    tpu.vector_store %arg28[%swap3A_946], %gather3A_945 {strides = array<i32>} : memref<640xf32, #tpu.memory_space<vmem>>, vector<16xf32>,
    %add3A_948 = arith.constant 16 : i32
    %add3A_949 = vector.broadcast %add3A_948 : i32 to vector<16xi32>
    %add3A_950 = arith.addi %iota3A, %add3A_949 : vector<16xi32>
    %gather3A_951 = tpu.vector_load_idx %arg27[%add3A_950, %broadcast_in_dim3A_630] : memref<64x16xf32, #tpu.memory_space<vmem>>[vector<16xi32>, vector<16xi32>], vector<16xf32>,
    %swap3A_952 = arith.constant 528 : index
    %swap3A_953 = tpu.vector_load %arg28[%swap3A_952] {strides = array<i32>} : memref<640xf32, #tpu.memory_space<vmem>>, vector<16xf32>,
    tpu.vector_store %arg28[%swap3A_952], %gather3A_951 {strides = array<i32>} : memref<640xf32, #tpu.memory_space<vmem>>, vector<16xf32>,
    %add3A_954 = arith.constant 32 : i32
    %add3A_955 = vector.broadcast %add3A_954 : i32 to vector<16xi32>
    %add3A_956 = arith.addi %iota3A, %add3A_955 : vector<16xi32>
    %gather3A_957 = tpu.vector_load_idx %arg27[%add3A_956, %broadcast_in_dim3A_630] : memref<64x16xf32, #tpu.memory_space<vmem>>[vector<16xi32>, vector<16xi32>], vector<16xf32>,
    %swap3A_958 = arith.constant 544 : index
    %swap3A_959 = tpu.vector_load %arg28[%swap3A_958] {strides = array<i32>} : memref<640xf32, #tpu.memory_space<vmem>>, vector<16xf32>,
    tpu.vector_store %arg28[%swap3A_958], %gather3A_957 {strides = array<i32>} : memref<640xf32, #tpu.memory_space<vmem>>, vector<16xf32>,
    %add3A_960 = arith.constant 48 : i32
    %add3A_961 = vector.broadcast %add3A_960 : i32 to vector<16xi32>
    %add3A_962 = arith.addi %iota3A, %add3A_961 : vector<16xi32>
    %gather3A_963 = tpu.vector_load_idx %arg27[%add3A_962, %broadcast_in_dim3A_630] : memref<64x16xf32, #tpu.memory_space<vmem>>[vector<16xi32>, vector<16xi32>], vector<16xf32>,
    %swap3A_964 = arith.constant 560 : index
    %swap3A_965 = tpu.vector_load %arg28[%swap3A_964] {strides = array<i32>} : memref<640xf32, #tpu.memory_space<vmem>>, vector<16xf32>,
    tpu.vector_store %arg28[%swap3A_964], %gather3A_963 {strides = array<i32>} : memref<640xf32, #tpu.memory_space<vmem>>, vector<16xf32>,
    %add3A_966 = arith.constant 320 : i32
    %add3A_967 = arith.addi %add3A_629, %add3A_966 : i32
    %dma_wait3A_968 = arith.constant 0 : i32
    %dma_wait3A_969 = tpu.memref_slice %arg7[%add3A_967, %dma_wait3A_968] : memref<20480x128xf32, #tpu.memory_space<hbm>> -> memref<64x128xf32, #tpu.memory_space<hbm>>
    %dma_wait3A_970 = arith.constant 0 : i32
    %dma_wait3A_971 = tpu.memref_slice %arg7[%add3A_967, %dma_wait3A_970] : memref<20480x128xf32, #tpu.memory_space<hbm>> -> memref<64x128xf32, #tpu.memory_space<hbm>>
    tpu.wait_dma2 semaphore(%arg38 : memref<!tpu.dma_semaphore, #tpu.memory_space<semaphore_mem>>) src(%arg24 : memref<64x128xf32, #tpu.memory_space<vmem>>) dst(%dma_wait3A_971 : memref<64x128xf32, #tpu.memory_space<hbm>>)
    %add3A_972 = arith.constant 576 : i32
    %add3A_973 = arith.addi %mul3A_2, %add3A_972 : i32
    "tpu.region"() ({
      %run_scoped3A = tpu.sem_alloc : memref<!tpu.dma_semaphore, #tpu.memory_space<semaphore_mem>>
      %dma_start3A_1030 = arith.constant 0 : i32
      %dma_start3A_1031 = tpu.memref_slice %arg9[%add3A_973, %dma_start3A_1030] : memref<10240x128xf32, #tpu.memory_space<vmem_shared>> -> memref<64x128xf32, #tpu.memory_space<vmem_shared>>
      %dma_start3A_1032 = arith.constant 0 : i32
      %dma_start3A_1033 = tpu.memref_slice %arg9[%add3A_973, %dma_start3A_1032] : memref<10240x128xf32, #tpu.memory_space<vmem_shared>> -> memref<64x128xf32, #tpu.memory_space<vmem_shared>>
      tpu.enqueue_dma source(%dma_start3A_1033 : memref<64x128xf32, #tpu.memory_space<vmem_shared>>) target(%arg24 : memref<64x128xf32, #tpu.memory_space<vmem>>) target_semaphore(%run_scoped3A : memref<!tpu.dma_semaphore, #tpu.memory_space<semaphore_mem>>)
      %dma_wait3A_1034 = arith.constant 0 : i32
      %dma_wait3A_1035 = tpu.memref_slice %arg9[%add3A_973, %dma_wait3A_1034] : memref<10240x128xf32, #tpu.memory_space<vmem_shared>> -> memref<64x128xf32, #tpu.memory_space<vmem_shared>>
      %dma_wait3A_1036 = arith.constant 0 : i32
      %dma_wait3A_1037 = tpu.memref_slice %arg9[%add3A_973, %dma_wait3A_1036] : memref<10240x128xf32, #tpu.memory_space<vmem_shared>> -> memref<64x128xf32, #tpu.memory_space<vmem_shared>>
      tpu.wait_dma2 semaphore(%run_scoped3A : memref<!tpu.dma_semaphore, #tpu.memory_space<semaphore_mem>>) src(%dma_wait3A_1037 : memref<64x128xf32, #tpu.memory_space<vmem_shared>>) dst(%arg24 : memref<64x128xf32, #tpu.memory_space<vmem>>)
      tpu.yield
    }) : () -> ()
    %add3A_974 = arith.constant 576 : i32
    %add3A_975 = arith.addi %add3A_629, %add3A_974 : i32
    %dma_start3A_976 = arith.constant 0 : i32
    %dma_start3A_977 = tpu.memref_slice %arg7[%add3A_975, %dma_start3A_976] : memref<20480x128xf32, #tpu.memory_space<hbm>> -> memref<64x128xf32, #tpu.memory_space<hbm>>
    %dma_start3A_978 = arith.constant 0 : i32
    %dma_start3A_979 = tpu.memref_slice %arg7[%add3A_975, %dma_start3A_978] : memref<20480x128xf32, #tpu.memory_space<hbm>> -> memref<64x128xf32, #tpu.memory_space<hbm>>
    tpu.enqueue_dma source(%arg24 : memref<64x128xf32, #tpu.memory_space<vmem>>) target(%dma_start3A_979 : memref<64x128xf32, #tpu.memory_space<hbm>>) target_semaphore(%arg38 : memref<!tpu.dma_semaphore, #tpu.memory_space<semaphore_mem>>)
    %add3A_980 = arith.constant 576 : i32
    %add3A_981 = arith.addi %mul3A_2, %add3A_980 : i32
    "tpu.region"() ({
      %run_scoped3A = tpu.sem_alloc : memref<!tpu.dma_semaphore, #tpu.memory_space<semaphore_mem>>
      %dma_start3A_1030 = arith.constant 0 : i32
      %dma_start3A_1031 = tpu.memref_slice %arg10[%add3A_981, %dma_start3A_1030] : memref<10240x16xf32, #tpu.memory_space<vmem_shared>> -> memref<64x16xf32, #tpu.memory_space<vmem_shared>>
      %dma_start3A_1032 = arith.constant 0 : i32
      %dma_start3A_1033 = tpu.memref_slice %arg10[%add3A_981, %dma_start3A_1032] : memref<10240x16xf32, #tpu.memory_space<vmem_shared>> -> memref<64x16xf32, #tpu.memory_space<vmem_shared>>
      tpu.enqueue_dma source(%dma_start3A_1033 : memref<64x16xf32, #tpu.memory_space<vmem_shared>>) target(%arg27 : memref<64x16xf32, #tpu.memory_space<vmem>>) target_semaphore(%run_scoped3A : memref<!tpu.dma_semaphore, #tpu.memory_space<semaphore_mem>>)
      %dma_wait3A_1034 = arith.constant 0 : i32
      %dma_wait3A_1035 = tpu.memref_slice %arg10[%add3A_981, %dma_wait3A_1034] : memref<10240x16xf32, #tpu.memory_space<vmem_shared>> -> memref<64x16xf32, #tpu.memory_space<vmem_shared>>
      %dma_wait3A_1036 = arith.constant 0 : i32
      %dma_wait3A_1037 = tpu.memref_slice %arg10[%add3A_981, %dma_wait3A_1036] : memref<10240x16xf32, #tpu.memory_space<vmem_shared>> -> memref<64x16xf32, #tpu.memory_space<vmem_shared>>
      tpu.wait_dma2 semaphore(%run_scoped3A : memref<!tpu.dma_semaphore, #tpu.memory_space<semaphore_mem>>) src(%dma_wait3A_1037 : memref<64x16xf32, #tpu.memory_space<vmem_shared>>) dst(%arg27 : memref<64x16xf32, #tpu.memory_space<vmem>>)
      tpu.yield
    }) : () -> ()
    %add3A_982 = arith.constant 0 : i32
    %add3A_983 = vector.broadcast %add3A_982 : i32 to vector<16xi32>
    %add3A_984 = arith.addi %iota3A, %add3A_983 : vector<16xi32>
    %gather3A_985 = tpu.vector_load_idx %arg27[%add3A_984, %broadcast_in_dim3A_630] : memref<64x16xf32, #tpu.memory_space<vmem>>[vector<16xi32>, vector<16xi32>], vector<16xf32>,
    %swap3A_986 = arith.constant 576 : index
    %swap3A_987 = tpu.vector_load %arg28[%swap3A_986] {strides = array<i32>} : memref<640xf32, #tpu.memory_space<vmem>>, vector<16xf32>,
    tpu.vector_store %arg28[%swap3A_986], %gather3A_985 {strides = array<i32>} : memref<640xf32, #tpu.memory_space<vmem>>, vector<16xf32>,
    %add3A_988 = arith.constant 16 : i32
    %add3A_989 = vector.broadcast %add3A_988 : i32 to vector<16xi32>
    %add3A_990 = arith.addi %iota3A, %add3A_989 : vector<16xi32>
    %gather3A_991 = tpu.vector_load_idx %arg27[%add3A_990, %broadcast_in_dim3A_630] : memref<64x16xf32, #tpu.memory_space<vmem>>[vector<16xi32>, vector<16xi32>], vector<16xf32>,
    %swap3A_992 = arith.constant 592 : index
    %swap3A_993 = tpu.vector_load %arg28[%swap3A_992] {strides = array<i32>} : memref<640xf32, #tpu.memory_space<vmem>>, vector<16xf32>,
    tpu.vector_store %arg28[%swap3A_992], %gather3A_991 {strides = array<i32>} : memref<640xf32, #tpu.memory_space<vmem>>, vector<16xf32>,
    %add3A_994 = arith.constant 32 : i32
    %add3A_995 = vector.broadcast %add3A_994 : i32 to vector<16xi32>
    %add3A_996 = arith.addi %iota3A, %add3A_995 : vector<16xi32>
    %gather3A_997 = tpu.vector_load_idx %arg27[%add3A_996, %broadcast_in_dim3A_630] : memref<64x16xf32, #tpu.memory_space<vmem>>[vector<16xi32>, vector<16xi32>], vector<16xf32>,
    %swap3A_998 = arith.constant 608 : index
    %swap3A_999 = tpu.vector_load %arg28[%swap3A_998] {strides = array<i32>} : memref<640xf32, #tpu.memory_space<vmem>>, vector<16xf32>,
    tpu.vector_store %arg28[%swap3A_998], %gather3A_997 {strides = array<i32>} : memref<640xf32, #tpu.memory_space<vmem>>, vector<16xf32>,
    %add3A_1000 = arith.constant 48 : i32
    %add3A_1001 = vector.broadcast %add3A_1000 : i32 to vector<16xi32>
    %add3A_1002 = arith.addi %iota3A, %add3A_1001 : vector<16xi32>
    %gather3A_1003 = tpu.vector_load_idx %arg27[%add3A_1002, %broadcast_in_dim3A_630] : memref<64x16xf32, #tpu.memory_space<vmem>>[vector<16xi32>, vector<16xi32>], vector<16xf32>,
    %swap3A_1004 = arith.constant 624 : index
    %swap3A_1005 = tpu.vector_load %arg28[%swap3A_1004] {strides = array<i32>} : memref<640xf32, #tpu.memory_space<vmem>>, vector<16xf32>,
    tpu.vector_store %arg28[%swap3A_1004], %gather3A_1003 {strides = array<i32>} : memref<640xf32, #tpu.memory_space<vmem>>, vector<16xf32>,
    %add3A_1006 = arith.constant 384 : i32
    %add3A_1007 = arith.addi %add3A_629, %add3A_1006 : i32
    %dma_wait3A_1008 = arith.constant 0 : i32
    %dma_wait3A_1009 = tpu.memref_slice %arg7[%add3A_1007, %dma_wait3A_1008] : memref<20480x128xf32, #tpu.memory_space<hbm>> -> memref<64x128xf32, #tpu.memory_space<hbm>>
    %dma_wait3A_1010 = arith.constant 0 : i32
    %dma_wait3A_1011 = tpu.memref_slice %arg7[%add3A_1007, %dma_wait3A_1010] : memref<20480x128xf32, #tpu.memory_space<hbm>> -> memref<64x128xf32, #tpu.memory_space<hbm>>
    tpu.wait_dma2 semaphore(%arg39 : memref<!tpu.dma_semaphore, #tpu.memory_space<semaphore_mem>>) src(%arg25 : memref<64x128xf32, #tpu.memory_space<vmem>>) dst(%dma_wait3A_1011 : memref<64x128xf32, #tpu.memory_space<hbm>>)
    %add3A_1012 = arith.constant 448 : i32
    %add3A_1013 = arith.addi %add3A_629, %add3A_1012 : i32
    %dma_wait3A_1014 = arith.constant 0 : i32
    %dma_wait3A_1015 = tpu.memref_slice %arg7[%add3A_1013, %dma_wait3A_1014] : memref<20480x128xf32, #tpu.memory_space<hbm>> -> memref<64x128xf32, #tpu.memory_space<hbm>>
    %dma_wait3A_1016 = arith.constant 0 : i32
    %dma_wait3A_1017 = tpu.memref_slice %arg7[%add3A_1013, %dma_wait3A_1016] : memref<20480x128xf32, #tpu.memory_space<hbm>> -> memref<64x128xf32, #tpu.memory_space<hbm>>
    tpu.wait_dma2 semaphore(%arg40 : memref<!tpu.dma_semaphore, #tpu.memory_space<semaphore_mem>>) src(%arg26 : memref<64x128xf32, #tpu.memory_space<vmem>>) dst(%dma_wait3A_1017 : memref<64x128xf32, #tpu.memory_space<hbm>>)
    %add3A_1018 = arith.constant 512 : i32
    %add3A_1019 = arith.addi %add3A_629, %add3A_1018 : i32
    %dma_wait3A_1020 = arith.constant 0 : i32
    %dma_wait3A_1021 = tpu.memref_slice %arg7[%add3A_1019, %dma_wait3A_1020] : memref<20480x128xf32, #tpu.memory_space<hbm>> -> memref<64x128xf32, #tpu.memory_space<hbm>>
    %dma_wait3A_1022 = arith.constant 0 : i32
    %dma_wait3A_1023 = tpu.memref_slice %arg7[%add3A_1019, %dma_wait3A_1022] : memref<20480x128xf32, #tpu.memory_space<hbm>> -> memref<64x128xf32, #tpu.memory_space<hbm>>
    tpu.wait_dma2 semaphore(%arg37 : memref<!tpu.dma_semaphore, #tpu.memory_space<semaphore_mem>>) src(%arg23 : memref<64x128xf32, #tpu.memory_space<vmem>>) dst(%dma_wait3A_1023 : memref<64x128xf32, #tpu.memory_space<hbm>>)
    %add3A_1024 = arith.constant 576 : i32
    %add3A_1025 = arith.addi %add3A_629, %add3A_1024 : i32
    %dma_wait3A_1026 = arith.constant 0 : i32
    %dma_wait3A_1027 = tpu.memref_slice %arg7[%add3A_1025, %dma_wait3A_1026] : memref<20480x128xf32, #tpu.memory_space<hbm>> -> memref<64x128xf32, #tpu.memory_space<hbm>>
    %dma_wait3A_1028 = arith.constant 0 : i32
    %dma_wait3A_1029 = tpu.memref_slice %arg7[%add3A_1025, %dma_wait3A_1028] : memref<20480x128xf32, #tpu.memory_space<hbm>> -> memref<64x128xf32, #tpu.memory_space<hbm>>
    tpu.wait_dma2 semaphore(%arg38 : memref<!tpu.dma_semaphore, #tpu.memory_space<semaphore_mem>>) src(%arg24 : memref<64x128xf32, #tpu.memory_space<vmem>>) dst(%dma_wait3A_1029 : memref<64x128xf32, #tpu.memory_space<hbm>>)
    "tpu.region"() ({
      %run_scoped3A = tpu.sem_alloc : memref<!tpu.dma_semaphore, #tpu.memory_space<semaphore_mem>>
      %dma_start3A_1030 = tpu.memref_slice %arg8[%add3A_629] : memref<20480xf32, #tpu.memory_space<hbm>> -> memref<640xf32, #tpu.memory_space<hbm>>
      %dma_start3A_1031 = tpu.memref_slice %arg8[%add3A_629] : memref<20480xf32, #tpu.memory_space<hbm>> -> memref<640xf32, #tpu.memory_space<hbm>>
      tpu.enqueue_dma source(%arg28 : memref<640xf32, #tpu.memory_space<vmem>>) target(%dma_start3A_1031 : memref<640xf32, #tpu.memory_space<hbm>>) target_semaphore(%run_scoped3A : memref<!tpu.dma_semaphore, #tpu.memory_space<semaphore_mem>>)
      %dma_wait3A_1032 = tpu.memref_slice %arg8[%add3A_629] : memref<20480xf32, #tpu.memory_space<hbm>> -> memref<640xf32, #tpu.memory_space<hbm>>
      %dma_wait3A_1033 = tpu.memref_slice %arg8[%add3A_629] : memref<20480xf32, #tpu.memory_space<hbm>> -> memref<640xf32, #tpu.memory_space<hbm>>
      tpu.wait_dma2 semaphore(%run_scoped3A : memref<!tpu.dma_semaphore, #tpu.memory_space<semaphore_mem>>) src(%arg28 : memref<640xf32, #tpu.memory_space<vmem>>) dst(%dma_wait3A_1033 : memref<640xf32, #tpu.memory_space<hbm>>)
      tpu.yield
    }) : () -> ()
    return
  }
}

module attributes {stable_mosaic.version = 14 : i64} {
  func.func @body(%arg0: i32, %arg1: memref<1024x128xf32, #tpu.memory_space<vmem>>, %arg2: memref<1024x128xf32, #tpu.memory_space<vmem>>, %arg3: memref<1024xf32, #tpu.memory_space<vmem>>, %arg4: memref<1024xf32, #tpu.memory_space<vmem>>, %arg5: memref<128x128xf32, #tpu.memory_space<vmem>>, %arg6: memref<1024x128xf32, #tpu.memory_space<vmem>>) attributes {dimension_semantics = [#tpu.dimension_semantics<arbitrary>], iteration_bounds = array<i64: 10>, scalar_prefetch = 0 : i64, scratch_operands = 0 : i64, tpu.core_type = #tpu.core_type<tc>, window_params = [{transform_indices = @transform_0, window_bounds = array<i64: 1024, 128>}, {transform_indices = @transform_1, window_bounds = array<i64: 1024, 128>}, {transform_indices = @transform_2, window_bounds = array<i64: 1024>}, {transform_indices = @transform_3, window_bounds = array<i64: 1024>}, {pipeline_mode = #tpu.pipeline_mode<synchronous>, transform_indices = @transform_4, window_bounds = array<i64: 128, 128>}, {transform_indices = @transform_5, window_bounds = array<i64: 1024, 128>}]} {
    %get3A = arith.constant 0 : index
    %get3A_0 = arith.constant 0 : index
    %get3A_1 = vector.load %arg1[%get3A, %get3A_0] : memref<1024x128xf32, #tpu.memory_space<vmem>>, vector<1024x128xf32>
    %get3A_2 = arith.constant 0 : index
    %get3A_3 = arith.constant 0 : index
    %get3A_4 = vector.load %arg2[%get3A_2, %get3A_3] : memref<1024x128xf32, #tpu.memory_space<vmem>>, vector<1024x128xf32>
    %add3A = arith.addf %get3A_1, %get3A_4 : vector<1024x128xf32>
    %get3A_5 = arith.constant 0 : index
    %get3A_6 = vector.load %arg3[%get3A_5] : memref<1024xf32, #tpu.memory_space<vmem>>, vector<1024xf32>
    %get3A_7 = arith.constant 0 : index
    %get3A_8 = vector.load %arg4[%get3A_7] : memref<1024xf32, #tpu.memory_space<vmem>>, vector<1024xf32>
    %add3A_9 = arith.addf %get3A_6, %get3A_8 : vector<1024xf32>
    %reshape3A = vector.shape_cast %add3A_9 : vector<1024xf32> to vector<1024x1xf32>
    %max3A = arith.constant 1.000000e+00 : f32
    %max3A_10 = vector.broadcast %max3A : f32 to vector<1024x1xf32>
    %max3A_11 = arith.maximumf %reshape3A, %max3A_10 : vector<1024x1xf32>
    %div3A = arith.constant 1.000000e+00 : f32
    %div3A_12 = vector.broadcast %div3A : f32 to vector<1024x1xf32>
    %div3A_13 = arith.divf %div3A_12, %max3A_11 : vector<1024x1xf32>
    %mul3A = vector.broadcast %div3A_13 : vector<1024x1xf32> to vector<1024x128xf32>
    %mul3A_14 = arith.mulf %add3A, %mul3A : vector<1024x128xf32>
    %get3A_15 = arith.constant 0 : index
    %get3A_16 = arith.constant 0 : index
    %get3A_17 = vector.load %arg5[%get3A_15, %get3A_16] : memref<128x128xf32, #tpu.memory_space<vmem>>, vector<128x128xf32>
    %dot_general3A = arith.constant dense<0.000000e+00> : vector<1024x128xf32>
    %dot_general3A_18 = tpu.matmul %mul3A_14, %get3A_17, %dot_general3A {dimension_numbers = #tpu.dot_dimension_numbers<[1], [0], [0], [1], [0, 0, 1, 1], [], []>, transpose_lhs_hint = false} : vector<1024x128xf32>, vector<128x128xf32>, vector<1024x128xf32> -> vector<1024x128xf32>
    %swap3A = arith.constant 0 : index
    %swap3A_19 = arith.constant 0 : index
    %swap3A_20 = vector.load %arg6[%swap3A, %swap3A_19] : memref<1024x128xf32, #tpu.memory_space<vmem>>, vector<1024x128xf32>
    tpu.vector_store %arg6[%swap3A, %swap3A_19], %dot_general3A_18 {strides = array<i32>} : memref<1024x128xf32, #tpu.memory_space<vmem>>, vector<1024x128xf32>,
    return
  }
  func.func @transform_0(%arg0: i32) -> (i32, i32) {
    %c0_i32 = arith.constant 0 : i32
    %c0_i32_0 = arith.constant 0 : i32
    return %arg0, %c0_i32 : i32, i32
  }
  func.func @transform_1(%arg0: i32) -> (i32, i32) {
    %add3A = arith.constant 10 : i32
    %add3A_0 = arith.addi %add3A, %arg0 : i32
    %c0_i32 = arith.constant 0 : i32
    %c0_i32_1 = arith.constant 0 : i32
    return %add3A_0, %c0_i32 : i32, i32
  }
  func.func @transform_2(%arg0: i32) -> i32 {
    %c0_i32 = arith.constant 0 : i32
    return %arg0 : i32
  }
  func.func @transform_3(%arg0: i32) -> i32 {
    %add3A = arith.constant 10 : i32
    %add3A_0 = arith.addi %add3A, %arg0 : i32
    %c0_i32 = arith.constant 0 : i32
    return %add3A_0 : i32
  }
  func.func @transform_4(%arg0: i32) -> (i32, i32) {
    %c0_i32 = arith.constant 0 : i32
    %c0_i32_0 = arith.constant 0 : i32
    %c0_i32_1 = arith.constant 0 : i32
    return %c0_i32, %c0_i32_0 : i32, i32
  }
  func.func @transform_5(%arg0: i32) -> (i32, i32) {
    %c0_i32 = arith.constant 0 : i32
    %c0_i32_0 = arith.constant 0 : i32
    return %arg0, %c0_i32 : i32, i32
  }
}

</mosaic_0001>

<sc_bundles>
// kernel: kernel.4.cloned.1.call-start
scs
__scs_entry_jumppad:
0x0: {  	(pc) =	sbr.rel $0x88, $3  }
0x1: {  	(tag) =	ssettag $0x0;
	lr =	simm.s32 $0x1  }
0x2: {  	[smem:$0x3F9E] =	sst lr;
	_ =	strace $0xD0000000  }
0x3: {  	_ = 	snop  }
0x4: {  	_ = 	snop  }
0x5: {  	_ = 	snop  }
0x6: {  	_ = 	snop  }
0x7: {  	_ = 	snop  }
__scs_overlays_trampoline_lowered:
0x8: {  	[smem:$0x3FAD] =	sst s0  }
0x9: {  	[smem:$0x3FAE] =	sst s1  }
0xa: {  	[smem:$0x3FAF] =	sst s2  }
0xb: {  	[smem:$0x3FB0] =	sst s3  }
0xc: {  	[smem:$0x3FB1] =	sst s4  }
0xd: {  	[smem:$0x3FB2] =	sst s5  }
0xe: {  	[smem:$0x3FB3] =	sst s6  }
0xf: {  	[smem:$0x3FB4] =	sst s7  }
0x10: {  	[smem:$0x3FB5] =	sst s8  }
0x11: {  	[smem:$0x3FB6] =	sst s9;
	s0 =	simm.s32 @!p0 $0x0  }
0x12: {  	s1 =	sld [smem:$0x3F9C];
	s0 =	simm.s32 @p0 $0x1  }
0x13: {  	[smem:$0x3FB7] =	sst s0;
	s0 =	simm.s32 @!p1 $0x0  }
0x14: {  	s2 =	sld [smem:$0x3F9B];
	s0 =	simm.s32 @p1 $0x1  }
0x15: {  	[smem:$0x3FB8] =	sst s0;
	s0 =	simm.s32 @!p2 $0x0  }
0x16: {  	s3 =	sld [smem:$0x3FDB];
	s0 =	simm.s32 @p2 $0x1  }
0x17: {  	s4 =	simm.s32 $0x1BF5;
	[smem:$0x3FBA] =	sst s0  }
0x18: {  	s0 =	sld [smem:$0x3F9D];
	_ =	swait.ge [sflag:s4], $0x0  }
0x19: {  	s7 =	sld [smem:$0x3F9E]  }
0x1a: {  	s8 =	sadd.s32 $0xFFFFE003, lr  }
0x1b: {  	s9 =	sadd.s32 $0xFFFFFEF7, lr;
	s5 =	simm.s32 $0xFFFFFFFF;
	p2 =	slt.u32 s8, $0xFFFFF086  }
0x1c: {  	p1 =	slt.u32 s9, $0xF7A;
	s5 =	simm.s32 @!p2 $0x0  }
0x1d: {  	s5 =	simm.s32 @p1 $0x1;
	p0 =	seq.s32 s7, s2  }
0x1e: {  	s7 =	smul.u32 @!p0 $0xF7A, s2;
	p2 =	seq.s32 @!p0 s5, $0x0  }
0x1f: {  	s9 =	smul.u32 $0xF7A, s1;
	s8 =	simm.s32 @!p0 $0x1BF5;
	p2 =	por !p2, p0  }
0x20: {  	[sflag:s8] =	ssyncset.s32 @!p0 $0xFFFFF086;
	s6 =	sadd.s32 @!p0 s3, s7;
	s7 =	simm.s32 @!p0 $0x108  }
0x21: {  	s3 =	sadd.s32 s3, s9;
	s6 =	sadd.s32 @!p0 $0x88, s6;
	s7 =	simm.s32 @p2 $0x1082  }
0x22: {  	[simem:s7], [sflag:s8] =	dma.local @!p0 [hbm:s6], $0xF7A  }
0x23: {  	s9 =	sor.u32 $0xD0000000, s2;
	s6 =	simm.s32 $0x108;
	_ =	swait.ge @!p0 [sflag:s8], $0x0  }
0x24: {  	s3 =	sadd.s32 $0x88, s3;
	s6 =	simm.s32 @!p1 $0x1082;
	[sflag:s4] =	ssyncset.s32 $0xFFFFF086  }
0x25: {  	[simem:s6], [sflag:s4] =	dma.local [hbm:s3], $0xF7A  }
0x26: {  	[smem:$0x3F9E] =	sst s1;
	(tag) =	ssettag s2;
	_ =	strace s9  }
0x27: {  	s1 =	sld [smem:$0x3FAE]  }
0x28: {  	s2 =	sld [smem:$0x3FAF]  }
0x29: {  	s4 =	sld [smem:$0x3FB1]  }
0x2a: {  	p0 =	seq.s32 s5, $0x0;
	s5 =	sld [smem:$0x3FB2]  }
0x2b: {  	s6 =	sld [smem:$0x3FB3]  }
0x2c: {  	s7 =	sld [smem:$0x3FB4]  }
0x2d: {  	s3 =	simm.s32 $0x108;
	s8 =	sld [smem:$0x3FB5]  }
0x2e: {  	s3 =	simm.s32 @!p0 $0x1082;
	s9 =	sld [smem:$0x3FB6]  }
0x2f: {  	lr =	sadd.s32 s0, s3;
	s0 =	sld [smem:$0x3FAD]  }
0x30: {  	s3 =	sld [smem:$0x3FB0]  }
0x31: {  	[smem:$0x3FB9] =	sst s10  }
0x32: {  	s10 =	sld [smem:$0x3FB7];
	_ =	sdelay $0x3  }
0x33: {  	p0 =	seq.s32 s10, $0x1;
	s10 =	sld [smem:$0x3FB9];
	_ =	sdelay $0x3  }
0x34: {  	[smem:$0x3FB9] =	sst s10  }
0x35: {  	s10 =	sld [smem:$0x3FB8];
	_ =	sdelay $0x3  }
0x36: {  	p1 =	seq.s32 s10, $0x1;
	s10 =	sld [smem:$0x3FB9];
	_ =	sdelay $0x3  }
0x37: {  	[smem:$0x3FB9] =	sst s10  }
0x38: {  	s10 =	sld [smem:$0x3FBA]  }
0x39: {  	_ = 	snop;
	(pc) =	sbr.ind lr, $3  }
0x3a: {  	_ = 	snop  }
0x3b: {  	_ = 	snop  }
0x3c: {  	p2 =	seq.s32 s10, $0x1;
	s10 =	sld [smem:$0x3FB9]  }
0x3d: {  	_ =	shalt  }
0x3e: {  	_ =	shalt  }
0x3f: {  	_ =	shalt  }
0x40: {  	_ =	shalt  }
0x41: {  	_ =	shalt  }
0x42: {  	_ =	shalt  }
0x43: {  	_ =	shalt  }
0x44: {  	_ =	shalt  }
0x45: {  	_ =	shalt  }
0x46: {  	_ =	shalt  }
0x47: {  	_ =	shalt  }
0x48: {  	_ =	shalt  }
0x49: {  	_ =	shalt  }
0x4a: {  	_ =	shalt  }
0x4b: {  	_ =	shalt  }
0x4c: {  	_ =	shalt  }
0x4d: {  	_ =	shalt  }
0x4e: {  	_ =	shalt  }
0x4f: {  	_ =	shalt  }
0x50: {  	_ =	shalt  }
0x51: {  	_ =	shalt  }
0x52: {  	_ =	shalt  }
0x53: {  	_ =	shalt  }
0x54: {  	_ =	shalt  }
0x55: {  	_ =	shalt  }
0x56: {  	_ =	shalt  }
0x57: {  	_ =	shalt  }
0x58: {  	_ =	shalt  }
0x59: {  	_ =	shalt  }
0x5a: {  	_ =	shalt  }
0x5b: {  	_ =	shalt  }
0x5c: {  	_ =	shalt  }
0x5d: {  	_ =	shalt  }
0x5e: {  	_ =	shalt  }
0x5f: {  	_ =	shalt  }
0x60: {  	_ =	shalt  }
0x61: {  	_ =	shalt  }
0x62: {  	_ =	shalt  }
0x63: {  	_ =	shalt  }
0x64: {  	_ =	shalt  }
0x65: {  	_ =	shalt  }
0x66: {  	_ =	shalt  }
0x67: {  	_ =	shalt  }
0x68: {  	_ =	shalt  }
0x69: {  	_ =	shalt  }
0x6a: {  	_ =	shalt  }
0x6b: {  	_ =	shalt  }
0x6c: {  	_ =	shalt  }
0x6d: {  	_ =	shalt  }
0x6e: {  	_ =	shalt  }
0x6f: {  	_ =	shalt  }
0x70: {  	_ =	shalt  }
0x71: {  	_ =	shalt  }
0x72: {  	_ =	shalt  }
0x73: {  	_ =	shalt  }
0x74: {  	_ =	shalt  }
0x75: {  	_ =	shalt  }
0x76: {  	_ =	shalt  }
0x77: {  	_ =	shalt  }
0x78: {  	_ =	shalt  }
0x79: {  	_ =	shalt  }
0x7a: {  	_ =	shalt  }
0x7b: {  	_ =	shalt  }
0x7c: {  	_ =	shalt  }
0x7d: {  	_ =	shalt  }
0x7e: {  	_ =	shalt  }
0x7f: {  	_ =	shalt  }
0x80: {  	_ =	shalt  }
0x81: {  	_ =	shalt  }
0x82: {  	_ =	shalt  }
0x83: {  	_ =	shalt  }
0x84: {  	_ =	shalt  }
0x85: {  	_ =	shalt  }
0x86: {  	_ =	shalt  }
0x87: {  	_ =	shalt  }
.Lfunc_end0:
.L_simem_size_0:
called_computation_lowered:
.L_overlay_start_0:
0x88: {  	s2 =	sld [smem:$0x3FD9]  }
0x89: {  	s3 =	sld [smem:$0x3FFE];
	_ =	sdelay $0x1  }
0x8a: {  	s1 =	srdreg.scid  }
0x8b: {  	s0 =	sand.u32 $0x1, s1  }
0x8c: {  	s17 =	sshll.u32 s0, $0xA;
	s2 =	sadd.s32 s3, s2  }
0x8d: {  	s2 =	sadd.s32 s2, s17  }
0x8e: {  	[smem:$0x3FC5] =	sst s2  }
0x8f: {  	_ = 	snop  }
0x90: {  	s2 =	sld [smem:$0x3FC9]  }
0x91: {  	s18 =	sld [smem:$0x3FD0];
	(tm) =	ssettm $0x1  }
0x92: {  	s4 =	sld [smem:$0x3FFB];
	_ =	sdelay $0x3  }
0x93: {  	_ =	strace s4  }
0x94: {  	s4 =	sld [smem:$0x3FFC];
	_ =	sdelay $0x3  }
0x95: {  	_ =	strace s4  }
0x96: {  	s4 =	sld [smem:$0x3FFD];
	_ =	sdelay $0x3  }
0x97: {  	_ =	strace s4  }
0x98: {  	_ =	strace $0x8FFFFFFF  }
0x99: {  	s19 =	sld [smem:$0x3FDB];
	_ =	sdelay $0x1  }
0x9a: {  	s5 =	simm.s32 $_scs_section_size  }
0x9b: {  	s6 =	simm.s32 $_size__tile_overlayer_lowered;
	s7 =	simm.s32 $_tile_overlayer_lowered  }
0x9c: {  	s22 =	simm.s32 $0x1BFF;
	s21 =	sshll.u32 s7, $0x1;
	s4 =	sadd.s32 s5, s19  }
0x9d: {  	s8 =	simm.s32 $0x0;
	s20 =	sshll.u32 s6, $0x1;
	s6 =	sadd.s32 s21, s4  }
0x9e: {  	[timem:s8], [sflag:s22] =	dma.local [hbm:s6], s20  }
0x9f: {  	_ =	swait.ge [sflag:s22], s20  }
0xa0: {  	s5 =	ssub.s32 $0x0, s20;
	[sflag:s22] =	ssyncset.done $0x0  }
0xa1: {  	[sflag:s22] =	ssyncadd.s32 s5;
	_ =	sdelay $0x1  }
0xa2: {  	s23 =	simm.s32 $0x1B8B  }
0xa3: {  	_ =	swait.ge [sflag:s23], $0x1  }
0xa4: {  	[sflag:s23] =	ssyncset.done $0x0  }
0xa5: {  	s25 =	simm.s32 $0x1B8E;
	s24 =	sld [smem:$0x3FFE];
	[sflag:s23] =	ssyncadd.s32 $0xFFFFFFFF  }
0xa6: {  	s26 =	simm.s32 $execute0_lowered;
	[smem:$0x3FD2] =	sst s25  }
0xa7: {  	s6 =	sshll.u32 s26, $0x1;
	_ =	strace $0x80000046;
	[dreg:$0x1] =	wrdreg $0xFFFFFFFF  }
0xa8: {  	s28 =	simm.s32 $_size_execute0_lowered;
	s4 =	sadd.s32 s4, s6;
	[dreg:$0x0] =	wrdreg $0x0  }
0xa9: {  	s6 =	sshll.u32 s28, $0x1;
	[dreg:$0x2] =	wrdreg s4  }
0xaa: {  	[dreg:$0x3] =	wrdreg s6  }
0xab: {  	[dreg:$0x4] =	wrdreg $0xC0  }
0xac: {  	_ =	task [dreg:s8], $0x5FFFF  }
0xad: {  	[dreg:$0x1] =	wrdreg $0xFFFFFFFF  }
0xae: {  	[dreg:$0x0] =	wrdreg $0x60  }
0xaf: {  	[dreg:$0x2] =	wrdreg s2  }
0xb0: {  	[dreg:$0x3] =	wrdreg s18  }
0xb1: {  	[dreg:$0x4] =	wrdreg s24  }
0xb2: {  	[dreg:$0x5] =	wrdreg $0x0  }
0xb3: {  	[dreg:$0x6] =	wrdreg $0x140000  }
0xb4: {  	[dreg:$0x7] =	wrdreg $0x9  }
0xb5: {  	_ =	task.clear_ibuf [dreg:s8], $0x8FFFF;
	_ =	strace $0x90000046  }
0xb6: {  	s29 =	simm.s32 $0x9;
	_ =	strace $0x80000048  }
0xb7: {  	_ =	swait.ge [sflag:s29], $0x1  }
0xb8: {  	[sflag:s29] =	ssyncadd.s32 $0xFFFFFFFF  }
0xb9: {  	_ =	strace $0x90000048  }
0xba: {  	_ =	sfence  }
0xbb: {  	s30 =	sld [smem:$0x0];
	_ =	sdelay $0x2  }
0xbc: {  	s31 =	sshll.u32 s1, $0xD;
	s1 =	sshrl.u32 s1, $0x2  }
0xbd: {  	s3 =	sand.u32 $0x4000, s31;
	s1 =	sadd.s32 s1, s30  }
0xbe: {  	s0 =	sor.u32 s3, s0;
	s1 =	sshll.u32 s1, $0x11  }
0xbf: {  	s0 =	sor.u32 s1, s0  }
0xc0: {  	s0 =	sadd.s32 $0x8F2B, s0  }
0xc1: {  	[sflag:s0] =	ssyncadd.remote.s32 $0x1  }
0xc2: {  	_ =	sfence.sel $0xFFFF  }
0xc3: {  	[dreg:$0x0] =	wrdreg $0xFFFFFFFF;
	(pc) =	sbr.abs _section_cstart, $3  }
0xc4: {  	[dreg:$0x1] =	wrdreg $0xFFFFFFFF  }
0xc5: {  	_ =	task.clear_ibuf [dreg:s8], $0x2FFFF;
	_ =	strace $0x9FFFFFFF  }
0xc6: {  	(tm) =	ssettm $0x7FFFFFFF  }
0xc7: {  	_ =	shalt  }
tec
execute0_lowered:
.L_overlay_start_1:
0x0: {  	(tag) =	ssettag $0x1  }
0x1: {  	s0 =	rddreg [dreg:$0x0]  }
0x2: {  	s2 =	rddreg [dreg:$0x1]  }
0x3: {  	s3 =	rddreg [dreg:$0x2]  }
0x4: {  	s4 =	rddreg [dreg:$0x3];
	s1 =	srdreg.scid  }
0x5: {  	s13 =	stileid.u32;
	s5 =	rddreg [dreg:$0x4]  }
0x6: {  	s6 =	simm.s32 $0x0;
	s8 =	sand.u32 $0x1, s1;
	s7 =	smul.u32 $0x280, s13  }
0x7: {  	[smem:$0x7FF] =	sst s6;
	s9 =	sadd.s32 $0xE00, s3;
	s18 =	sadd.s32 $0xC00, s3  }
0x8: {  	s22 =	smul.u32 $0x50000, s13;
	_ =	strace $0x80000047;
	[dreg:$0xa] =	wrdreg s9  }
0x9: {  	s20 =	sadd.s32 $0xA00, s3;
	s1 =	smul.u32 $0x2800, s8;
	[dreg:$0xb] =	wrdreg s18  }
0xa: {  	[dreg:$0xc] =	wrdreg s20;
	s21 =	ssub.s32 $0x2, s8;
	s8 =	sshll.u32 s8, $0x4  }
0xb: {  	s11 =	sshrl.u32 s21, $0x1;
	s12 =	sor.u32 s13, s8;
	s13 =	smul.u32 $0xA000, s13  }
0xc: {  	s25 =	sor.u32 $0x40, s7;
	s15 =	sadd.s32 $0xC0, s7;
	s20 =	sadd.s32 $0x100, s7  }
0xd: {  	s1 =	sadd.s32 s7, s1;
	s8 =	ssub.s32 s21, s11;
	s23 =	smul.u32 $0xA0, s12  }
0xe: {  	s26 =	sshll.u32 s25, $0x7;
	s11 =	sshll.u32 s25, $0x4;
	s16 =	sshll.u32 s15, $0x7  }
0xf: {  	s17 =	sshll.u32 s15, $0x4;
	s19 =	sshll.u32 s1, $0x4;
	s10 =	sshrl.u32 s1, $0x3  }
0x10: {  	s24 =	sshrl.u32 s13, $0x2;
	s11 =	sadd.s32 s11, s5;
	s13 =	sadd.s32 $0x80, s7  }
0x11: {  	s1 =	sadd.s32 s19, s3;
	[dreg:$0x10] =	wrdreg s11;
	s18 =	sor.u32 $0x8, s23  }
0x12: {  	s3 =	sadd.s32 s10, s3;
	s19 =	sor.u32 $0x9, s23;
	[dreg:$0x6] =	wrdreg s18  }
0x13: {  	s10 =	sshrl.u32 s22, $0x2;
	s21 =	sor.u32 $0xA, s23;
	[dreg:$0x7] =	wrdreg s19  }
0x14: {  	s14 =	sshll.u32 s13, $0x7;
	s9 =	sor.u32 $0xB, s23;
	[dreg:$0x8] =	wrdreg s21  }
0x15: {  	s22 =	sshll.u32 s20, $0x7;
	s10 =	sadd.s32 s10, s4;
	[dreg:$0x9] =	wrdreg s9  }
0x16: {  	s23 =	sadd.s32 $0x140, s7;
	s11 =	sadd.s32 s14, s4;
	[dreg:$0xd] =	wrdreg s10  }
0x17: {  	s25 =	sshll.u32 s23, $0x7;
	s21 =	sadd.s32 $0x1200, s1;
	[dreg:$0x11] =	wrdreg s11  }
0x18: {  	s9 =	sshll.u32 s23, $0x4;
	s10 =	sadd.s32 s24, s5;
	[smem:$0x7E9] =	sst s21  }
0x19: {  	s11 =	sshll.u32 s20, $0x4;
	s9 =	sadd.s32 s9, s5;
	[dreg:$0xe] =	wrdreg s10  }
0x1a: {  	s20 =	smul.u32 $0x500, s12;
	s12 =	sadd.s32 $0x2A00, s1;
	[dreg:$0x18] =	wrdreg s9  }
0x1b: {  	s14 =	sadd.s32 $0x1C0, s7;
	s10 =	sadd.s32 s26, s4;
	[smem:$0x7EF] =	sst s12  }
0x1c: {  	s15 =	sshll.u32 s14, $0x7;
	s24 =	sadd.s32 s11, s5;
	[dreg:$0xf] =	wrdreg s10  }
0x1d: {  	s23 =	sadd.s32 s15, s4;
	s15 =	sadd.s32 $0x51200, s3;
	[dreg:$0x16] =	wrdreg s24  }
0x1e: {  	s26 =	sadd.s32 $0x180, s7;
	s10 =	sshll.u32 s13, $0x4;
	[smem:$0x7F3] =	sst s15  }
0x1f: {  	s11 =	sshll.u32 s26, $0x7;
	[dreg:$0x1b] =	wrdreg s23;
	s10 =	sadd.s32 s10, s5  }
0x20: {  	s9 =	sadd.s32 s11, s4;
	[dreg:$0x12] =	wrdreg s10  }
0x21: {  	s11 =	sadd.s32 $0x2600, s1;
	[dreg:$0x19] =	wrdreg s9  }
0x22: {  	s10 =	sadd.s32 s16, s4;
	[smem:$0x7EE] =	sst s11  }
0x23: {  	s9 =	sshll.u32 s14, $0x4;
	s14 =	sadd.s32 $0x3200, s1;
	[dreg:$0x13] =	wrdreg s10  }
0x24: {  	s16 =	sadd.s32 $0x200, s7;
	s10 =	sadd.s32 s17, s5;
	[smem:$0x7F1] =	sst s14  }
0x25: {  	s7 =	sadd.s32 $0x240, s7;
	s9 =	sadd.s32 s9, s5;
	[dreg:$0x14] =	wrdreg s10  }
0x26: {  	s17 =	sshll.u32 s16, $0x7;
	s10 =	sadd.s32 s22, s4;
	[dreg:$0x1c] =	wrdreg s9  }
0x27: {  	s18 =	sshll.u32 s16, $0x4;
	s9 =	sadd.s32 s17, s4;
	[dreg:$0x15] =	wrdreg s10  }
0x28: {  	s19 =	sshll.u32 s7, $0x7;
	s22 =	sadd.s32 $0x1600, s1;
	[dreg:$0x1d] =	wrdreg s9  }
0x29: {  	s7 =	sshll.u32 s7, $0x4;
	s17 =	smax.u32 s8, $0x1;
	[smem:$0x7EA] =	sst s22  }
0x2a: {  	s28 =	sadd.s32 s7, s5;
	s7 =	sadd.s32 s2, s20;
	[smem:$0x7F4] =	sst s17  }
0x2b: {  	s16 =	sadd.s32 s18, s5;
	[smem:$0x7FB] =	sst s7  }
0x2c: {  	s24 =	sadd.s32 s19, s4;
	[dreg:$0x1e] =	wrdreg s16  }
0x2d: {  	s31 =	simm.s32 $0xA;
	s29 =	simm.s32 $0x4;
	[dreg:$0x1f] =	wrdreg s24  }
0x2e: {  	s30 =	simm.s32 $0x0;
	s10 =	sadd.s32 s25, s4;
	[smem:$0x7FD] =	sst s28  }
0x2f: {  	s12 =	simm.s32 $0xF;
	s25 =	sadd.s32 $0x1A00, s1;
	[dreg:$0x17] =	wrdreg s10  }
0x30: {  	s15 =	simm.s32 $0x5;
	s9 =	sadd.s32 $0x2200, s1;
	[smem:$0x7EB] =	sst s25  }
0x31: {  	s11 =	simm.s32 $0xB;
	s18 =	sadd.s32 $0x8, s7;
	[smem:$0x7ED] =	sst s9  }
0x32: {  	s14 =	simm.s32 $0x10;
	s19 =	sadd.s32 $0x10, s7;
	[smem:$0x7F5] =	sst s18  }
0x33: {  	s8 =	simm.s32 $0xD;
	s20 =	sadd.s32 $0x18, s7;
	[smem:$0x7F6] =	sst s19  }
0x34: {  	s21 =	sadd.s32 $0x20, s7;
	s22 =	sadd.s32 $0x28, s7;
	[smem:$0x7F7] =	sst s20  }
0x35: {  	s17 =	simm.s32 $0x6;
	s10 =	sshll.u32 s26, $0x4;
	[smem:$0x7F8] =	sst s21  }
0x36: {  	s26 =	sadd.s32 $0x1E00, s1;
	[smem:$0x7F9] =	sst s22;
	s25 =	sadd.s32 $0x30, s7  }
0x37: {  	s19 =	simm.s32 $0x1;
	s20 =	simm.s32 $0x40;
	s18 =	simm.s32 $0x16900  }
0x38: {  	s22 =	simm.s32 $0x2;
	s21 =	simm.s32 $0x7;
	[smem:$0x7EC] =	sst s26  }
0x39: {  	s13 =	sadd.s32 s10, s5;
	[smem:$0x7FA] =	sst s25;
	s26 =	sadd.s32 $0x38, s7  }
0x3a: {  	v0 =	vlaneseq.u32;
	s7 =	simm.s32 $0x9;
	s10 =	simm.s32 $0xE;
	[dreg:$0x1a] =	wrdreg s13  }
0x3b: {  	v0 =	vmul.u32 $0x10, v0;
	s25 =	simm.s32 $0x3;
	s13 =	sadd.s32 $0x2E00, s1;
	[smem:$0x7FC] =	sst s26  }
0x3c: {  	s1 =	sadd.s32 $0x3600, s1;
	s26 =	simm.s32 $0x8;
	[smem:$0x7F0] =	sst s13  }
0x3d: {  	v1 =	vor.u32 $0x100, v0;
	v2 =	vor.u32 $0x200, v0;
	v3 =	vor.u32 $0x300, v0;
	[smem:$0x7F2] =	sst s1;
	s1 =	simm.s32 $0x1EB00;
	s13 =	simm.s32 $0xC  }
.LBB2_1:
0x3e: {  	[smem:$0x7E8] =	sst s30  }
0x3f: {  	s9 =	simm.s32 $0x11;
	s3 =	rddreg [dreg:$0xa];
	s30 =	simm.s32 $0x16B00  }
0x40: {  	[tilespmem:s30], [sflag:$0x11] =	stream.linear.gather [hbm4b:s3+s6], $0x2000, $0x38;
	[tilespmem:$0x1F180] =	vst v63  }
0x41: {  	_ =	swait.ge [sflag:s9], $0x2000  }
0x42: {  	[sflag:s9] =	ssyncset.done $0x0  }
0x43: {  	s3 =	rddreg [dreg:$0xb];
	[sflag:s9] =	ssyncadd.s32 $0xFFFFE000  }
0x44: {  	[tilespmem:s1], [sflag:$0x11] =	stream.linear.gather [hbm4b:s3+s6], $0x400, $0x38;
	[tilespmem:$0x1F180] =	vst v63  }
0x45: {  	_ =	swait.ge [sflag:s9], $0x400  }
0x46: {  	[sflag:s9] =	ssyncset.done $0x0  }
0x47: {  	s3 =	rddreg [dreg:$0xd];
	[sflag:s9] =	ssyncadd.s32 $0xFFFFFC00  }
0x48: {  	[spmem:s3] =	stream.linear.scatter [tilespmem:s30], [sflag:$0x9], $0x2000, $0x38;
	[tilespmem:$0x1F180] =	vst v63  }
0x49: {  	s3 =	rddreg [dreg:$0xe]  }
0x4a: {  	[spmem:s3] =	stream.linear.scatter [tilespmem:s1], [sflag:$0xD], $0x400, $0x38;
	[tilespmem:$0x1F180] =	vst v63  }
0x4b: {  	s3 =	rddreg [dreg:$0xf]  }
0x4c: {  	[spmem:s3] =	stream.linear.scatter [tilespmem:s30], [sflag:$0xA], $0x2000, $0x38;
	[tilespmem:$0x1F180] =	vst v63  }
0x4d: {  	s3 =	rddreg [dreg:$0x10]  }
0x4e: {  	[spmem:s3] =	stream.linear.scatter [tilespmem:s1], [sflag:$0xE], $0x400, $0x38;
	[tilespmem:$0x1F180] =	vst v63  }
0x4f: {  	s3 =	rddreg [dreg:$0x11]  }
0x50: {  	[spmem:s3] =	stream.linear.scatter [tilespmem:s30], [sflag:$0xB], $0x2000, $0x38;
	[tilespmem:$0x1F180] =	vst v63  }
0x51: {  	s3 =	rddreg [dreg:$0x12]  }
0x52: {  	[spmem:s3] =	stream.linear.scatter [tilespmem:s1], [sflag:$0xF], $0x400, $0x38;
	[tilespmem:$0x1F180] =	vst v63  }
0x53: {  	s3 =	rddreg [dreg:$0x13]  }
0x54: {  	[spmem:s3] =	stream.linear.scatter [tilespmem:s30], [sflag:$0xC], $0x2000, $0x38;
	[tilespmem:$0x1F180] =	vst v63  }
0x55: {  	s3 =	rddreg [dreg:$0x14]  }
0x56: {  	[spmem:s3] =	stream.linear.scatter [tilespmem:s1], [sflag:$0x10], $0x400, $0x38;
	[tilespmem:$0x1F180] =	vst v63  }
0x57: {  	s3 =	rddreg [dreg:$0x15]  }
0x58: {  	[spmem:s3] =	stream.linear.scatter [tilespmem:s30], [sflag:$0x9], $0x2000, $0x38;
	[tilespmem:$0x1F180] =	vst v63  }
0x59: {  	s3 =	rddreg [dreg:$0x16]  }
0x5a: {  	[spmem:s3] =	stream.linear.scatter [tilespmem:s1], [sflag:$0xD], $0x400, $0x38;
	[tilespmem:$0x1F180] =	vst v63  }
0x5b: {  	s3 =	rddreg [dreg:$0x17]  }
0x5c: {  	[spmem:s3] =	stream.linear.scatter [tilespmem:s30], [sflag:$0xA], $0x2000, $0x38;
	[tilespmem:$0x1F180] =	vst v63  }
0x5d: {  	s3 =	rddreg [dreg:$0x18]  }
0x5e: {  	[spmem:s3] =	stream.linear.scatter [tilespmem:s1], [sflag:$0xE], $0x400, $0x38;
	[tilespmem:$0x1F180] =	vst v63  }
0x5f: {  	s3 =	rddreg [dreg:$0x19]  }
0x60: {  	[spmem:s3] =	stream.linear.scatter [tilespmem:s30], [sflag:$0xB], $0x2000, $0x38;
	[tilespmem:$0x1F180] =	vst v63  }
0x61: {  	s3 =	rddreg [dreg:$0x1a]  }
0x62: {  	[spmem:s3] =	stream.linear.scatter [tilespmem:s1], [sflag:$0xF], $0x400, $0x38;
	[tilespmem:$0x1F180] =	vst v63  }
0x63: {  	_ = 	snop  }
0x64: {  	[spmem:s23] =	stream.linear.scatter [tilespmem:s30], [sflag:$0xC], $0x2000, $0x38;
	[tilespmem:$0x1F180] =	vst v63  }
0x65: {  	s23 =	rddreg [dreg:$0x1c]  }
0x66: {  	[spmem:s23] =	stream.linear.scatter [tilespmem:s1], [sflag:$0x10], $0x400, $0x38;
	[tilespmem:$0x1F180] =	vst v63  }
0x67: {  	s23 =	rddreg [dreg:$0x1d]  }
0x68: {  	[spmem:s23] =	stream.linear.scatter [tilespmem:s30], [sflag:$0x9], $0x2000, $0x38;
	[tilespmem:$0x1F180] =	vst v63  }
0x69: {  	_ = 	snop  }
0x6a: {  	[spmem:s16] =	stream.linear.scatter [tilespmem:s1], [sflag:$0xD], $0x400, $0x38;
	[tilespmem:$0x1F180] =	vst v63  }
0x6b: {  	_ = 	snop  }
0x6c: {  	[spmem:s24] =	stream.linear.scatter [tilespmem:s30], [sflag:$0xA], $0x2000, $0x38;
	[tilespmem:$0x1F180] =	vst v63  }
0x6d: {  	_ = 	snop  }
0x6e: {  	[spmem:s28] =	stream.linear.scatter [tilespmem:s1], [sflag:$0xE], $0x400, $0x38;
	[tilespmem:$0x1F180] =	vst v63  }
0x6f: {  	_ =	swait.ge [sflag:s7], $0x2000  }
0x70: {  	[sflag:s7] =	ssyncset.done $0x0  }
0x71: {  	[sflag:s7] =	ssyncadd.s32 $0xFFFFE000  }
0x72: {  	_ =	swait.ge [sflag:s8], $0x400  }
0x73: {  	[sflag:s8] =	ssyncset.done $0x0  }
0x74: {  	[sflag:s8] =	ssyncadd.s32 $0xFFFFFC00  }
0x75: {  	_ =	swait.ge [sflag:s31], $0x2000  }
0x76: {  	[sflag:s31] =	ssyncset.done $0x0  }
0x77: {  	[sflag:s31] =	ssyncadd.s32 $0xFFFFE000  }
0x78: {  	_ =	swait.ge [sflag:s10], $0x400  }
0x79: {  	[sflag:s10] =	ssyncset.done $0x0  }
0x7a: {  	[sflag:s10] =	ssyncadd.s32 $0xFFFFFC00  }
0x7b: {  	_ =	swait.ge [sflag:s11], $0x2000  }
0x7c: {  	[sflag:s11] =	ssyncset.done $0x0  }
0x7d: {  	[sflag:s11] =	ssyncadd.s32 $0xFFFFE000  }
0x7e: {  	_ =	swait.ge [sflag:s12], $0x400  }
0x7f: {  	[sflag:s12] =	ssyncset.done $0x0  }
0x80: {  	[sflag:s12] =	ssyncadd.s32 $0xFFFFFC00  }
0x81: {  	_ =	swait.ge [sflag:s13], $0x2000  }
0x82: {  	[sflag:s13] =	ssyncset.done $0x0  }
0x83: {  	[sflag:s13] =	ssyncadd.s32 $0xFFFFE000  }
0x84: {  	_ =	swait.ge [sflag:s14], $0x400  }
0x85: {  	[sflag:s14] =	ssyncset.done $0x0  }
0x86: {  	[sflag:s14] =	ssyncadd.s32 $0xFFFFFC00  }
0x87: {  	_ =	swait.ge [sflag:s7], $0x2000  }
0x88: {  	[sflag:s7] =	ssyncset.done $0x0  }
0x89: {  	[sflag:s7] =	ssyncadd.s32 $0xFFFFE000  }
0x8a: {  	_ =	swait.ge [sflag:s8], $0x400  }
0x8b: {  	[sflag:s8] =	ssyncset.done $0x0  }
0x8c: {  	[sflag:s8] =	ssyncadd.s32 $0xFFFFFC00  }
0x8d: {  	_ =	swait.ge [sflag:s31], $0x2000  }
0x8e: {  	[sflag:s31] =	ssyncset.done $0x0  }
0x8f: {  	[sflag:s31] =	ssyncadd.s32 $0xFFFFE000  }
0x90: {  	_ =	swait.ge [sflag:s10], $0x400  }
0x91: {  	[sflag:s10] =	ssyncset.done $0x0  }
0x92: {  	[sflag:s10] =	ssyncadd.s32 $0xFFFFFC00  }
0x93: {  	_ =	swait.ge [sflag:s11], $0x2000  }
0x94: {  	[sflag:s11] =	ssyncset.done $0x0  }
0x95: {  	[sflag:s11] =	ssyncadd.s32 $0xFFFFE000  }
0x96: {  	_ =	swait.ge [sflag:s12], $0x400  }
0x97: {  	[sflag:s12] =	ssyncset.done $0x0  }
0x98: {  	[sflag:s12] =	ssyncadd.s32 $0xFFFFFC00  }
0x99: {  	_ =	swait.ge [sflag:s13], $0x2000  }
0x9a: {  	[sflag:s13] =	ssyncset.done $0x0  }
0x9b: {  	[sflag:s13] =	ssyncadd.s32 $0xFFFFE000  }
0x9c: {  	_ =	swait.ge [sflag:s14], $0x400  }
0x9d: {  	[sflag:s14] =	ssyncset.done $0x0  }
0x9e: {  	[sflag:s14] =	ssyncadd.s32 $0xFFFFFC00  }
0x9f: {  	_ =	swait.ge [sflag:s7], $0x2000  }
0xa0: {  	[sflag:s7] =	ssyncset.done $0x0  }
0xa1: {  	[sflag:s7] =	ssyncadd.s32 $0xFFFFE000  }
0xa2: {  	_ =	swait.ge [sflag:s8], $0x400  }
0xa3: {  	[sflag:s8] =	ssyncset.done $0x0  }
0xa4: {  	[sflag:s8] =	ssyncadd.s32 $0xFFFFFC00  }
0xa5: {  	_ =	swait.ge [sflag:s31], $0x2000  }
0xa6: {  	[sflag:s31] =	ssyncset.done $0x0  }
0xa7: {  	[sflag:s31] =	ssyncadd.s32 $0xFFFFE000  }
0xa8: {  	_ =	swait.ge [sflag:s10], $0x400  }
0xa9: {  	[sflag:s10] =	ssyncset.done $0x0  }
0xaa: {  	s30 =	rddreg [dreg:$0xc];
	[sflag:s10] =	ssyncadd.s32 $0xFFFFFC00  }
0xab: {  	[tilespmem:s1], [sflag:$0x11] =	stream.linear.gather [hbm4b:s30+s6], $0x400, $0x38;
	[tilespmem:$0x1F180] =	vst v63  }
0xac: {  	_ =	swait.ge [sflag:s9], $0x400  }
0xad: {  	[sflag:s9] =	ssyncset.done $0x0  }
0xae: {  	[sflag:s9] =	ssyncadd.s32 $0xFFFFFC00  }
0xaf: {  	[bflag:$0x0] =	sbarrier.arrive $0xFFFF  }
0xb0: {  	s16 =	sld [smem:$0x7FB];
	_ =	sdelay $0x1  }
0xb1: {  	s30 =	simm.s32 $0x16800;
	s23 =	sld [smem:$0x7F5]  }
0xb2: {  	[tilespmem:s30], [sflag:$0x1] =	stream.linear.gather [hbm4b:s16+s6], $0x40, $0x38;
	[tilespmem:$0x1F180] =	vst v63  }
0xb3: {  	s24 =	simm.s32 $0x16840;
	s16 =	sld [smem:$0x7F6]  }
0xb4: {  	[tilespmem:s24], [sflag:$0x2] =	stream.linear.gather [hbm4b:s23+s6], $0x40, $0x38;
	[tilespmem:$0x1F180] =	vst v63  }
0xb5: {  	s9 =	simm.s32 $0x16880;
	s23 =	sld [smem:$0x7F7]  }
0xb6: {  	[tilespmem:s9], [sflag:$0x3] =	stream.linear.gather [hbm4b:s16+s6], $0x40, $0x38;
	[tilespmem:$0x1F180] =	vst v63  }
0xb7: {  	s16 =	simm.s32 $0x168C0  }
0xb8: {  	[tilespmem:s16], [sflag:$0x4] =	stream.linear.gather [hbm4b:s23+s6], $0x40, $0x38;
	[tilespmem:$0x1F180] =	vst v63  }
0xb9: {  	_ =	swait.ge [sflag:s19], $0x40  }
0xba: {  	[sflag:s19] =	ssyncset.done $0x0  }
0xbb: {  	[sflag:s19] =	ssyncadd.s32 $0xFFFFFFC0  }
0xbc: {  	v4 =	vld [tilespmem:$0x16800];
	_ =	sdelay $0x1  }
0xbd: {  	v5 =	vld [tilespmem:$0x16810];
	_ =	sdelay $0x1  }
0xbe: {  	v6 =	vld [tilespmem:$0x16820]  }
0xbf: {  	v7 =	vshra.s32 v4, $0xE  }
0xc0: {  	v4 =	vand.u32 $0x3FFF, v4;
	[tilespmem:$0x16900] =	vst v7;
	v7 =	vld [tilespmem:$0x16830]  }
0xc1: {  	[tilespmem:$0x16A00] =	vst v4;
	v4 =	vshra.s32 v5, $0xE  }
0xc2: {  	[tilespmem:$0x16910] =	vst v4;
	v4 =	vand.u32 $0x3FFF, v5  }
0xc3: {  	[tilespmem:$0x16A10] =	vst v4;
	v4 =	vshra.s32 v6, $0xE  }
0xc4: {  	[tilespmem:$0x16920] =	vst v4;
	v4 =	vand.u32 $0x3FFF, v6  }
0xc5: {  	s24 =	sld [smem:$0x7F8];
	[tilespmem:$0x16A20] =	vst v4;
	v4 =	vshra.s32 v7, $0xE  }
0xc6: {  	[tilespmem:$0x16930] =	vst v4;
	v4 =	vand.u32 $0x3FFF, v7  }
0xc7: {  	[tilespmem:$0x16A30] =	vst v4  }
0xc8: {  	[tilespmem:s30], [sflag:$0x1] =	stream.linear.gather [hbm4b:s24+s6], $0x40, $0x38;
	[tilespmem:$0x1F180] =	vst v63  }
0xc9: {  	s24 =	simm.s32 $0x16B00  }
0xca: {  	[tilespmem:s24], [sflag:$0x5] =	stream.indirect.gather [hbm4b:s0+s20], $0x80, s18, s20, $0xb8;
	[tilespmem:$0x1F180] =	vst v63  }
0xcb: {  	_ =	swait.ge [sflag:s22], $0x40  }
0xcc: {  	[sflag:s22] =	ssyncset.done $0x0  }
0xcd: {  	[sflag:s22] =	ssyncadd.s32 $0xFFFFFFC0  }
0xce: {  	v4 =	vld [tilespmem:$0x16840];
	_ =	sdelay $0x1  }
0xcf: {  	v5 =	vld [tilespmem:$0x16850];
	_ =	sdelay $0x1  }
0xd0: {  	v6 =	vld [tilespmem:$0x16860]  }
0xd1: {  	v7 =	vshra.s32 v4, $0xE  }
0xd2: {  	v4 =	vand.u32 $0x3FFF, v4;
	[tilespmem:$0x16940] =	vst v7;
	v7 =	vld [tilespmem:$0x16870]  }
0xd3: {  	[tilespmem:$0x16A40] =	vst v4;
	v4 =	vshra.s32 v5, $0xE  }
0xd4: {  	[tilespmem:$0x16950] =	vst v4;
	v4 =	vand.u32 $0x3FFF, v5  }
0xd5: {  	[tilespmem:$0x16A50] =	vst v4;
	v4 =	vshra.s32 v6, $0xE  }
0xd6: {  	[tilespmem:$0x16960] =	vst v4;
	v4 =	vand.u32 $0x3FFF, v6  }
0xd7: {  	s18 =	sld [smem:$0x7F9];
	[tilespmem:$0x16A60] =	vst v4;
	v4 =	vshra.s32 v7, $0xE  }
0xd8: {  	[tilespmem:$0x16970] =	vst v4;
	v4 =	vand.u32 $0x3FFF, v7  }
0xd9: {  	s28 =	simm.s32 $0x16840;
	[tilespmem:$0x16A70] =	vst v4  }
0xda: {  	[tilespmem:s28], [sflag:$0x2] =	stream.linear.gather [hbm4b:s18+s6], $0x40, $0x38;
	[tilespmem:$0x1F180] =	vst v63  }
0xdb: {  	s23 =	simm.s32 $0x16940;
	s28 =	simm.s32 $0x18B00  }
0xdc: {  	[tilespmem:s28], [sflag:$0x6] =	stream.indirect.gather [hbm4b:s0+s20], $0x80, s23, s20, $0xb8;
	[tilespmem:$0x1F180] =	vst v63  }
0xdd: {  	_ =	swait.ge [sflag:s25], $0x40  }
0xde: {  	[sflag:s25] =	ssyncset.done $0x0  }
0xdf: {  	[sflag:s25] =	ssyncadd.s32 $0xFFFFFFC0  }
0xe0: {  	v4 =	vld [tilespmem:$0x16880];
	_ =	sdelay $0x1  }
0xe1: {  	v5 =	vld [tilespmem:$0x16890];
	_ =	sdelay $0x1  }
0xe2: {  	v6 =	vld [tilespmem:$0x168A0]  }
0xe3: {  	v7 =	vshra.s32 v4, $0xE  }
0xe4: {  	v4 =	vand.u32 $0x3FFF, v4;
	[tilespmem:$0x16980] =	vst v7;
	v7 =	vld [tilespmem:$0x168B0]  }
0xe5: {  	[tilespmem:$0x16A80] =	vst v4;
	v4 =	vshra.s32 v5, $0xE  }
0xe6: {  	[tilespmem:$0x16990] =	vst v4;
	v4 =	vand.u32 $0x3FFF, v5  }
0xe7: {  	[tilespmem:$0x16A90] =	vst v4;
	v4 =	vshra.s32 v6, $0xE  }
0xe8: {  	[tilespmem:$0x169A0] =	vst v4;
	v4 =	vand.u32 $0x3FFF, v6  }
0xe9: {  	s18 =	sld [smem:$0x7FA];
	[tilespmem:$0x16AA0] =	vst v4;
	v4 =	vshra.s32 v7, $0xE  }
0xea: {  	[tilespmem:$0x169B0] =	vst v4;
	v4 =	vand.u32 $0x3FFF, v7  }
0xeb: {  	[tilespmem:$0x16AB0] =	vst v4  }
0xec: {  	[tilespmem:s9], [sflag:$0x3] =	stream.linear.gather [hbm4b:s18+s6], $0x40, $0x38;
	[tilespmem:$0x1F180] =	vst v63  }
0xed: {  	s18 =	simm.s32 $0x16980;
	s9 =	simm.s32 $0x1AB00  }
0xee: {  	[tilespmem:s9], [sflag:$0x7] =	stream.indirect.gather [hbm4b:s0+s20], $0x80, s18, s20, $0xb8;
	[tilespmem:$0x1F180] =	vst v63  }
0xef: {  	_ =	swait.ge [sflag:s29], $0x40  }
0xf0: {  	[sflag:s29] =	ssyncset.done $0x0  }
0xf1: {  	[sflag:s29] =	ssyncadd.s32 $0xFFFFFFC0  }
0xf2: {  	v4 =	vld [tilespmem:$0x168C0];
	_ =	sdelay $0x1  }
0xf3: {  	v5 =	vld [tilespmem:$0x168D0];
	_ =	sdelay $0x1  }
0xf4: {  	v6 =	vld [tilespmem:$0x168E0]  }
0xf5: {  	v7 =	vshra.s32 v4, $0xE  }
0xf6: {  	v4 =	vand.u32 $0x3FFF, v4;
	[tilespmem:$0x169C0] =	vst v7;
	v7 =	vld [tilespmem:$0x168F0]  }
0xf7: {  	[tilespmem:$0x16AC0] =	vst v4;
	v4 =	vshra.s32 v5, $0xE  }
0xf8: {  	[tilespmem:$0x169D0] =	vst v4;
	v4 =	vand.u32 $0x3FFF, v5  }
0xf9: {  	[tilespmem:$0x16AD0] =	vst v4;
	v4 =	vshra.s32 v6, $0xE  }
0xfa: {  	[tilespmem:$0x169E0] =	vst v4;
	v4 =	vand.u32 $0x3FFF, v6  }
0xfb: {  	s18 =	sld [smem:$0x7FC];
	[tilespmem:$0x16AE0] =	vst v4;
	v4 =	vshra.s32 v7, $0xE  }
0xfc: {  	[tilespmem:$0x169F0] =	vst v4;
	v4 =	vand.u32 $0x3FFF, v7  }
0xfd: {  	[tilespmem:$0x16AF0] =	vst v4  }
0xfe: {  	[tilespmem:s16], [sflag:$0x4] =	stream.linear.gather [hbm4b:s18+s6], $0x40, $0x38;
	[tilespmem:$0x1F180] =	vst v63  }
0xff: {  	s18 =	simm.s32 $0x169C0;
	s16 =	simm.s32 $0x1CB00  }
0x100: {  	[tilespmem:s16], [sflag:$0x8] =	stream.indirect.gather [hbm4b:s0+s20], $0x80, s18, s20, $0xb8;
	[tilespmem:$0x1F180] =	vst v63  }
0x101: {  	_ =	swait.ge [sflag:s15], $0x2000  }
0x102: {  	[sflag:s15] =	ssyncset.done $0x0  }
0x103: {  	s3 =	simm.s32 $0x16A00;
	[sflag:s15] =	ssyncadd.s32 $0xFFFFE000  }
0x104: {  	[spmem:s4] =	stream.indirect.scatter.add.f32 [tilespmem:s24], [sflag:$0x9], $0x80, s3, s20, $0xb8;
	[tilespmem:$0x1F180] =	vst v63  }
0x105: {  	_ = 	snop  }
0x106: {  	[spmem:s5] =	stream.indirect.scatter.add.f32 [tilespmem:s1], [sflag:$0xD], $0x10, s3, s20, $0xb8;
	[tilespmem:$0x1F180] =	vst v63  }
0x107: {  	_ =	swait.ge [sflag:s17], $0x2000  }
0x108: {  	[sflag:s17] =	ssyncset.done $0x0  }
0x109: {  	s24 =	simm.s32 $0x16A40;
	[sflag:s17] =	ssyncadd.s32 $0xFFFFE000  }
0x10a: {  	[spmem:s4] =	stream.indirect.scatter.add.f32 [tilespmem:s28], [sflag:$0xA], $0x80, s24, s20, $0xb8;
	[tilespmem:$0x1F180] =	vst v63  }
0x10b: {  	_ = 	snop  }
0x10c: {  	[spmem:s5] =	stream.indirect.scatter.add.f32 [tilespmem:s1], [sflag:$0xE], $0x10, s24, s20, $0xb8;
	[tilespmem:$0x1F180] =	vst v63  }
0x10d: {  	_ =	swait.ge [sflag:s21], $0x2000  }
0x10e: {  	[sflag:s21] =	ssyncset.done $0x0  }
0x10f: {  	s24 =	simm.s32 $0x16A80;
	[sflag:s21] =	ssyncadd.s32 $0xFFFFE000  }
0x110: {  	[spmem:s4] =	stream.indirect.scatter.add.f32 [tilespmem:s9], [sflag:$0xB], $0x80, s24, s20, $0xb8;
	[tilespmem:$0x1F180] =	vst v63  }
0x111: {  	_ = 	snop  }
0x112: {  	[spmem:s5] =	stream.indirect.scatter.add.f32 [tilespmem:s1], [sflag:$0xF], $0x10, s24, s20, $0xb8;
	[tilespmem:$0x1F180] =	vst v63  }
0x113: {  	_ =	swait.ge [sflag:s26], $0x2000  }
0x114: {  	[sflag:s26] =	ssyncset.done $0x0  }
0x115: {  	s24 =	simm.s32 $0x16AC0;
	[sflag:s26] =	ssyncadd.s32 $0xFFFFE000  }
0x116: {  	[spmem:s4] =	stream.indirect.scatter.add.f32 [tilespmem:s16], [sflag:$0xC], $0x80, s24, s20, $0xb8;
	[tilespmem:$0x1F180] =	vst v63  }
0x117: {  	_ = 	snop  }
0x118: {  	[spmem:s5] =	stream.indirect.scatter.add.f32 [tilespmem:s1], [sflag:$0x10], $0x10, s24, s20, $0xb8;
	[tilespmem:$0x1F180] =	vst v63  }
0x119: {  	_ =	swait.ge [sflag:s7], $0x2000  }
0x11a: {  	[sflag:s7] =	ssyncset.done $0x0  }
0x11b: {  	[sflag:s7] =	ssyncadd.s32 $0xFFFFE000  }
0x11c: {  	_ =	swait.ge [sflag:s8], $0x400  }
0x11d: {  	[sflag:s8] =	ssyncset.done $0x0  }
0x11e: {  	[sflag:s8] =	ssyncadd.s32 $0xFFFFFC00  }
0x11f: {  	_ =	swait.ge [sflag:s19], $0x40  }
0x120: {  	[sflag:s19] =	ssyncset.done $0x0  }
0x121: {  	[sflag:s19] =	ssyncadd.s32 $0xFFFFFFC0  }
0x122: {  	v4 =	vld [tilespmem:$0x16810]  }
0x123: {  	v5 =	vld [tilespmem:$0x16800];
	_ =	sdelay $0x2  }
0x124: {  	v6 =	vld [tilespmem:$0x16830]  }
0x125: {  	v7 =	vshra.s32 v4, $0xE  }
0x126: {  	v8 =	vld [tilespmem:$0x16820];
	v9 =	vshra.s32 v5, $0xE;
	[tilespmem:$0x16910] =	vst v7  }
0x127: {  	v5 =	vand.u32 $0x3FFF, v5;
	[tilespmem:$0x16900] =	vst v9  }
0x128: {  	v4 =	vand.u32 $0x3FFF, v4;
	[tilespmem:$0x16A00] =	vst v5  }
0x129: {  	v5 =	vand.u32 $0x3FFF, v6;
	[tilespmem:$0x16A10] =	vst v4  }
0x12a: {  	s16 =	smin.u32 s6, $0x97;
	s3 =	rddreg [dreg:$0x6];
	v4 =	vshra.s32 v6, $0xE;
	[tilespmem:$0x16A30] =	vst v5  }
0x12b: {  	s9 =	sadd.s32 s16, s3;
	v5 =	vand.u32 $0x3FFF, v8;
	[tilespmem:$0x16930] =	vst v4  }
0x12c: {  	s9 =	sshll.u32 s9, $0x3;
	v4 =	vshra.s32 v8, $0xE;
	[tilespmem:$0x16A20] =	vst v5  }
0x12d: {  	s9 =	sadd.s32 s2, s9;
	[tilespmem:$0x16920] =	vst v4  }
0x12e: {  	[tilespmem:s30], [sflag:$0x1] =	stream.linear.gather [hbm4b:s9+s6], $0x40, $0x38;
	[tilespmem:$0x1F180] =	vst v63  }
0x12f: {  	s23 =	simm.s32 $0x16900;
	s18 =	simm.s32 $0x16B00  }
0x130: {  	[tilespmem:s18], [sflag:$0x5] =	stream.indirect.gather [hbm4b:s0+s20], $0x80, s23, s20, $0xb8;
	[tilespmem:$0x1F180] =	vst v63  }
0x131: {  	_ =	swait.ge [sflag:s31], $0x2000  }
0x132: {  	[sflag:s31] =	ssyncset.done $0x0  }
0x133: {  	[sflag:s31] =	ssyncadd.s32 $0xFFFFE000  }
0x134: {  	_ =	swait.ge [sflag:s10], $0x400  }
0x135: {  	[sflag:s10] =	ssyncset.done $0x0  }
0x136: {  	[sflag:s10] =	ssyncadd.s32 $0xFFFFFC00  }
0x137: {  	_ =	swait.ge [sflag:s22], $0x40  }
0x138: {  	[sflag:s22] =	ssyncset.done $0x0  }
0x139: {  	[sflag:s22] =	ssyncadd.s32 $0xFFFFFFC0  }
0x13a: {  	v4 =	vld [tilespmem:$0x16870]  }
0x13b: {  	v5 =	vld [tilespmem:$0x16860];
	_ =	sdelay $0x1  }
0x13c: {  	v6 =	vld [tilespmem:$0x16840];
	_ =	sdelay $0x1  }
0x13d: {  	v7 =	vshra.s32 v4, $0xE  }
0x13e: {  	v8 =	vld [tilespmem:$0x16850];
	v9 =	vshra.s32 v5, $0xE;
	[tilespmem:$0x16970] =	vst v7  }
0x13f: {  	v4 =	vand.u32 $0x3FFF, v4;
	[tilespmem:$0x16960] =	vst v9  }
0x140: {  	v7 =	vshra.s32 v6, $0xE;
	[tilespmem:$0x16A70] =	vst v4  }
0x141: {  	v6 =	vand.u32 $0x3FFF, v6;
	[tilespmem:$0x16940] =	vst v7  }
0x142: {  	s3 =	smin.u32 s6, $0x96;
	s30 =	rddreg [dreg:$0x7];
	v4 =	vand.u32 $0x3FFF, v5;
	[tilespmem:$0x16A40] =	vst v6  }
0x143: {  	s9 =	sadd.s32 s3, s30;
	v5 =	vand.u32 $0x3FFF, v8;
	[tilespmem:$0x16A60] =	vst v4  }
0x144: {  	s9 =	sshll.u32 s9, $0x3;
	v4 =	vshra.s32 v8, $0xE;
	[tilespmem:$0x16A50] =	vst v5  }
0x145: {  	s16 =	simm.s32 $0x16840;
	s9 =	sadd.s32 s2, s9;
	[tilespmem:$0x16950] =	vst v4  }
0x146: {  	[tilespmem:s16], [sflag:$0x2] =	stream.linear.gather [hbm4b:s9+s6], $0x40, $0x38;
	[tilespmem:$0x1F180] =	vst v63  }
0x147: {  	s18 =	simm.s32 $0x16940  }
0x148: {  	[tilespmem:s28], [sflag:$0x6] =	stream.indirect.gather [hbm4b:s0+s20], $0x80, s18, s20, $0xb8;
	[tilespmem:$0x1F180] =	vst v63  }
0x149: {  	_ =	swait.ge [sflag:s11], $0x2000  }
0x14a: {  	[sflag:s11] =	ssyncset.done $0x0  }
0x14b: {  	[sflag:s11] =	ssyncadd.s32 $0xFFFFE000  }
0x14c: {  	_ =	swait.ge [sflag:s12], $0x400  }
0x14d: {  	[sflag:s12] =	ssyncset.done $0x0  }
0x14e: {  	[sflag:s12] =	ssyncadd.s32 $0xFFFFFC00  }
0x14f: {  	_ =	swait.ge [sflag:s25], $0x40  }
0x150: {  	[sflag:s25] =	ssyncset.done $0x0  }
0x151: {  	[sflag:s25] =	ssyncadd.s32 $0xFFFFFFC0  }
0x152: {  	v4 =	vld [tilespmem:$0x168B0]  }
0x153: {  	v5 =	vld [tilespmem:$0x168A0]  }
0x154: {  	v7 =	vld [tilespmem:$0x16890]  }
0x155: {  	v9 =	vld [tilespmem:$0x16880];
	_ =	sdelay $0x1  }
0x156: {  	v6 =	vand.u32 $0x3FFF, v4  }
0x157: {  	s30 =	smin.u32 s6, $0x95;
	s24 =	rddreg [dreg:$0x8];
	v8 =	vshra.s32 v4, $0xE;
	[tilespmem:$0x16AB0] =	vst v6  }
0x158: {  	s23 =	simm.s32 $0x16940;
	s9 =	sadd.s32 s30, s24;
	v10 =	vshra.s32 v5, $0xE;
	v4 =	vand.u32 $0x3FFF, v7;
	v6 =	vshra.s32 v7, $0xE;
	[tilespmem:$0x169B0] =	vst v8  }
0x159: {  	s24 =	simm.s32 $0x4;
	s28 =	sshll.u32 s9, $0x3;
	s9 =	simm.s32 $0x0;
	v8 =	vand.u32 $0x3FFF, v5;
	v7 =	vshra.s32 v9, $0xE;
	v5 =	vand.u32 $0x3FFF, v9;
	[tilespmem:$0x169A0] =	vst v10  }
.LBB2_2:
0x15a: {  	[tilespmem:$0x16990] =	vst v6  }
0x15b: {  	[tilespmem:$0x16AA0] =	vst v8  }
0x15c: {  	[tilespmem:$0x16A90] =	vst v4  }
0x15d: {  	[tilespmem:$0x16980] =	vst v7  }
0x15e: {  	[tilespmem:$0x16A80] =	vst v5;
	s28 =	sadd.s32 s2, s28;
	s16 =	simm.s32 $0x16880  }
0x15f: {  	[tilespmem:s16], [sflag:$0x3] =	stream.linear.gather [hbm4b:s28+s6], $0x40, $0x38;
	[tilespmem:$0x1F180] =	vst v63  }
0x160: {  	s30 =	simm.s32 $0x16980;
	s18 =	simm.s32 $0x1AB00  }
0x161: {  	[tilespmem:s18], [sflag:$0x7] =	stream.indirect.gather [hbm4b:s0+s20], $0x80, s30, s20, $0xb8;
	[tilespmem:$0x1F180] =	vst v63  }
0x162: {  	_ =	swait.ge [sflag:s13], $0x2000  }
0x163: {  	[sflag:s13] =	ssyncset.done $0x0  }
0x164: {  	[sflag:s13] =	ssyncadd.s32 $0xFFFFE000  }
0x165: {  	_ =	swait.ge [sflag:s14], $0x400  }
0x166: {  	[sflag:s14] =	ssyncset.done $0x0  }
0x167: {  	[sflag:s14] =	ssyncadd.s32 $0xFFFFFC00  }
0x168: {  	_ =	swait.ge [sflag:s29], $0x40  }
0x169: {  	[sflag:s29] =	ssyncset.done $0x0  }
0x16a: {  	[sflag:s29] =	ssyncadd.s32 $0xFFFFFFC0  }
0x16b: {  	v4 =	vld [tilespmem:$0x168C0];
	_ =	sdelay $0x1  }
0x16c: {  	v5 =	vld [tilespmem:$0x168D0];
	_ =	sdelay $0x1  }
0x16d: {  	v6 =	vld [tilespmem:$0x168E0]  }
0x16e: {  	v8 =	vshra.s32 v4, $0xE  }
0x16f: {  	v7 =	vld [tilespmem:$0x168F0];
	v4 =	vand.u32 $0x3FFF, v4;
	[tilespmem:$0x169C0] =	vst v8  }
0x170: {  	v8 =	vshra.s32 v5, $0xE;
	[tilespmem:$0x16AC0] =	vst v4  }
0x171: {  	v5 =	vand.u32 $0x3FFF, v5;
	[tilespmem:$0x169D0] =	vst v8  }
0x172: {  	v8 =	vshra.s32 v6, $0xE;
	[tilespmem:$0x16AD0] =	vst v5  }
0x173: {  	s30 =	smin.u32 s9, $0x94;
	s28 =	rddreg [dreg:$0x9];
	v6 =	vand.u32 $0x3FFF, v6;
	[tilespmem:$0x169E0] =	vst v8  }
0x174: {  	s3 =	smov.u32 s24;
	s16 =	sadd.s32 s30, s28;
	v8 =	vshra.s32 v7, $0xE;
	[tilespmem:$0x16AE0] =	vst v6  }
0x175: {  	s9 =	smov.u32 s3;
	s3 =	sshll.u32 s16, $0x3;
	v7 =	vand.u32 $0x3FFF, v7;
	[tilespmem:$0x169F0] =	vst v8  }
0x176: {  	s30 =	simm.s32 $0x168C0;
	s3 =	sadd.s32 s2, s3;
	[tilespmem:$0x16AF0] =	vst v7  }
0x177: {  	[tilespmem:s30], [sflag:$0x4] =	stream.linear.gather [hbm4b:s3+s6], $0x40, $0x38;
	[tilespmem:$0x1F180] =	vst v63  }
0x178: {  	s16 =	simm.s32 $0x1CB00;
	s30 =	simm.s32 $0x169C0  }
0x179: {  	[tilespmem:s16], [sflag:$0x8] =	stream.indirect.gather [hbm4b:s0+s20], $0x80, s30, s20, $0xb8;
	[tilespmem:$0x1F180] =	vst v63  }
0x17a: {  	_ =	swait.ge [sflag:s15], $0x2000  }
0x17b: {  	[sflag:s15] =	ssyncset.done $0x0  }
0x17c: {  	s28 =	simm.s32 $0x16B00;
	s30 =	simm.s32 $0x16A00;
	[sflag:s15] =	ssyncadd.s32 $0xFFFFE000  }
0x17d: {  	[spmem:s4] =	stream.indirect.scatter.add.f32 [tilespmem:s28], [sflag:$0x9], $0x80, s30, s20, $0xb8;
	[tilespmem:$0x1F180] =	vst v63  }
0x17e: {  	_ = 	snop  }
0x17f: {  	[spmem:s5] =	stream.indirect.scatter.add.f32 [tilespmem:s1], [sflag:$0xD], $0x10, s30, s20, $0xb8;
	[tilespmem:$0x1F180] =	vst v63  }
0x180: {  	_ =	swait.ge [sflag:s17], $0x2000  }
0x181: {  	[sflag:s17] =	ssyncset.done $0x0  }
0x182: {  	s3 =	simm.s32 $0x16A40;
	s30 =	simm.s32 $0x18B00;
	[sflag:s17] =	ssyncadd.s32 $0xFFFFE000  }
0x183: {  	[spmem:s4] =	stream.indirect.scatter.add.f32 [tilespmem:s30], [sflag:$0xA], $0x80, s3, s20, $0xb8;
	[tilespmem:$0x1F180] =	vst v63  }
0x184: {  	_ = 	snop  }
0x185: {  	[spmem:s5] =	stream.indirect.scatter.add.f32 [tilespmem:s1], [sflag:$0xE], $0x10, s3, s20, $0xb8;
	[tilespmem:$0x1F180] =	vst v63  }
0x186: {  	_ =	swait.ge [sflag:s21], $0x2000  }
0x187: {  	[sflag:s21] =	ssyncset.done $0x0  }
0x188: {  	s3 =	simm.s32 $0x16A80;
	[sflag:s21] =	ssyncadd.s32 $0xFFFFE000  }
0x189: {  	[spmem:s4] =	stream.indirect.scatter.add.f32 [tilespmem:s18], [sflag:$0xB], $0x80, s3, s20, $0xb8;
	[tilespmem:$0x1F180] =	vst v63  }
0x18a: {  	_ = 	snop  }
0x18b: {  	[spmem:s5] =	stream.indirect.scatter.add.f32 [tilespmem:s1], [sflag:$0xF], $0x10, s3, s20, $0xb8;
	[tilespmem:$0x1F180] =	vst v63  }
0x18c: {  	_ =	swait.ge [sflag:s26], $0x2000  }
0x18d: {  	[sflag:s26] =	ssyncset.done $0x0  }
0x18e: {  	s18 =	simm.s32 $0x16AC0;
	[sflag:s26] =	ssyncadd.s32 $0xFFFFE000  }
0x18f: {  	[spmem:s4] =	stream.indirect.scatter.add.f32 [tilespmem:s16], [sflag:$0xC], $0x80, s18, s20, $0xb8;
	[tilespmem:$0x1F180] =	vst v63  }
0x190: {  	_ = 	snop  }
0x191: {  	[spmem:s5] =	stream.indirect.scatter.add.f32 [tilespmem:s1], [sflag:$0x10], $0x10, s18, s20, $0xb8;
	[tilespmem:$0x1F180] =	vst v63  }
0x192: {  	_ =	swait.ge [sflag:s7], $0x2000  }
0x193: {  	[sflag:s7] =	ssyncset.done $0x0  }
0x194: {  	[sflag:s7] =	ssyncadd.s32 $0xFFFFE000  }
0x195: {  	_ =	swait.ge [sflag:s8], $0x400  }
0x196: {  	[sflag:s8] =	ssyncset.done $0x0  }
0x197: {  	[sflag:s8] =	ssyncadd.s32 $0xFFFFFC00  }
0x198: {  	_ =	swait.ge [sflag:s19], $0x40  }
0x199: {  	[sflag:s19] =	ssyncset.done $0x0  }
0x19a: {  	[sflag:s19] =	ssyncadd.s32 $0xFFFFFFC0  }
0x19b: {  	v4 =	vld [tilespmem:$0x16810]  }
0x19c: {  	v5 =	vld [tilespmem:$0x16800];
	_ =	sdelay $0x2  }
0x19d: {  	v6 =	vld [tilespmem:$0x16830]  }
0x19e: {  	v8 =	vshra.s32 v4, $0xE  }
0x19f: {  	v7 =	vld [tilespmem:$0x16820];
	v9 =	vshra.s32 v5, $0xE;
	[tilespmem:$0x16910] =	vst v8  }
0x1a0: {  	v5 =	vand.u32 $0x3FFF, v5;
	[tilespmem:$0x16900] =	vst v9  }
0x1a1: {  	v4 =	vand.u32 $0x3FFF, v4;
	[tilespmem:$0x16A00] =	vst v5  }
0x1a2: {  	v5 =	vand.u32 $0x3FFF, v6;
	[tilespmem:$0x16A10] =	vst v4  }
0x1a3: {  	s18 =	smin.u32 s9, $0x97;
	s16 =	rddreg [dreg:$0x6];
	v8 =	vshra.s32 v6, $0xE;
	[tilespmem:$0x16A30] =	vst v5  }
0x1a4: {  	s3 =	sadd.s32 s18, s16;
	v6 =	vand.u32 $0x3FFF, v7;
	[tilespmem:$0x16930] =	vst v8  }
0x1a5: {  	s3 =	sshll.u32 s3, $0x3;
	v4 =	vshra.s32 v7, $0xE;
	[tilespmem:$0x16A20] =	vst v6  }
0x1a6: {  	s18 =	simm.s32 $0x16800;
	s3 =	sadd.s32 s2, s3;
	[tilespmem:$0x16920] =	vst v4  }
0x1a7: {  	[tilespmem:s18], [sflag:$0x1] =	stream.linear.gather [hbm4b:s3+s6], $0x40, $0x38;
	[tilespmem:$0x1F180] =	vst v63  }
0x1a8: {  	s18 =	simm.s32 $0x16900  }
0x1a9: {  	[tilespmem:s28], [sflag:$0x5] =	stream.indirect.gather [hbm4b:s0+s20], $0x80, s18, s20, $0xb8;
	[tilespmem:$0x1F180] =	vst v63  }
0x1aa: {  	_ =	swait.ge [sflag:s31], $0x2000  }
0x1ab: {  	[sflag:s31] =	ssyncset.done $0x0  }
0x1ac: {  	[sflag:s31] =	ssyncadd.s32 $0xFFFFE000  }
0x1ad: {  	_ =	swait.ge [sflag:s10], $0x400  }
0x1ae: {  	[sflag:s10] =	ssyncset.done $0x0  }
0x1af: {  	[sflag:s10] =	ssyncadd.s32 $0xFFFFFC00  }
0x1b0: {  	_ =	swait.ge [sflag:s22], $0x40  }
0x1b1: {  	[sflag:s22] =	ssyncset.done $0x0  }
0x1b2: {  	[sflag:s22] =	ssyncadd.s32 $0xFFFFFFC0  }
0x1b3: {  	v4 =	vld [tilespmem:$0x16870]  }
0x1b4: {  	v5 =	vld [tilespmem:$0x16860];
	_ =	sdelay $0x2  }
0x1b5: {  	v6 =	vld [tilespmem:$0x16840]  }
0x1b6: {  	v7 =	vshra.s32 v4, $0xE  }
0x1b7: {  	v8 =	vld [tilespmem:$0x16850];
	v9 =	vshra.s32 v5, $0xE;
	[tilespmem:$0x16970] =	vst v7  }
0x1b8: {  	v4 =	vand.u32 $0x3FFF, v4;
	[tilespmem:$0x16960] =	vst v9  }
0x1b9: {  	v5 =	vand.u32 $0x3FFF, v5;
	[tilespmem:$0x16A70] =	vst v4  }
0x1ba: {  	v7 =	vshra.s32 v6, $0xE;
	[tilespmem:$0x16A60] =	vst v5  }
0x1bb: {  	s18 =	smin.u32 s9, $0x96;
	s16 =	rddreg [dreg:$0x7];
	v6 =	vand.u32 $0x3FFF, v6;
	[tilespmem:$0x16940] =	vst v7  }
0x1bc: {  	s3 =	sadd.s32 s18, s16;
	v4 =	vshra.s32 v8, $0xE;
	[tilespmem:$0x16A40] =	vst v6  }
0x1bd: {  	s3 =	sshll.u32 s3, $0x3;
	v6 =	vand.u32 $0x3FFF, v8;
	[tilespmem:$0x16950] =	vst v4  }
0x1be: {  	s18 =	simm.s32 $0x16840;
	s3 =	sadd.s32 s2, s3;
	[tilespmem:$0x16A50] =	vst v6  }
0x1bf: {  	[tilespmem:s18], [sflag:$0x2] =	stream.linear.gather [hbm4b:s3+s6], $0x40, $0x38;
	[tilespmem:$0x1F180] =	vst v63  }
0x1c0: {  	_ = 	snop  }
0x1c1: {  	[tilespmem:s30], [sflag:$0x6] =	stream.indirect.gather [hbm4b:s0+s20], $0x80, s23, s20, $0xb8;
	[tilespmem:$0x1F180] =	vst v63  }
0x1c2: {  	_ =	swait.ge [sflag:s11], $0x2000  }
0x1c3: {  	[sflag:s11] =	ssyncset.done $0x0  }
0x1c4: {  	[sflag:s11] =	ssyncadd.s32 $0xFFFFE000  }
0x1c5: {  	_ =	swait.ge [sflag:s12], $0x400  }
0x1c6: {  	[sflag:s12] =	ssyncset.done $0x0  }
0x1c7: {  	[sflag:s12] =	ssyncadd.s32 $0xFFFFFC00  }
0x1c8: {  	_ =	swait.ge [sflag:s25], $0x40  }
0x1c9: {  	[sflag:s25] =	ssyncset.done $0x0  }
0x1ca: {  	[sflag:s25] =	ssyncadd.s32 $0xFFFFFFC0  }
0x1cb: {  	v4 =	vld [tilespmem:$0x168B0]  }
0x1cc: {  	v5 =	vld [tilespmem:$0x168A0]  }
0x1cd: {  	v7 =	vld [tilespmem:$0x16890]  }
0x1ce: {  	p0 =	sne.s32 s24, $0x98;
	v9 =	vld [tilespmem:$0x16880]  }
.Ltmp0:
0x1cf: {  	_ = 	snop;
	(pc) =	sbr.rel @p0 .LBB2_2-.Ltmp0, $4  }
0x1d0: {  	v6 =	vand.u32 $0x3FFF, v4  }
0x1d1: {  	s30 =	smin.u32 s9, $0x95;
	s18 =	rddreg [dreg:$0x8];
	v11 =	vshra.s32 v4, $0xE;
	[tilespmem:$0x16AB0] =	vst v6  }
0x1d2: {  	s3 =	sadd.s32 s30, s18;
	v10 =	vshra.s32 v5, $0xE;
	v4 =	vand.u32 $0x3FFF, v7;
	v8 =	vand.u32 $0x3FFF, v5;
	[tilespmem:$0x169B0] =	vst v11  }
0x1d3: {  	s24 =	sadd.s32 $0x4, s24;
	s28 =	sshll.u32 s3, $0x3;
	v5 =	vand.u32 $0x3FFF, v9;
	v6 =	vshra.s32 v7, $0xE;
	v7 =	vshra.s32 v9, $0xE;
	[tilespmem:$0x169A0] =	vst v10  }
0x1d4: {  	[tilespmem:$0x16990] =	vst v6  }
0x1d5: {  	[tilespmem:$0x16AA0] =	vst v8  }
0x1d6: {  	[tilespmem:$0x16A90] =	vst v4  }
0x1d7: {  	[tilespmem:$0x16980] =	vst v7  }
0x1d8: {  	[tilespmem:$0x16A80] =	vst v5;
	s3 =	sadd.s32 s2, s28;
	s16 =	simm.s32 $0x16880  }
0x1d9: {  	[tilespmem:s16], [sflag:$0x3] =	stream.linear.gather [hbm4b:s3+s6], $0x40, $0x38;
	[tilespmem:$0x1F180] =	vst v63  }
0x1da: {  	s23 =	simm.s32 $0x1AB00;
	s16 =	simm.s32 $0x16980  }
0x1db: {  	[tilespmem:s23], [sflag:$0x7] =	stream.indirect.gather [hbm4b:s0+s20], $0x80, s16, s20, $0xb8;
	[tilespmem:$0x1F180] =	vst v63  }
0x1dc: {  	_ =	swait.ge [sflag:s13], $0x2000  }
0x1dd: {  	[sflag:s13] =	ssyncset.done $0x0  }
0x1de: {  	[sflag:s13] =	ssyncadd.s32 $0xFFFFE000  }
0x1df: {  	_ =	swait.ge [sflag:s14], $0x400  }
0x1e0: {  	[sflag:s14] =	ssyncset.done $0x0  }
0x1e1: {  	[sflag:s14] =	ssyncadd.s32 $0xFFFFFC00  }
0x1e2: {  	_ =	swait.ge [sflag:s29], $0x40  }
0x1e3: {  	[sflag:s29] =	ssyncset.done $0x0  }
0x1e4: {  	[sflag:s29] =	ssyncadd.s32 $0xFFFFFFC0  }
0x1e5: {  	v4 =	vld [tilespmem:$0x168C0]  }
0x1e6: {  	v5 =	vld [tilespmem:$0x168D0]  }
0x1e7: {  	v58 =	vld [tilespmem:$0x168E0]  }
0x1e8: {  	v59 =	vld [tilespmem:$0x168F0];
	_ =	sdelay $0x1  }
0x1e9: {  	v60 =	vshra.s32 v4, $0xE  }
0x1ea: {  	v61 =	vshra.s32 v5, $0xE;
	[tilespmem:$0x169C0] =	vst v60  }
0x1eb: {  	v62 =	vshra.s32 v58, $0xE;
	[tilespmem:$0x169D0] =	vst v61  }
0x1ec: {  	v63 =	vshra.s32 v59, $0xE;
	[tilespmem:$0x169E0] =	vst v62  }
0x1ed: {  	v6 =	vand.u32 $0x3FFF, v58;
	[tilespmem:$0x169F0] =	vst v63  }
0x1ee: {  	s9 =	smin.u32 s9, $0x94;
	s18 =	rddreg [dreg:$0x9];
	v7 =	vand.u32 $0x3FFF, v59;
	[tilespmem:$0x16AE0] =	vst v6  }
0x1ef: {  	s3 =	sadd.s32 s9, s18;
	v5 =	vand.u32 $0x3FFF, v5;
	[tilespmem:$0x16AF0] =	vst v7  }
0x1f0: {  	s3 =	sshll.u32 s3, $0x3;
	v4 =	vand.u32 $0x3FFF, v4;
	[tilespmem:$0x16AD0] =	vst v5  }
0x1f1: {  	s24 =	simm.s32 $0x168C0;
	s3 =	sadd.s32 s2, s3;
	[tilespmem:$0x16AC0] =	vst v4  }
0x1f2: {  	[tilespmem:s24], [sflag:$0x4] =	stream.linear.gather [hbm4b:s3+s6], $0x40, $0x38;
	[tilespmem:$0x1F180] =	vst v63  }
0x1f3: {  	s16 =	simm.s32 $0x169C0;
	s24 =	simm.s32 $0x1CB00  }
0x1f4: {  	[tilespmem:s24], [sflag:$0x8] =	stream.indirect.gather [hbm4b:s0+s20], $0x80, s16, s20, $0xb8;
	[tilespmem:$0x1F180] =	vst v63  }
0x1f5: {  	_ =	swait.ge [sflag:s15], $0x2000  }
0x1f6: {  	[sflag:s15] =	ssyncset.done $0x0  }
0x1f7: {  	s18 =	simm.s32 $0x16A00;
	s16 =	simm.s32 $0x16B00;
	[sflag:s15] =	ssyncadd.s32 $0xFFFFE000  }
0x1f8: {  	[spmem:s4] =	stream.indirect.scatter.add.f32 [tilespmem:s16], [sflag:$0x9], $0x80, s18, s20, $0xb8;
	[tilespmem:$0x1F180] =	vst v63  }
0x1f9: {  	_ = 	snop  }
0x1fa: {  	[spmem:s5] =	stream.indirect.scatter.add.f32 [tilespmem:s1], [sflag:$0xD], $0x10, s18, s20, $0xb8;
	[tilespmem:$0x1F180] =	vst v63  }
0x1fb: {  	_ =	swait.ge [sflag:s17], $0x2000  }
0x1fc: {  	[sflag:s17] =	ssyncset.done $0x0  }
0x1fd: {  	s9 =	simm.s32 $0x16A40;
	s18 =	simm.s32 $0x18B00;
	[sflag:s17] =	ssyncadd.s32 $0xFFFFE000  }
0x1fe: {  	[spmem:s4] =	stream.indirect.scatter.add.f32 [tilespmem:s18], [sflag:$0xA], $0x80, s9, s20, $0xb8;
	[tilespmem:$0x1F180] =	vst v63  }
0x1ff: {  	_ = 	snop  }
0x200: {  	[spmem:s5] =	stream.indirect.scatter.add.f32 [tilespmem:s1], [sflag:$0xE], $0x10, s9, s20, $0xb8;
	[tilespmem:$0x1F180] =	vst v63  }
0x201: {  	_ =	swait.ge [sflag:s21], $0x2000  }
0x202: {  	[sflag:s21] =	ssyncset.done $0x0  }
0x203: {  	s9 =	simm.s32 $0x16A80;
	[sflag:s21] =	ssyncadd.s32 $0xFFFFE000  }
0x204: {  	[spmem:s4] =	stream.indirect.scatter.add.f32 [tilespmem:s23], [sflag:$0xB], $0x80, s9, s20, $0xb8;
	[tilespmem:$0x1F180] =	vst v63  }
0x205: {  	_ = 	snop  }
0x206: {  	[spmem:s5] =	stream.indirect.scatter.add.f32 [tilespmem:s1], [sflag:$0xF], $0x10, s9, s20, $0xb8;
	[tilespmem:$0x1F180] =	vst v63  }
0x207: {  	_ =	swait.ge [sflag:s26], $0x2000  }
0x208: {  	[sflag:s26] =	ssyncset.done $0x0  }
0x209: {  	s9 =	simm.s32 $0x16AC0;
	[sflag:s26] =	ssyncadd.s32 $0xFFFFE000  }
0x20a: {  	[spmem:s4] =	stream.indirect.scatter.add.f32 [tilespmem:s24], [sflag:$0xC], $0x80, s9, s20, $0xb8;
	[tilespmem:$0x1F180] =	vst v63  }
0x20b: {  	_ = 	snop  }
0x20c: {  	[spmem:s5] =	stream.indirect.scatter.add.f32 [tilespmem:s1], [sflag:$0x10], $0x10, s9, s20, $0xb8;
	[tilespmem:$0x1F180] =	vst v63  }
0x20d: {  	_ =	swait.ge [sflag:s7], $0x2000  }
0x20e: {  	[sflag:s7] =	ssyncset.done $0x0  }
0x20f: {  	[sflag:s7] =	ssyncadd.s32 $0xFFFFE000  }
0x210: {  	_ =	swait.ge [sflag:s8], $0x400  }
0x211: {  	[sflag:s8] =	ssyncset.done $0x0  }
0x212: {  	[sflag:s8] =	ssyncadd.s32 $0xFFFFFC00  }
0x213: {  	_ =	swait.ge [sflag:s19], $0x40  }
0x214: {  	[sflag:s19] =	ssyncset.done $0x0  }
0x215: {  	[sflag:s19] =	ssyncadd.s32 $0xFFFFFFC0  }
0x216: {  	_ =	swait.ge [sflag:s31], $0x2000  }
0x217: {  	[sflag:s31] =	ssyncset.done $0x0  }
0x218: {  	[sflag:s31] =	ssyncadd.s32 $0xFFFFE000  }
0x219: {  	_ =	swait.ge [sflag:s10], $0x400  }
0x21a: {  	[sflag:s10] =	ssyncset.done $0x0  }
0x21b: {  	[sflag:s10] =	ssyncadd.s32 $0xFFFFFC00  }
0x21c: {  	_ =	swait.ge [sflag:s22], $0x40  }
0x21d: {  	[sflag:s22] =	ssyncset.done $0x0  }
0x21e: {  	[sflag:s22] =	ssyncadd.s32 $0xFFFFFFC0  }
0x21f: {  	_ =	swait.ge [sflag:s11], $0x2000  }
0x220: {  	[sflag:s11] =	ssyncset.done $0x0  }
0x221: {  	[sflag:s11] =	ssyncadd.s32 $0xFFFFE000  }
0x222: {  	_ =	swait.ge [sflag:s12], $0x400  }
0x223: {  	[sflag:s12] =	ssyncset.done $0x0  }
0x224: {  	[sflag:s12] =	ssyncadd.s32 $0xFFFFFC00  }
0x225: {  	_ =	swait.ge [sflag:s25], $0x40  }
0x226: {  	[sflag:s25] =	ssyncset.done $0x0  }
0x227: {  	[sflag:s25] =	ssyncadd.s32 $0xFFFFFFC0  }
0x228: {  	_ =	swait.ge [sflag:s13], $0x2000  }
0x229: {  	[sflag:s13] =	ssyncset.done $0x0  }
0x22a: {  	[sflag:s13] =	ssyncadd.s32 $0xFFFFE000  }
0x22b: {  	_ =	swait.ge [sflag:s14], $0x400  }
0x22c: {  	[sflag:s14] =	ssyncset.done $0x0  }
0x22d: {  	[sflag:s14] =	ssyncadd.s32 $0xFFFFFC00  }
0x22e: {  	_ =	swait.ge [sflag:s29], $0x40  }
0x22f: {  	[sflag:s29] =	ssyncset.done $0x0  }
0x230: {  	[sflag:s29] =	ssyncadd.s32 $0xFFFFFFC0  }
0x231: {  	[bflag:$0x0] =	sbarrier.arrive $0xFFFF  }
0x232: {  	s9 =	rddreg [dreg:$0xd]  }
0x233: {  	[tilespmem:s16], [sflag:$0x11] =	stream.linear.gather [spmem:s9], $0x2000, $0x38;
	[tilespmem:$0x1F180] =	vst v63  }
0x234: {  	s9 =	simm.s32 $0x11  }
0x235: {  	_ =	swait.ge [sflag:s9], $0x2000  }
0x236: {  	s3 =	sld [smem:$0x7E9]  }
0x237: {  	[sflag:s9] =	ssyncset.done $0x0  }
0x238: {  	[sflag:s9] =	ssyncadd.s32 $0xFFFFE000  }
0x239: {  	[hbm4b:s3+s6] =	stream.linear.scatter [tilespmem:s16], [sflag:$0x9], $0x2000, $0x38;
	[tilespmem:$0x1F180] =	vst v63  }
0x23a: {  	s3 =	rddreg [dreg:$0xe]  }
0x23b: {  	[tilespmem:s1], [sflag:$0x11] =	stream.linear.gather [spmem:s3], $0x400, $0x38;
	[tilespmem:$0x1F180] =	vst v63  }
0x23c: {  	_ =	swait.ge [sflag:s9], $0x400  }
0x23d: {  	[sflag:s9] =	ssyncset.done $0x0  }
0x23e: {  	[sflag:s9] =	ssyncadd.s32 $0xFFFFFC00  }
0x23f: {  	v4 =	vld.idx.msk [tilespmem:v0+s1+$0x0], $0xffff;
	_ =	sdelay $0x4  }
0x240: {  	[tilespmem:$0x1EF00] =	vst v4  }
0x241: {  	v4 =	vld.idx.msk [tilespmem:v1+s1+$0x0], $0xffff;
	_ =	sdelay $0x4  }
0x242: {  	[tilespmem:$0x1EF10] =	vst v4  }
0x243: {  	v4 =	vld.idx.msk [tilespmem:v2+s1+$0x0], $0xffff;
	_ =	sdelay $0x4  }
0x244: {  	[tilespmem:$0x1EF20] =	vst v4  }
0x245: {  	v4 =	vld.idx.msk [tilespmem:v3+s1+$0x0], $0xffff;
	_ =	sdelay $0x4  }
0x246: {  	s3 =	rddreg [dreg:$0xf];
	[tilespmem:$0x1EF30] =	vst v4  }
0x247: {  	[tilespmem:s18], [sflag:$0x11] =	stream.linear.gather [spmem:s3], $0x2000, $0x38;
	[tilespmem:$0x1F180] =	vst v63  }
0x248: {  	_ =	swait.ge [sflag:s9], $0x2000  }
0x249: {  	s3 =	sld [smem:$0x7EA]  }
0x24a: {  	[sflag:s9] =	ssyncset.done $0x0  }
0x24b: {  	[sflag:s9] =	ssyncadd.s32 $0xFFFFE000  }
0x24c: {  	[hbm4b:s3+s6] =	stream.linear.scatter [tilespmem:s18], [sflag:$0xA], $0x2000, $0x38;
	[tilespmem:$0x1F180] =	vst v63  }
0x24d: {  	s3 =	rddreg [dreg:$0x10]  }
0x24e: {  	[tilespmem:s1], [sflag:$0x11] =	stream.linear.gather [spmem:s3], $0x400, $0x38;
	[tilespmem:$0x1F180] =	vst v63  }
0x24f: {  	_ =	swait.ge [sflag:s9], $0x400  }
0x250: {  	[sflag:s9] =	ssyncset.done $0x0  }
0x251: {  	[sflag:s9] =	ssyncadd.s32 $0xFFFFFC00  }
0x252: {  	v4 =	vld.idx.msk [tilespmem:v0+s1+$0x0], $0xffff;
	_ =	sdelay $0x4  }
0x253: {  	[tilespmem:$0x1EF40] =	vst v4  }
0x254: {  	v4 =	vld.idx.msk [tilespmem:v1+s1+$0x0], $0xffff;
	_ =	sdelay $0x4  }
0x255: {  	[tilespmem:$0x1EF50] =	vst v4  }
0x256: {  	v4 =	vld.idx.msk [tilespmem:v2+s1+$0x0], $0xffff;
	_ =	sdelay $0x4  }
0x257: {  	[tilespmem:$0x1EF60] =	vst v4  }
0x258: {  	v4 =	vld.idx.msk [tilespmem:v3+s1+$0x0], $0xffff;
	_ =	sdelay $0x4  }
0x259: {  	s3 =	rddreg [dreg:$0x11];
	[tilespmem:$0x1EF70] =	vst v4  }
0x25a: {  	[tilespmem:s23], [sflag:$0x11] =	stream.linear.gather [spmem:s3], $0x2000, $0x38;
	[tilespmem:$0x1F180] =	vst v63  }
0x25b: {  	_ =	swait.ge [sflag:s9], $0x2000  }
0x25c: {  	s3 =	sld [smem:$0x7EB]  }
0x25d: {  	[sflag:s9] =	ssyncset.done $0x0  }
0x25e: {  	[sflag:s9] =	ssyncadd.s32 $0xFFFFE000  }
0x25f: {  	[hbm4b:s3+s6] =	stream.linear.scatter [tilespmem:s23], [sflag:$0xB], $0x2000, $0x38;
	[tilespmem:$0x1F180] =	vst v63  }
0x260: {  	s3 =	rddreg [dreg:$0x12]  }
0x261: {  	[tilespmem:s1], [sflag:$0x11] =	stream.linear.gather [spmem:s3], $0x400, $0x38;
	[tilespmem:$0x1F180] =	vst v63  }
0x262: {  	_ =	swait.ge [sflag:s9], $0x400  }
0x263: {  	[sflag:s9] =	ssyncset.done $0x0  }
0x264: {  	[sflag:s9] =	ssyncadd.s32 $0xFFFFFC00  }
0x265: {  	v4 =	vld.idx.msk [tilespmem:v0+s1+$0x0], $0xffff;
	_ =	sdelay $0x4  }
0x266: {  	[tilespmem:$0x1EF80] =	vst v4  }
0x267: {  	v4 =	vld.idx.msk [tilespmem:v1+s1+$0x0], $0xffff;
	_ =	sdelay $0x4  }
0x268: {  	[tilespmem:$0x1EF90] =	vst v4  }
0x269: {  	v4 =	vld.idx.msk [tilespmem:v2+s1+$0x0], $0xffff;
	_ =	sdelay $0x4  }
0x26a: {  	[tilespmem:$0x1EFA0] =	vst v4  }
0x26b: {  	v4 =	vld.idx.msk [tilespmem:v3+s1+$0x0], $0xffff;
	_ =	sdelay $0x4  }
0x26c: {  	s3 =	rddreg [dreg:$0x13];
	[tilespmem:$0x1EFB0] =	vst v4  }
0x26d: {  	[tilespmem:s24], [sflag:$0x11] =	stream.linear.gather [spmem:s3], $0x2000, $0x38;
	[tilespmem:$0x1F180] =	vst v63  }
0x26e: {  	_ =	swait.ge [sflag:s9], $0x2000  }
0x26f: {  	s3 =	sld [smem:$0x7EC]  }
0x270: {  	[sflag:s9] =	ssyncset.done $0x0  }
0x271: {  	[sflag:s9] =	ssyncadd.s32 $0xFFFFE000  }
0x272: {  	[hbm4b:s3+s6] =	stream.linear.scatter [tilespmem:s24], [sflag:$0xC], $0x2000, $0x38;
	[tilespmem:$0x1F180] =	vst v63  }
0x273: {  	s3 =	rddreg [dreg:$0x14]  }
0x274: {  	[tilespmem:s1], [sflag:$0x11] =	stream.linear.gather [spmem:s3], $0x400, $0x38;
	[tilespmem:$0x1F180] =	vst v63  }
0x275: {  	_ =	swait.ge [sflag:s9], $0x400  }
0x276: {  	[sflag:s9] =	ssyncset.done $0x0  }
0x277: {  	[sflag:s9] =	ssyncadd.s32 $0xFFFFFC00  }
0x278: {  	v4 =	vld.idx.msk [tilespmem:v0+s1+$0x0], $0xffff;
	_ =	sdelay $0x4  }
0x279: {  	[tilespmem:$0x1EFC0] =	vst v4  }
0x27a: {  	v4 =	vld.idx.msk [tilespmem:v1+s1+$0x0], $0xffff;
	_ =	sdelay $0x4  }
0x27b: {  	[tilespmem:$0x1EFD0] =	vst v4  }
0x27c: {  	v4 =	vld.idx.msk [tilespmem:v2+s1+$0x0], $0xffff;
	_ =	sdelay $0x4  }
0x27d: {  	[tilespmem:$0x1EFE0] =	vst v4  }
0x27e: {  	v4 =	vld.idx.msk [tilespmem:v3+s1+$0x0], $0xffff;
	_ =	sdelay $0x4  }
0x27f: {  	[tilespmem:$0x1EFF0] =	vst v4  }
0x280: {  	_ =	swait.ge [sflag:s7], $0x2000  }
0x281: {  	[sflag:s7] =	ssyncset.done $0x0  }
0x282: {  	s3 =	rddreg [dreg:$0x15];
	[sflag:s7] =	ssyncadd.s32 $0xFFFFE000  }
0x283: {  	[tilespmem:s16], [sflag:$0x11] =	stream.linear.gather [spmem:s3], $0x2000, $0x38;
	[tilespmem:$0x1F180] =	vst v63  }
0x284: {  	_ =	swait.ge [sflag:s9], $0x2000  }
0x285: {  	s3 =	sld [smem:$0x7ED]  }
0x286: {  	[sflag:s9] =	ssyncset.done $0x0  }
0x287: {  	[sflag:s9] =	ssyncadd.s32 $0xFFFFE000  }
0x288: {  	[hbm4b:s3+s6] =	stream.linear.scatter [tilespmem:s16], [sflag:$0x9], $0x2000, $0x38;
	[tilespmem:$0x1F180] =	vst v63  }
0x289: {  	s3 =	rddreg [dreg:$0x16]  }
0x28a: {  	[tilespmem:s1], [sflag:$0x11] =	stream.linear.gather [spmem:s3], $0x400, $0x38;
	[tilespmem:$0x1F180] =	vst v63  }
0x28b: {  	_ =	swait.ge [sflag:s9], $0x400  }
0x28c: {  	[sflag:s9] =	ssyncset.done $0x0  }
0x28d: {  	[sflag:s9] =	ssyncadd.s32 $0xFFFFFC00  }
0x28e: {  	v4 =	vld.idx.msk [tilespmem:v0+s1+$0x0], $0xffff;
	_ =	sdelay $0x4  }
0x28f: {  	[tilespmem:$0x1F000] =	vst v4  }
0x290: {  	v4 =	vld.idx.msk [tilespmem:v1+s1+$0x0], $0xffff;
	_ =	sdelay $0x4  }
0x291: {  	[tilespmem:$0x1F010] =	vst v4  }
0x292: {  	v4 =	vld.idx.msk [tilespmem:v2+s1+$0x0], $0xffff;
	_ =	sdelay $0x4  }
0x293: {  	[tilespmem:$0x1F020] =	vst v4  }
0x294: {  	v4 =	vld.idx.msk [tilespmem:v3+s1+$0x0], $0xffff;
	_ =	sdelay $0x4  }
0x295: {  	[tilespmem:$0x1F030] =	vst v4  }
0x296: {  	_ =	swait.ge [sflag:s31], $0x2000  }
0x297: {  	[sflag:s31] =	ssyncset.done $0x0  }
0x298: {  	s3 =	rddreg [dreg:$0x17];
	[sflag:s31] =	ssyncadd.s32 $0xFFFFE000  }
0x299: {  	[tilespmem:s18], [sflag:$0x11] =	stream.linear.gather [spmem:s3], $0x2000, $0x38;
	[tilespmem:$0x1F180] =	vst v63  }
0x29a: {  	_ =	swait.ge [sflag:s9], $0x2000  }
0x29b: {  	s3 =	sld [smem:$0x7EE]  }
0x29c: {  	[sflag:s9] =	ssyncset.done $0x0  }
0x29d: {  	[sflag:s9] =	ssyncadd.s32 $0xFFFFE000  }
0x29e: {  	[hbm4b:s3+s6] =	stream.linear.scatter [tilespmem:s18], [sflag:$0xA], $0x2000, $0x38;
	[tilespmem:$0x1F180] =	vst v63  }
0x29f: {  	s3 =	rddreg [dreg:$0x18]  }
0x2a0: {  	[tilespmem:s1], [sflag:$0x11] =	stream.linear.gather [spmem:s3], $0x400, $0x38;
	[tilespmem:$0x1F180] =	vst v63  }
0x2a1: {  	_ =	swait.ge [sflag:s9], $0x400  }
0x2a2: {  	[sflag:s9] =	ssyncset.done $0x0  }
0x2a3: {  	[sflag:s9] =	ssyncadd.s32 $0xFFFFFC00  }
0x2a4: {  	v4 =	vld.idx.msk [tilespmem:v0+s1+$0x0], $0xffff;
	_ =	sdelay $0x4  }
0x2a5: {  	[tilespmem:$0x1F040] =	vst v4  }
0x2a6: {  	v4 =	vld.idx.msk [tilespmem:v1+s1+$0x0], $0xffff;
	_ =	sdelay $0x4  }
0x2a7: {  	[tilespmem:$0x1F050] =	vst v4  }
0x2a8: {  	v4 =	vld.idx.msk [tilespmem:v2+s1+$0x0], $0xffff;
	_ =	sdelay $0x4  }
0x2a9: {  	[tilespmem:$0x1F060] =	vst v4  }
0x2aa: {  	v4 =	vld.idx.msk [tilespmem:v3+s1+$0x0], $0xffff;
	_ =	sdelay $0x4  }
0x2ab: {  	[tilespmem:$0x1F070] =	vst v4  }
0x2ac: {  	_ =	swait.ge [sflag:s11], $0x2000  }
0x2ad: {  	[sflag:s11] =	ssyncset.done $0x0  }
0x2ae: {  	s3 =	rddreg [dreg:$0x19];
	[sflag:s11] =	ssyncadd.s32 $0xFFFFE000  }
0x2af: {  	[tilespmem:s23], [sflag:$0x11] =	stream.linear.gather [spmem:s3], $0x2000, $0x38;
	[tilespmem:$0x1F180] =	vst v63  }
0x2b0: {  	_ =	swait.ge [sflag:s9], $0x2000  }
0x2b1: {  	s3 =	sld [smem:$0x7EF]  }
0x2b2: {  	[sflag:s9] =	ssyncset.done $0x0  }
0x2b3: {  	[sflag:s9] =	ssyncadd.s32 $0xFFFFE000  }
0x2b4: {  	[hbm4b:s3+s6] =	stream.linear.scatter [tilespmem:s23], [sflag:$0xB], $0x2000, $0x38;
	[tilespmem:$0x1F180] =	vst v63  }
0x2b5: {  	s23 =	rddreg [dreg:$0x1a]  }
0x2b6: {  	[tilespmem:s1], [sflag:$0x11] =	stream.linear.gather [spmem:s23], $0x400, $0x38;
	[tilespmem:$0x1F180] =	vst v63  }
0x2b7: {  	_ =	swait.ge [sflag:s9], $0x400  }
0x2b8: {  	[sflag:s9] =	ssyncset.done $0x0  }
0x2b9: {  	[sflag:s9] =	ssyncadd.s32 $0xFFFFFC00  }
0x2ba: {  	v4 =	vld.idx.msk [tilespmem:v0+s1+$0x0], $0xffff;
	_ =	sdelay $0x4  }
0x2bb: {  	[tilespmem:$0x1F080] =	vst v4  }
0x2bc: {  	v4 =	vld.idx.msk [tilespmem:v1+s1+$0x0], $0xffff;
	_ =	sdelay $0x4  }
0x2bd: {  	[tilespmem:$0x1F090] =	vst v4  }
0x2be: {  	v4 =	vld.idx.msk [tilespmem:v2+s1+$0x0], $0xffff;
	_ =	sdelay $0x4  }
0x2bf: {  	[tilespmem:$0x1F0A0] =	vst v4  }
0x2c0: {  	v4 =	vld.idx.msk [tilespmem:v3+s1+$0x0], $0xffff;
	_ =	sdelay $0x4  }
0x2c1: {  	[tilespmem:$0x1F0B0] =	vst v4  }
0x2c2: {  	_ =	swait.ge [sflag:s13], $0x2000  }
0x2c3: {  	[sflag:s13] =	ssyncset.done $0x0  }
0x2c4: {  	s3 =	rddreg [dreg:$0x1b];
	[sflag:s13] =	ssyncadd.s32 $0xFFFFE000  }
0x2c5: {  	[tilespmem:s24], [sflag:$0x11] =	stream.linear.gather [spmem:s3], $0x2000, $0x38;
	[tilespmem:$0x1F180] =	vst v63  }
0x2c6: {  	_ =	swait.ge [sflag:s9], $0x2000  }
0x2c7: {  	s23 =	smov.u32 s3;
	s3 =	sld [smem:$0x7F0]  }
0x2c8: {  	[sflag:s9] =	ssyncset.done $0x0  }
0x2c9: {  	[sflag:s9] =	ssyncadd.s32 $0xFFFFE000  }
0x2ca: {  	[hbm4b:s3+s6] =	stream.linear.scatter [tilespmem:s24], [sflag:$0xC], $0x2000, $0x38;
	[tilespmem:$0x1F180] =	vst v63  }
0x2cb: {  	s24 =	rddreg [dreg:$0x1c]  }
0x2cc: {  	[tilespmem:s1], [sflag:$0x11] =	stream.linear.gather [spmem:s24], $0x400, $0x38;
	[tilespmem:$0x1F180] =	vst v63  }
0x2cd: {  	_ =	swait.ge [sflag:s9], $0x400  }
0x2ce: {  	[sflag:s9] =	ssyncset.done $0x0  }
0x2cf: {  	[sflag:s9] =	ssyncadd.s32 $0xFFFFFC00  }
0x2d0: {  	v4 =	vld.idx.msk [tilespmem:v0+s1+$0x0], $0xffff;
	_ =	sdelay $0x4  }
0x2d1: {  	[tilespmem:$0x1F0C0] =	vst v4  }
0x2d2: {  	v4 =	vld.idx.msk [tilespmem:v1+s1+$0x0], $0xffff;
	_ =	sdelay $0x4  }
0x2d3: {  	[tilespmem:$0x1F0D0] =	vst v4  }
0x2d4: {  	v4 =	vld.idx.msk [tilespmem:v2+s1+$0x0], $0xffff;
	_ =	sdelay $0x4  }
0x2d5: {  	[tilespmem:$0x1F0E0] =	vst v4  }
0x2d6: {  	v4 =	vld.idx.msk [tilespmem:v3+s1+$0x0], $0xffff;
	_ =	sdelay $0x4  }
0x2d7: {  	[tilespmem:$0x1F0F0] =	vst v4  }
0x2d8: {  	_ =	swait.ge [sflag:s7], $0x2000  }
0x2d9: {  	[sflag:s7] =	ssyncset.done $0x0  }
0x2da: {  	s24 =	rddreg [dreg:$0x1d];
	[sflag:s7] =	ssyncadd.s32 $0xFFFFE000  }
0x2db: {  	[tilespmem:s16], [sflag:$0x11] =	stream.linear.gather [spmem:s24], $0x2000, $0x38;
	[tilespmem:$0x1F180] =	vst v63  }
0x2dc: {  	_ =	swait.ge [sflag:s9], $0x2000  }
0x2dd: {  	s24 =	sld [smem:$0x7F1]  }
0x2de: {  	[sflag:s9] =	ssyncset.done $0x0  }
0x2df: {  	[sflag:s9] =	ssyncadd.s32 $0xFFFFE000  }
0x2e0: {  	[hbm4b:s24+s6] =	stream.linear.scatter [tilespmem:s16], [sflag:$0x9], $0x2000, $0x38;
	[tilespmem:$0x1F180] =	vst v63  }
0x2e1: {  	s16 =	rddreg [dreg:$0x1e]  }
0x2e2: {  	[tilespmem:s1], [sflag:$0x11] =	stream.linear.gather [spmem:s16], $0x400, $0x38;
	[tilespmem:$0x1F180] =	vst v63  }
0x2e3: {  	_ =	swait.ge [sflag:s9], $0x400  }
0x2e4: {  	[sflag:s9] =	ssyncset.done $0x0  }
0x2e5: {  	[sflag:s9] =	ssyncadd.s32 $0xFFFFFC00  }
0x2e6: {  	v4 =	vld.idx.msk [tilespmem:v0+s1+$0x0], $0xffff;
	_ =	sdelay $0x4  }
0x2e7: {  	[tilespmem:$0x1F100] =	vst v4  }
0x2e8: {  	v4 =	vld.idx.msk [tilespmem:v1+s1+$0x0], $0xffff;
	_ =	sdelay $0x4  }
0x2e9: {  	[tilespmem:$0x1F110] =	vst v4  }
0x2ea: {  	v4 =	vld.idx.msk [tilespmem:v2+s1+$0x0], $0xffff;
	_ =	sdelay $0x4  }
0x2eb: {  	[tilespmem:$0x1F120] =	vst v4  }
0x2ec: {  	v4 =	vld.idx.msk [tilespmem:v3+s1+$0x0], $0xffff;
	_ =	sdelay $0x4  }
0x2ed: {  	[tilespmem:$0x1F130] =	vst v4  }
0x2ee: {  	_ =	swait.ge [sflag:s31], $0x2000  }
0x2ef: {  	[sflag:s31] =	ssyncset.done $0x0  }
0x2f0: {  	s24 =	rddreg [dreg:$0x1f];
	[sflag:s31] =	ssyncadd.s32 $0xFFFFE000  }
0x2f1: {  	[tilespmem:s18], [sflag:$0x11] =	stream.linear.gather [spmem:s24], $0x2000, $0x38;
	[tilespmem:$0x1F180] =	vst v63  }
0x2f2: {  	_ =	swait.ge [sflag:s9], $0x2000  }
0x2f3: {  	s3 =	sld [smem:$0x7F2]  }
0x2f4: {  	[sflag:s9] =	ssyncset.done $0x0  }
0x2f5: {  	s28 =	sld [smem:$0x7FD];
	[sflag:s9] =	ssyncadd.s32 $0xFFFFE000  }
0x2f6: {  	[hbm4b:s3+s6] =	stream.linear.scatter [tilespmem:s18], [sflag:$0xA], $0x2000, $0x38;
	[tilespmem:$0x1F180] =	vst v63  }
0x2f7: {  	_ = 	snop  }
0x2f8: {  	[tilespmem:s1], [sflag:$0x11] =	stream.linear.gather [spmem:s28], $0x400, $0x38;
	[tilespmem:$0x1F180] =	vst v63  }
0x2f9: {  	_ =	swait.ge [sflag:s9], $0x400  }
0x2fa: {  	[sflag:s9] =	ssyncset.done $0x0  }
0x2fb: {  	[sflag:s9] =	ssyncadd.s32 $0xFFFFFC00  }
0x2fc: {  	v4 =	vld.idx.msk [tilespmem:v0+s1+$0x0], $0xffff;
	_ =	sdelay $0x4  }
0x2fd: {  	[tilespmem:$0x1F140] =	vst v4  }
0x2fe: {  	v4 =	vld.idx.msk [tilespmem:v1+s1+$0x0], $0xffff;
	_ =	sdelay $0x4  }
0x2ff: {  	[tilespmem:$0x1F150] =	vst v4  }
0x300: {  	v4 =	vld.idx.msk [tilespmem:v2+s1+$0x0], $0xffff;
	_ =	sdelay $0x4  }
0x301: {  	[tilespmem:$0x1F160] =	vst v4  }
0x302: {  	v4 =	vld.idx.msk [tilespmem:v3+s1+$0x0], $0xffff;
	_ =	sdelay $0x4  }
0x303: {  	[tilespmem:$0x1F170] =	vst v4  }
0x304: {  	_ =	swait.ge [sflag:s11], $0x2000  }
0x305: {  	[sflag:s11] =	ssyncset.done $0x0  }
0x306: {  	[sflag:s11] =	ssyncadd.s32 $0xFFFFE000  }
0x307: {  	_ =	swait.ge [sflag:s13], $0x2000  }
0x308: {  	[sflag:s13] =	ssyncset.done $0x0  }
0x309: {  	[sflag:s13] =	ssyncadd.s32 $0xFFFFE000  }
0x30a: {  	_ =	swait.ge [sflag:s7], $0x2000  }
0x30b: {  	[sflag:s7] =	ssyncset.done $0x0  }
0x30c: {  	[sflag:s7] =	ssyncadd.s32 $0xFFFFE000  }
0x30d: {  	_ =	swait.ge [sflag:s31], $0x2000  }
0x30e: {  	s3 =	sld [smem:$0x7F3]  }
0x30f: {  	[sflag:s31] =	ssyncset.done $0x0  }
0x310: {  	s18 =	simm.s32 $0x1EF00;
	[sflag:s31] =	ssyncadd.s32 $0xFFFFE000  }
0x311: {  	[hbm4b:s3+s6] =	stream.linear.scatter [tilespmem:s18], [sflag:$0x11], $0x280, $0x38;
	[tilespmem:$0x1F180] =	vst v63  }
0x312: {  	_ =	swait.ge [sflag:s9], $0x280  }
0x313: {  	s30 =	sld [smem:$0x7E8]  }
0x314: {  	[sflag:s9] =	ssyncset.done $0x0;
	s9 =	sld [smem:$0x7F4];
	_ =	sdelay $0x1  }
0x315: {  	s30 =	sadd.s32 $0x1, s30  }
0x316: {  	p0 =	sne.s32 s30, s9  }
.Ltmp1:
0x317: {  	_ = 	snop;
	(pc) =	sbr.rel @p0 .LBB2_1-.Ltmp1, $3  }
0x318: {  	_ =	sdelay $0x1  }
0x319: {  	s18 =	simm.s32 $0x11  }
0x31a: {  	[sflag:s18] =	ssyncadd.s32 $0xFFFFFD80;
	s18 =	simm.s32 $0x16900  }
0x31b: {  	_ =	sfence.sel $0x180000  }
0x31c: {  	[bflag:$0x0] =	sbarrier.arrive $0xFFFF  }
0x31d: {  	_ =	strace $0x90000047  }
0x31e: {  	s0 =	stileid.u32;
	[bflag:$0x2] =	sbarrier.arrive $0xFFFF  }
0x31f: {  	p0 =	sne.s32 s0, $0x0;
	s0 =	rddreg [dreg:$0x5]  }
0x320: {  	s0 =	sadd.s32 @!p0 $0x100000, s0  }
0x321: {  	[sflag:s0] =	ssyncadd.tile.s32 @!p0 $0x1;
	_ =	shalt  }
.Lfunc_end2:
_tile_overlayer_lowered:
.L_overlay_start_2:
0x322: {  	(tag) =	ssettag $0x2  }
0x323: {  	s0 =	rddreg [dreg:$0x0];
	s2 =	stileid.u32  }
0x324: {  	s1 =	rddreg [dreg:$0x1];
	p0 =	sne.s32 s2, $0x0  }
0x325: {  	s3 =	rddreg [dreg:$0x2];
	[bflag:$0x3] =	sbarrier.arrive $0xFFFF;
	s2 =	simm.s32 @!p0 $0x1C11  }
0x326: {  	[timem:s3], [sflag:s2] =	dma.local @!p0 [hbm:s0], s1  }
0x327: {  	s0 =	simm.s32 @!p0 $0x11  }
0x328: {  	_ =	swait.ge @!p0 [sflag:s0], s1  }
0x329: {  	s1 =	ssub.s32 @!p0 $0x0, s1;
	[sflag:s0] =	ssyncset.done @!p0 $0x0  }
0x32a: {  	[sflag:s0] =	ssyncadd.s32 @!p0 s1  }
0x32b: {  	[bflag:$0x3] =	sbarrier.arrive $0xFFFF  }
0x32c: {  	_ =	shalt  }

</sc_bundles>
